<compile_context>
chip_gen: v7x
topology: tpu7x:2x2x1
jax: 0.10.2.dev20260603
libtpu: 0.0.44.dev20260713+nightly
codegen_flags: <defaults>
</compile_context>

<pallas_src>
import jax
import jax.numpy as jnp
from jax import lax
from jax.experimental import pallas as pl
from jax.experimental.pallas import tpu as pltpu
from jax.experimental.pallas import tpu_sc as plsc

N = 10000
E = 160000
D = 256

NC = 2
NS = 16
NW = NC * NS
OWN = 320
DUMMY = OWN
ACC_ROWS = OWN + 1
CE = 3200
NQ = E // CE
NP = NQ // 2
NGR = CE // 16
NB = NGR // 8
GB = 128
PEND = 256
OUT_ROWS = NW * OWN


def _sc_body(x_ref, src_ref, dst_ref, agg_out, deg_out,
             src0, dst0, src1, dst1, pend, gidx, rows_v, acc, dega,
             sem, semA, semB):
    c = lax.axis_index("c")
    s = lax.axis_index("s")
    w = s * NC + c
    lo = w * OWN

    zf = jnp.zeros((16,), jnp.float32)
    zi = jnp.zeros((16,), jnp.int32)
    oneh = (lax.iota(jnp.int32, 16) < 1).astype(jnp.int32)
    dummy_v = jnp.full((16,), DUMMY * 16384, jnp.int32)

    def zacc(r, carry):
        for k in range(D // 16):
            acc[r, pl.ds(k * 16, 16)] = zf
        return carry
    lax.fori_loop(0, ACC_ROWS, zacc, 0)
    for k in range(352 // 16):
        dega[pl.ds(k * 16, 16)] = zi

    def flush(base):
        for kk in range(GB // 16):
            v = pend[pl.ds(base + kk * 16, 16)]
            gidx[pl.ds(kk * 16, 16)] = v & 16383
        pltpu.async_copy(x_ref.at[gidx], rows_v, sem).wait()

        def accrow(r, carry):
            ldst = pend[pl.ds(base + r, 16)][0] >> 14
            for k in range(D // 16):
                plsc.addupdate(acc.at[ldst, pl.ds(k * 16, 16)],
                               rows_v[r, pl.ds(k * 16, 16)])
            plsc.addupdate(dega.at[pl.ds(ldst, 16)], oneh)
            return carry
        lax.fori_loop(0, GB, accrow, 0)

    def load(q, sbuf, dbuf, sm):
        pltpu.async_copy(src_ref.at[pl.ds(q * CE, CE)], sbuf, sm)
        pltpu.async_copy(dst_ref.at[pl.ds(q * CE, CE)], dbuf, sm)

    def loadwait(q, sbuf, dbuf, sm):
        pltpu.make_async_copy(src_ref.at[pl.ds(q * CE, CE)], sbuf, sm).wait()
        pltpu.make_async_copy(dst_ref.at[pl.ds(q * CE, CE)], dbuf, sm).wait()

    def scan_buffer(src_v, dst_v, cnt):
        def block(bi, cnt):
            srts, hs = [], []
            for g in range(8):
                i = bi * 8 + g
                vd = dst_v[pl.ds(i * 16, 16)]
                vs = src_v[pl.ds(i * 16, 16)]
                d2 = vd - lo
                d2u = d2.astype(jnp.uint32)
                h = plsc.all_reduce_population_count(d2u < jnp.uint32(OWN))[0]
                ldst = jnp.minimum(d2u, jnp.uint32(DUMMY)).astype(jnp.int32)
                packed = ldst * 16384 + vs
                _, srt = plsc.sort_key_val(packed, packed)
                srts.append(srt)
                hs.append(h)
            for g in range(8):
                pend[pl.ds(cnt, 16)] = srts[g]
                cnt = cnt + hs[g]

            @pl.when(cnt >= GB)
            def _():
                flush(0)
                for k in range(8):
                    pend[pl.ds(k * 16, 16)] = pend[pl.ds(GB + k * 16, 16)]
            cnt = jnp.where(cnt >= GB, cnt - GB, cnt)
            return cnt
        return lax.fori_loop(0, NB, block, cnt)

    load(0, src0, dst0, semA)

    def pair(p, cnt):
        q0 = 2 * p
        loadwait(q0, src0, dst0, semA)
        load(q0 + 1, src1, dst1, semB)
        cnt = scan_buffer(src0, dst0, cnt)
        loadwait(q0 + 1, src1, dst1, semB)

        @pl.when(p < NP - 1)
        def _():
            load(q0 + 2, src0, dst0, semA)
        cnt = scan_buffer(src1, dst1, cnt)
        return cnt

    cnt = lax.fori_loop(0, NP, pair, jnp.int32(0))

    for k in range(GB // 16):
        pend[pl.ds(cnt + k * 16, 16)] = dummy_v

    @pl.when(cnt > 0)
    def _():
        flush(0)

    pltpu.sync_copy(acc.at[pl.ds(0, OWN)], agg_out.at[pl.ds(lo, OWN)])
    pltpu.sync_copy(dega.at[pl.ds(0, OWN)], deg_out.at[pl.ds(lo, OWN)])


_sc_aggregate = pl.kernel(
    _sc_body,
    out_type=(
        jax.ShapeDtypeStruct((OUT_ROWS, D), jnp.float32),
        jax.ShapeDtypeStruct((OUT_ROWS,), jnp.int32),
    ),
    mesh=plsc.VectorSubcoreMesh(core_axis_name="c", subcore_axis_name="s"),
    compiler_params=pltpu.CompilerParams(needs_layout_passes=False),
    scratch_types=(
        pltpu.VMEM((CE,), jnp.int32),
        pltpu.VMEM((CE,), jnp.int32),
        pltpu.VMEM((CE,), jnp.int32),
        pltpu.VMEM((CE,), jnp.int32),
        pltpu.VMEM((PEND,), jnp.int32),
        pltpu.VMEM((GB,), jnp.int32),
        pltpu.VMEM((GB, D), jnp.float32),
        pltpu.VMEM((ACC_ROWS, D), jnp.float32),
        pltpu.VMEM((352,), jnp.int32),
        pltpu.SemaphoreType.DMA,
        pltpu.SemaphoreType.DMA,
        pltpu.SemaphoreType.DMA,
    ),
)


BN = 400


def _tc_body(deg_ref, agg_ref, w_ref, b_ref, g_ref, be_ref, o_ref):
    d = deg_ref[...].astype(jnp.float32)
    a = agg_ref[...]
    h = a / jnp.maximum(d, 1.0)
    h = jnp.dot(h, w_ref[...], preferred_element_type=jnp.float32)
    h = h + b_ref[...]
    mu = jnp.mean(h, axis=1, keepdims=True)
    var = jnp.mean((h - mu) ** 2, axis=1, keepdims=True)
    h = (h - mu) * lax.rsqrt(var + 1e-5)
    h = h * g_ref[...] + be_ref[...]
    o_ref[...] = jnp.maximum(h, 0.0)


def _tc_dense(degp, aggp, W, b, gamma, beta):
    return pl.pallas_call(
        _tc_body,
        grid=(N // BN,),
        in_specs=[
            pl.BlockSpec((BN, 1), lambda i: (i, 0)),
            pl.BlockSpec((BN, D), lambda i: (i, 0)),
            pl.BlockSpec((D, D), lambda i: (0, 0)),
            pl.BlockSpec((1, D), lambda i: (0, 0)),
            pl.BlockSpec((1, D), lambda i: (0, 0)),
            pl.BlockSpec((1, D), lambda i: (0, 0)),
        ],
        out_specs=pl.BlockSpec((BN, D), lambda i: (i, 0)),
        out_shape=jax.ShapeDtypeStruct((N, D), jnp.float32),
    )(degp, aggp, W, b, gamma, beta)


def kernel(x, edge_index, W, b, gamma, beta):
    src = edge_index[0]
    dst = edge_index[1]
    aggp, degp = _sc_aggregate(x, src, dst)
    return _tc_dense(degp[:, None], aggp, W,
                     b[None, :], gamma[None, :], beta[None, :])

# --- scband reference (transcript-rebuilt; emitter-appended) ---
"""Pipeline reference for scband-conv-block-7902739824903 (READ-ONLY COPY).

The authoritative reference and input builder live on the scoring server;
editing this copy changes nothing except your own understanding.
"""

import jax, jax.numpy as jnp
import numpy as np

N_NODES = 10000
N_EDGES = 160000
D_FEAT = 256


def setup_inputs(seed: int = 0) -> dict:
    key = jax.random.key(seed)
    k1, k2, k3 = jax.random.split(key, 3)
    x = jax.random.normal(k1, (N_NODES, D_FEAT), dtype=jnp.float32)
    edge_index = jax.random.randint(k2, (2, N_EDGES), 0, N_NODES, dtype=jnp.int32)
    W = jax.random.normal(k3, (D_FEAT, D_FEAT), dtype=jnp.float32) * (1.0 / np.sqrt(D_FEAT))
    b = jnp.zeros((D_FEAT,), dtype=jnp.float32)
    gamma = jnp.ones((D_FEAT,), dtype=jnp.float32)
    beta = jnp.zeros((D_FEAT,), dtype=jnp.float32)
    return {"x": x, "edge_index": edge_index, "W": W, "b": b, "gamma": gamma, "beta": beta}


def reference(x, edge_index, W, b, gamma, beta):
    # ConvBlock.forward: conv(graph, features) -> norm -> act -> dropout(identity at eval)
    # conv = mean-aggregation GraphConv with dense projection (in=out=256)
    N = x.shape[0]
    src = edge_index[0]
    dst = edge_index[1]
    # message passing: gather source features, scatter-add to destination nodes
    msgs = jnp.take(x, src, axis=0)
    agg = jax.ops.segment_sum(msgs, dst, num_segments=N)
    deg = jax.ops.segment_sum(jnp.ones((src.shape[0],), dtype=x.dtype), dst, num_segments=N)
    h = agg / jnp.maximum(deg, 1.0)[:, None]
    # dense projection (conv weight)
    h = h @ W + b
    # norms: LayerNorm over feature dim
    mu = jnp.mean(h, axis=-1, keepdims=True)
    var = jnp.var(h, axis=-1, keepdims=True)
    h = (h - mu) / jnp.sqrt(var + 1e-5) * gamma + beta
    # act: ReLU
    h = jax.nn.relu(h)
    # dropout: identity (eval mode / p=0.0)
    return h

if __name__ == "__main__":
    import jax
    _d = setup_inputs()
    print(jax.jit(kernel)(*tuple(_d.values())))

</pallas_src>

<mosaic_0001>
#map = affine_map<(d0, d1) -> (0, 0)>
#map1 = affine_map<(d0, d1) -> (0)>
module attributes {stable_mosaic.version = 14 : i64} {
  func.func @_sc_body(%arg0: i32, %arg1: i32, %arg2: memref<10000x256xf32, #tpu.memory_space<hbm>>, %arg3: memref<160000xi32, #tpu.memory_space<hbm>>, %arg4: memref<160000xi32, #tpu.memory_space<hbm>>, %arg5: memref<10240x256xf32, #tpu.memory_space<hbm>>, %arg6: memref<10240xi32, #tpu.memory_space<hbm>>, %arg7: memref<3200xi32, #tpu.memory_space<vmem>>, %arg8: memref<3200xi32, #tpu.memory_space<vmem>>, %arg9: memref<3200xi32, #tpu.memory_space<vmem>>, %arg10: memref<3200xi32, #tpu.memory_space<vmem>>, %arg11: memref<256xi32, #tpu.memory_space<vmem>>, %arg12: memref<128xi32, #tpu.memory_space<vmem>>, %arg13: memref<128x256xf32, #tpu.memory_space<vmem>>, %arg14: memref<321x256xf32, #tpu.memory_space<vmem>>, %arg15: memref<352xi32, #tpu.memory_space<vmem>>, %arg16: memref<!tpu.dma_semaphore, #tpu.memory_space<semaphore_mem>>, %arg17: memref<!tpu.dma_semaphore, #tpu.memory_space<semaphore_mem>>, %arg18: memref<!tpu.dma_semaphore, #tpu.memory_space<semaphore_mem>>) attributes {dimension_semantics = [#tpu.dimension_semantics<core_parallel>, #tpu.dimension_semantics<subcore_parallel>], iteration_bounds = array<i64: 2, 16>, scalar_prefetch = 0 : i64, scratch_operands = 12 : i64, tpu.core_type = #tpu.core_type<sc_vector_subcore>, window_params = [{transform_indices = #map}, {transform_indices = #map1}, {transform_indices = #map1}, {transform_indices = #map}, {transform_indices = #map1}]} {
    %mul3A = arith.constant 2 : i32
    %mul3A_0 = arith.muli %arg1, %mul3A : i32
    %add3A = arith.addi %mul3A_0, %arg0 : i32
    %mul3A_1 = arith.constant 320 : i32
    %mul3A_2 = arith.muli %add3A, %mul3A_1 : i32
    %broadcast_in_dim3A = arith.constant 0.000000e+00 : f32
    %broadcast_in_dim3A_3 = vector.broadcast %broadcast_in_dim3A : f32 to vector<16xf32>
    %broadcast_in_dim3A_4 = arith.constant 0 : i32
    %broadcast_in_dim3A_5 = vector.broadcast %broadcast_in_dim3A_4 : i32 to vector<16xi32>
    %iota3A = tpu.iota {dimensions = array<i32: 0>} : vector<16xi32>
    %lt3A = arith.constant 1 : i32
    %lt3A_6 = vector.broadcast %lt3A : i32 to vector<16xi32>
    %lt3A_7 = arith.cmpi slt, %iota3A, %lt3A_6 : vector<16xi32>
    %convert_element_type3A = arith.extui %lt3A_7 : vector<16xi1> to vector<16xi32>
    %broadcast_in_dim3A_8 = arith.constant 5242880 : i32
    %broadcast_in_dim3A_9 = vector.broadcast %broadcast_in_dim3A_8 : i32 to vector<16xi32>
    %scan3A = arith.constant 0 : i32
    %scan3A_10 = arith.constant 0 : i32
    %scan3A_11 = arith.constant 321 : i32
    %scan3A_12 = arith.addi %scan3A_10, %scan3A_11 : i32
    %scan3A_13 = arith.constant 1 : i32
    scf.for %scan3A_107 = %scan3A_10 to %scan3A_12 step %scan3A_13  : i32 {
      %swap3A_108 = arith.index_cast %scan3A_107 : i32 to index
      %swap3A_109 = arith.constant 0 : index
      %swap3A_110 = tpu.vector_load %arg14[%swap3A_108, %swap3A_109] {strides = array<i32>} : memref<321x256xf32, #tpu.memory_space<vmem>>, vector<16xf32>,
      tpu.vector_store %arg14[%swap3A_108, %swap3A_109], %broadcast_in_dim3A_3 {strides = array<i32>} : memref<321x256xf32, #tpu.memory_space<vmem>>, vector<16xf32>,
      %swap3A_111 = arith.index_cast %scan3A_107 : i32 to index
      %swap3A_112 = arith.constant 16 : index
      %swap3A_113 = tpu.vector_load %arg14[%swap3A_111, %swap3A_112] {strides = array<i32>} : memref<321x256xf32, #tpu.memory_space<vmem>>, vector<16xf32>,
      tpu.vector_store %arg14[%swap3A_111, %swap3A_112], %broadcast_in_dim3A_3 {strides = array<i32>} : memref<321x256xf32, #tpu.memory_space<vmem>>, vector<16xf32>,
      %swap3A_114 = arith.index_cast %scan3A_107 : i32 to index
      %swap3A_115 = arith.constant 32 : index
      %swap3A_116 = tpu.vector_load %arg14[%swap3A_114, %swap3A_115] {strides = array<i32>} : memref<321x256xf32, #tpu.memory_space<vmem>>, vector<16xf32>,
      tpu.vector_store %arg14[%swap3A_114, %swap3A_115], %broadcast_in_dim3A_3 {strides = array<i32>} : memref<321x256xf32, #tpu.memory_space<vmem>>, vector<16xf32>,
      %swap3A_117 = arith.index_cast %scan3A_107 : i32 to index
      %swap3A_118 = arith.constant 48 : index
      %swap3A_119 = tpu.vector_load %arg14[%swap3A_117, %swap3A_118] {strides = array<i32>} : memref<321x256xf32, #tpu.memory_space<vmem>>, vector<16xf32>,
      tpu.vector_store %arg14[%swap3A_117, %swap3A_118], %broadcast_in_dim3A_3 {strides = array<i32>} : memref<321x256xf32, #tpu.memory_space<vmem>>, vector<16xf32>,
      %swap3A_120 = arith.index_cast %scan3A_107 : i32 to index
      %swap3A_121 = arith.constant 64 : index
      %swap3A_122 = tpu.vector_load %arg14[%swap3A_120, %swap3A_121] {strides = array<i32>} : memref<321x256xf32, #tpu.memory_space<vmem>>, vector<16xf32>,
      tpu.vector_store %arg14[%swap3A_120, %swap3A_121], %broadcast_in_dim3A_3 {strides = array<i32>} : memref<321x256xf32, #tpu.memory_space<vmem>>, vector<16xf32>,
      %swap3A_123 = arith.index_cast %scan3A_107 : i32 to index
      %swap3A_124 = arith.constant 80 : index
      %swap3A_125 = tpu.vector_load %arg14[%swap3A_123, %swap3A_124] {strides = array<i32>} : memref<321x256xf32, #tpu.memory_space<vmem>>, vector<16xf32>,
      tpu.vector_store %arg14[%swap3A_123, %swap3A_124], %broadcast_in_dim3A_3 {strides = array<i32>} : memref<321x256xf32, #tpu.memory_space<vmem>>, vector<16xf32>,
      %swap3A_126 = arith.index_cast %scan3A_107 : i32 to index
      %swap3A_127 = arith.constant 96 : index
      %swap3A_128 = tpu.vector_load %arg14[%swap3A_126, %swap3A_127] {strides = array<i32>} : memref<321x256xf32, #tpu.memory_space<vmem>>, vector<16xf32>,
      tpu.vector_store %arg14[%swap3A_126, %swap3A_127], %broadcast_in_dim3A_3 {strides = array<i32>} : memref<321x256xf32, #tpu.memory_space<vmem>>, vector<16xf32>,
      %swap3A_129 = arith.index_cast %scan3A_107 : i32 to index
      %swap3A_130 = arith.constant 112 : index
      %swap3A_131 = tpu.vector_load %arg14[%swap3A_129, %swap3A_130] {strides = array<i32>} : memref<321x256xf32, #tpu.memory_space<vmem>>, vector<16xf32>,
      tpu.vector_store %arg14[%swap3A_129, %swap3A_130], %broadcast_in_dim3A_3 {strides = array<i32>} : memref<321x256xf32, #tpu.memory_space<vmem>>, vector<16xf32>,
      %swap3A_132 = arith.index_cast %scan3A_107 : i32 to index
      %swap3A_133 = arith.constant 128 : index
      %swap3A_134 = tpu.vector_load %arg14[%swap3A_132, %swap3A_133] {strides = array<i32>} : memref<321x256xf32, #tpu.memory_space<vmem>>, vector<16xf32>,
      tpu.vector_store %arg14[%swap3A_132, %swap3A_133], %broadcast_in_dim3A_3 {strides = array<i32>} : memref<321x256xf32, #tpu.memory_space<vmem>>, vector<16xf32>,
      %swap3A_135 = arith.index_cast %scan3A_107 : i32 to index
      %swap3A_136 = arith.constant 144 : index
      %swap3A_137 = tpu.vector_load %arg14[%swap3A_135, %swap3A_136] {strides = array<i32>} : memref<321x256xf32, #tpu.memory_space<vmem>>, vector<16xf32>,
      tpu.vector_store %arg14[%swap3A_135, %swap3A_136], %broadcast_in_dim3A_3 {strides = array<i32>} : memref<321x256xf32, #tpu.memory_space<vmem>>, vector<16xf32>,
      %swap3A_138 = arith.index_cast %scan3A_107 : i32 to index
      %swap3A_139 = arith.constant 160 : index
      %swap3A_140 = tpu.vector_load %arg14[%swap3A_138, %swap3A_139] {strides = array<i32>} : memref<321x256xf32, #tpu.memory_space<vmem>>, vector<16xf32>,
      tpu.vector_store %arg14[%swap3A_138, %swap3A_139], %broadcast_in_dim3A_3 {strides = array<i32>} : memref<321x256xf32, #tpu.memory_space<vmem>>, vector<16xf32>,
      %swap3A_141 = arith.index_cast %scan3A_107 : i32 to index
      %swap3A_142 = arith.constant 176 : index
      %swap3A_143 = tpu.vector_load %arg14[%swap3A_141, %swap3A_142] {strides = array<i32>} : memref<321x256xf32, #tpu.memory_space<vmem>>, vector<16xf32>,
      tpu.vector_store %arg14[%swap3A_141, %swap3A_142], %broadcast_in_dim3A_3 {strides = array<i32>} : memref<321x256xf32, #tpu.memory_space<vmem>>, vector<16xf32>,
      %swap3A_144 = arith.index_cast %scan3A_107 : i32 to index
      %swap3A_145 = arith.constant 192 : index
      %swap3A_146 = tpu.vector_load %arg14[%swap3A_144, %swap3A_145] {strides = array<i32>} : memref<321x256xf32, #tpu.memory_space<vmem>>, vector<16xf32>,
      tpu.vector_store %arg14[%swap3A_144, %swap3A_145], %broadcast_in_dim3A_3 {strides = array<i32>} : memref<321x256xf32, #tpu.memory_space<vmem>>, vector<16xf32>,
      %swap3A_147 = arith.index_cast %scan3A_107 : i32 to index
      %swap3A_148 = arith.constant 208 : index
      %swap3A_149 = tpu.vector_load %arg14[%swap3A_147, %swap3A_148] {strides = array<i32>} : memref<321x256xf32, #tpu.memory_space<vmem>>, vector<16xf32>,
      tpu.vector_store %arg14[%swap3A_147, %swap3A_148], %broadcast_in_dim3A_3 {strides = array<i32>} : memref<321x256xf32, #tpu.memory_space<vmem>>, vector<16xf32>,
      %swap3A_150 = arith.index_cast %scan3A_107 : i32 to index
      %swap3A_151 = arith.constant 224 : index
      %swap3A_152 = tpu.vector_load %arg14[%swap3A_150, %swap3A_151] {strides = array<i32>} : memref<321x256xf32, #tpu.memory_space<vmem>>, vector<16xf32>,
      tpu.vector_store %arg14[%swap3A_150, %swap3A_151], %broadcast_in_dim3A_3 {strides = array<i32>} : memref<321x256xf32, #tpu.memory_space<vmem>>, vector<16xf32>,
      %swap3A_153 = arith.index_cast %scan3A_107 : i32 to index
      %swap3A_154 = arith.constant 240 : index
      %swap3A_155 = tpu.vector_load %arg14[%swap3A_153, %swap3A_154] {strides = array<i32>} : memref<321x256xf32, #tpu.memory_space<vmem>>, vector<16xf32>,
      tpu.vector_store %arg14[%swap3A_153, %swap3A_154], %broadcast_in_dim3A_3 {strides = array<i32>} : memref<321x256xf32, #tpu.memory_space<vmem>>, vector<16xf32>,
    }
    %scan3A_14 = arith.constant 321 : i32
    %swap3A = arith.constant 0 : index
    %swap3A_15 = tpu.vector_load %arg15[%swap3A] {strides = array<i32>} : memref<352xi32, #tpu.memory_space<vmem>>, vector<16xi32>,
    tpu.vector_store %arg15[%swap3A], %broadcast_in_dim3A_5 {strides = array<i32>} : memref<352xi32, #tpu.memory_space<vmem>>, vector<16xi32>,
    %swap3A_16 = arith.constant 16 : index
    %swap3A_17 = tpu.vector_load %arg15[%swap3A_16] {strides = array<i32>} : memref<352xi32, #tpu.memory_space<vmem>>, vector<16xi32>,
    tpu.vector_store %arg15[%swap3A_16], %broadcast_in_dim3A_5 {strides = array<i32>} : memref<352xi32, #tpu.memory_space<vmem>>, vector<16xi32>,
    %swap3A_18 = arith.constant 32 : index
    %swap3A_19 = tpu.vector_load %arg15[%swap3A_18] {strides = array<i32>} : memref<352xi32, #tpu.memory_space<vmem>>, vector<16xi32>,
    tpu.vector_store %arg15[%swap3A_18], %broadcast_in_dim3A_5 {strides = array<i32>} : memref<352xi32, #tpu.memory_space<vmem>>, vector<16xi32>,
    %swap3A_20 = arith.constant 48 : index
    %swap3A_21 = tpu.vector_load %arg15[%swap3A_20] {strides = array<i32>} : memref<352xi32, #tpu.memory_space<vmem>>, vector<16xi32>,
    tpu.vector_store %arg15[%swap3A_20], %broadcast_in_dim3A_5 {strides = array<i32>} : memref<352xi32, #tpu.memory_space<vmem>>, vector<16xi32>,
    %swap3A_22 = arith.constant 64 : index
    %swap3A_23 = tpu.vector_load %arg15[%swap3A_22] {strides = array<i32>} : memref<352xi32, #tpu.memory_space<vmem>>, vector<16xi32>,
    tpu.vector_store %arg15[%swap3A_22], %broadcast_in_dim3A_5 {strides = array<i32>} : memref<352xi32, #tpu.memory_space<vmem>>, vector<16xi32>,
    %swap3A_24 = arith.constant 80 : index
    %swap3A_25 = tpu.vector_load %arg15[%swap3A_24] {strides = array<i32>} : memref<352xi32, #tpu.memory_space<vmem>>, vector<16xi32>,
    tpu.vector_store %arg15[%swap3A_24], %broadcast_in_dim3A_5 {strides = array<i32>} : memref<352xi32, #tpu.memory_space<vmem>>, vector<16xi32>,
    %swap3A_26 = arith.constant 96 : index
    %swap3A_27 = tpu.vector_load %arg15[%swap3A_26] {strides = array<i32>} : memref<352xi32, #tpu.memory_space<vmem>>, vector<16xi32>,
    tpu.vector_store %arg15[%swap3A_26], %broadcast_in_dim3A_5 {strides = array<i32>} : memref<352xi32, #tpu.memory_space<vmem>>, vector<16xi32>,
    %swap3A_28 = arith.constant 112 : index
    %swap3A_29 = tpu.vector_load %arg15[%swap3A_28] {strides = array<i32>} : memref<352xi32, #tpu.memory_space<vmem>>, vector<16xi32>,
    tpu.vector_store %arg15[%swap3A_28], %broadcast_in_dim3A_5 {strides = array<i32>} : memref<352xi32, #tpu.memory_space<vmem>>, vector<16xi32>,
    %swap3A_30 = arith.constant 128 : index
    %swap3A_31 = tpu.vector_load %arg15[%swap3A_30] {strides = array<i32>} : memref<352xi32, #tpu.memory_space<vmem>>, vector<16xi32>,
    tpu.vector_store %arg15[%swap3A_30], %broadcast_in_dim3A_5 {strides = array<i32>} : memref<352xi32, #tpu.memory_space<vmem>>, vector<16xi32>,
    %swap3A_32 = arith.constant 144 : index
    %swap3A_33 = tpu.vector_load %arg15[%swap3A_32] {strides = array<i32>} : memref<352xi32, #tpu.memory_space<vmem>>, vector<16xi32>,
    tpu.vector_store %arg15[%swap3A_32], %broadcast_in_dim3A_5 {strides = array<i32>} : memref<352xi32, #tpu.memory_space<vmem>>, vector<16xi32>,
    %swap3A_34 = arith.constant 160 : index
    %swap3A_35 = tpu.vector_load %arg15[%swap3A_34] {strides = array<i32>} : memref<352xi32, #tpu.memory_space<vmem>>, vector<16xi32>,
    tpu.vector_store %arg15[%swap3A_34], %broadcast_in_dim3A_5 {strides = array<i32>} : memref<352xi32, #tpu.memory_space<vmem>>, vector<16xi32>,
    %swap3A_36 = arith.constant 176 : index
    %swap3A_37 = tpu.vector_load %arg15[%swap3A_36] {strides = array<i32>} : memref<352xi32, #tpu.memory_space<vmem>>, vector<16xi32>,
    tpu.vector_store %arg15[%swap3A_36], %broadcast_in_dim3A_5 {strides = array<i32>} : memref<352xi32, #tpu.memory_space<vmem>>, vector<16xi32>,
    %swap3A_38 = arith.constant 192 : index
    %swap3A_39 = tpu.vector_load %arg15[%swap3A_38] {strides = array<i32>} : memref<352xi32, #tpu.memory_space<vmem>>, vector<16xi32>,
    tpu.vector_store %arg15[%swap3A_38], %broadcast_in_dim3A_5 {strides = array<i32>} : memref<352xi32, #tpu.memory_space<vmem>>, vector<16xi32>,
    %swap3A_40 = arith.constant 208 : index
    %swap3A_41 = tpu.vector_load %arg15[%swap3A_40] {strides = array<i32>} : memref<352xi32, #tpu.memory_space<vmem>>, vector<16xi32>,
    tpu.vector_store %arg15[%swap3A_40], %broadcast_in_dim3A_5 {strides = array<i32>} : memref<352xi32, #tpu.memory_space<vmem>>, vector<16xi32>,
    %swap3A_42 = arith.constant 224 : index
    %swap3A_43 = tpu.vector_load %arg15[%swap3A_42] {strides = array<i32>} : memref<352xi32, #tpu.memory_space<vmem>>, vector<16xi32>,
    tpu.vector_store %arg15[%swap3A_42], %broadcast_in_dim3A_5 {strides = array<i32>} : memref<352xi32, #tpu.memory_space<vmem>>, vector<16xi32>,
    %swap3A_44 = arith.constant 240 : index
    %swap3A_45 = tpu.vector_load %arg15[%swap3A_44] {strides = array<i32>} : memref<352xi32, #tpu.memory_space<vmem>>, vector<16xi32>,
    tpu.vector_store %arg15[%swap3A_44], %broadcast_in_dim3A_5 {strides = array<i32>} : memref<352xi32, #tpu.memory_space<vmem>>, vector<16xi32>,
    %swap3A_46 = arith.constant 256 : index
    %swap3A_47 = tpu.vector_load %arg15[%swap3A_46] {strides = array<i32>} : memref<352xi32, #tpu.memory_space<vmem>>, vector<16xi32>,
    tpu.vector_store %arg15[%swap3A_46], %broadcast_in_dim3A_5 {strides = array<i32>} : memref<352xi32, #tpu.memory_space<vmem>>, vector<16xi32>,
    %swap3A_48 = arith.constant 272 : index
    %swap3A_49 = tpu.vector_load %arg15[%swap3A_48] {strides = array<i32>} : memref<352xi32, #tpu.memory_space<vmem>>, vector<16xi32>,
    tpu.vector_store %arg15[%swap3A_48], %broadcast_in_dim3A_5 {strides = array<i32>} : memref<352xi32, #tpu.memory_space<vmem>>, vector<16xi32>,
    %swap3A_50 = arith.constant 288 : index
    %swap3A_51 = tpu.vector_load %arg15[%swap3A_50] {strides = array<i32>} : memref<352xi32, #tpu.memory_space<vmem>>, vector<16xi32>,
    tpu.vector_store %arg15[%swap3A_50], %broadcast_in_dim3A_5 {strides = array<i32>} : memref<352xi32, #tpu.memory_space<vmem>>, vector<16xi32>,
    %swap3A_52 = arith.constant 304 : index
    %swap3A_53 = tpu.vector_load %arg15[%swap3A_52] {strides = array<i32>} : memref<352xi32, #tpu.memory_space<vmem>>, vector<16xi32>,
    tpu.vector_store %arg15[%swap3A_52], %broadcast_in_dim3A_5 {strides = array<i32>} : memref<352xi32, #tpu.memory_space<vmem>>, vector<16xi32>,
    %swap3A_54 = arith.constant 320 : index
    %swap3A_55 = tpu.vector_load %arg15[%swap3A_54] {strides = array<i32>} : memref<352xi32, #tpu.memory_space<vmem>>, vector<16xi32>,
    tpu.vector_store %arg15[%swap3A_54], %broadcast_in_dim3A_5 {strides = array<i32>} : memref<352xi32, #tpu.memory_space<vmem>>, vector<16xi32>,
    %swap3A_56 = arith.constant 336 : index
    %swap3A_57 = tpu.vector_load %arg15[%swap3A_56] {strides = array<i32>} : memref<352xi32, #tpu.memory_space<vmem>>, vector<16xi32>,
    tpu.vector_store %arg15[%swap3A_56], %broadcast_in_dim3A_5 {strides = array<i32>} : memref<352xi32, #tpu.memory_space<vmem>>, vector<16xi32>,
    %dma_start3A = arith.constant 0 : i32
    %dma_start3A_58 = tpu.memref_slice %arg3[%dma_start3A] : memref<160000xi32, #tpu.memory_space<hbm>> -> memref<3200xi32, #tpu.memory_space<hbm>>
    %dma_start3A_59 = arith.constant 0 : i32
    %dma_start3A_60 = tpu.memref_slice %arg3[%dma_start3A_59] : memref<160000xi32, #tpu.memory_space<hbm>> -> memref<3200xi32, #tpu.memory_space<hbm>>
    tpu.enqueue_dma source(%dma_start3A_60 : memref<3200xi32, #tpu.memory_space<hbm>>) target(%arg7 : memref<3200xi32, #tpu.memory_space<vmem>>) target_semaphore(%arg17 : memref<!tpu.dma_semaphore, #tpu.memory_space<semaphore_mem>>)
    %dma_start3A_61 = arith.constant 0 : i32
    %dma_start3A_62 = tpu.memref_slice %arg4[%dma_start3A_61] : memref<160000xi32, #tpu.memory_space<hbm>> -> memref<3200xi32, #tpu.memory_space<hbm>>
    %dma_start3A_63 = arith.constant 0 : i32
    %dma_start3A_64 = tpu.memref_slice %arg4[%dma_start3A_63] : memref<160000xi32, #tpu.memory_space<hbm>> -> memref<3200xi32, #tpu.memory_space<hbm>>
    tpu.enqueue_dma source(%dma_start3A_64 : memref<3200xi32, #tpu.memory_space<hbm>>) target(%arg8 : memref<3200xi32, #tpu.memory_space<vmem>>) target_semaphore(%arg17 : memref<!tpu.dma_semaphore, #tpu.memory_space<semaphore_mem>>)
    %scan3A_65 = arith.constant 0 : i32
    %scan3A_66 = arith.constant 0 : i32
    %scan3A_67 = arith.constant 25 : i32
    %scan3A_68 = arith.addi %scan3A_66, %scan3A_67 : i32
    %scan3A_69 = arith.constant 1 : i32
    %scan3A_70 = scf.for %scan3A_107 = %scan3A_66 to %scan3A_68 step %scan3A_69 iter_args(%scan3A_108 = %scan3A_65) -> (i32)  : i32 {
      %mul3A_109 = arith.constant 2 : i32
      %mul3A_110 = arith.muli %mul3A_109, %scan3A_107 : i32
      %mul3A_111 = arith.constant 3200 : i32
      %mul3A_112 = arith.muli %mul3A_110, %mul3A_111 : i32
      %dma_wait3A = tpu.memref_slice %arg3[%mul3A_112] : memref<160000xi32, #tpu.memory_space<hbm>> -> memref<3200xi32, #tpu.memory_space<hbm>>
      %dma_wait3A_113 = tpu.memref_slice %arg3[%mul3A_112] : memref<160000xi32, #tpu.memory_space<hbm>> -> memref<3200xi32, #tpu.memory_space<hbm>>
      tpu.wait_dma2 semaphore(%arg17 : memref<!tpu.dma_semaphore, #tpu.memory_space<semaphore_mem>>) src(%dma_wait3A_113 : memref<3200xi32, #tpu.memory_space<hbm>>) dst(%arg7 : memref<3200xi32, #tpu.memory_space<vmem>>)
      %mul3A_114 = arith.constant 3200 : i32
      %mul3A_115 = arith.muli %mul3A_110, %mul3A_114 : i32
      %dma_wait3A_116 = tpu.memref_slice %arg4[%mul3A_115] : memref<160000xi32, #tpu.memory_space<hbm>> -> memref<3200xi32, #tpu.memory_space<hbm>>
      %dma_wait3A_117 = tpu.memref_slice %arg4[%mul3A_115] : memref<160000xi32, #tpu.memory_space<hbm>> -> memref<3200xi32, #tpu.memory_space<hbm>>
      tpu.wait_dma2 semaphore(%arg17 : memref<!tpu.dma_semaphore, #tpu.memory_space<semaphore_mem>>) src(%dma_wait3A_117 : memref<3200xi32, #tpu.memory_space<hbm>>) dst(%arg8 : memref<3200xi32, #tpu.memory_space<vmem>>)
      %add3A_118 = arith.constant 1 : i32
      %add3A_119 = arith.addi %mul3A_110, %add3A_118 : i32
      %mul3A_120 = arith.constant 3200 : i32
      %mul3A_121 = arith.muli %add3A_119, %mul3A_120 : i32
      %dma_start3A_122 = tpu.memref_slice %arg3[%mul3A_121] : memref<160000xi32, #tpu.memory_space<hbm>> -> memref<3200xi32, #tpu.memory_space<hbm>>
      %dma_start3A_123 = tpu.memref_slice %arg3[%mul3A_121] : memref<160000xi32, #tpu.memory_space<hbm>> -> memref<3200xi32, #tpu.memory_space<hbm>>
      tpu.enqueue_dma source(%dma_start3A_123 : memref<3200xi32, #tpu.memory_space<hbm>>) target(%arg9 : memref<3200xi32, #tpu.memory_space<vmem>>) target_semaphore(%arg18 : memref<!tpu.dma_semaphore, #tpu.memory_space<semaphore_mem>>)
      %mul3A_124 = arith.constant 3200 : i32
      %mul3A_125 = arith.muli %add3A_119, %mul3A_124 : i32
      %dma_start3A_126 = tpu.memref_slice %arg4[%mul3A_125] : memref<160000xi32, #tpu.memory_space<hbm>> -> memref<3200xi32, #tpu.memory_space<hbm>>
      %dma_start3A_127 = tpu.memref_slice %arg4[%mul3A_125] : memref<160000xi32, #tpu.memory_space<hbm>> -> memref<3200xi32, #tpu.memory_space<hbm>>
      tpu.enqueue_dma source(%dma_start3A_127 : memref<3200xi32, #tpu.memory_space<hbm>>) target(%arg10 : memref<3200xi32, #tpu.memory_space<vmem>>) target_semaphore(%arg18 : memref<!tpu.dma_semaphore, #tpu.memory_space<semaphore_mem>>)
      %scan3A_128 = arith.constant 0 : i32
      %scan3A_129 = arith.constant 25 : i32
      %scan3A_130 = arith.addi %scan3A_128, %scan3A_129 : i32
      %scan3A_131 = arith.constant 1 : i32
      %scan3A_132 = scf.for %scan3A_155 = %scan3A_128 to %scan3A_130 step %scan3A_131 iter_args(%scan3A_156 = %scan3A_108) -> (i32)  : i32 {
        %mul3A_157 = arith.constant 8 : i32
        %mul3A_158 = arith.muli %scan3A_155, %mul3A_157 : i32
        %add3A_159 = arith.constant 0 : i32
        %add3A_160 = arith.addi %mul3A_158, %add3A_159 : i32
        %mul3A_161 = arith.constant 16 : i32
        %mul3A_162 = arith.muli %add3A_160, %mul3A_161 : i32
        %get3A = arith.index_cast %mul3A_162 : i32 to index
        %get3A_163 = tpu.vector_load %arg8[%get3A] {strides = array<i32>} : memref<3200xi32, #tpu.memory_space<vmem>>, vector<16xi32>,
        %mul3A_164 = arith.constant 16 : i32
        %mul3A_165 = arith.muli %add3A_160, %mul3A_164 : i32
        %get3A_166 = arith.index_cast %mul3A_165 : i32 to index
        %get3A_167 = tpu.vector_load %arg7[%get3A_166] {strides = array<i32>} : memref<3200xi32, #tpu.memory_space<vmem>>, vector<16xi32>,
        %sub3A = vector.broadcast %mul3A_2 : i32 to vector<16xi32>
        %sub3A_168 = arith.subi %get3A_163, %sub3A : vector<16xi32>
        %lt3A_169 = arith.constant 320 : i32
        %lt3A_170 = vector.broadcast %lt3A_169 : i32 to vector<16xi32>
        %lt3A_171 = arith.cmpi ult, %sub3A_168, %lt3A_170 : vector<16xi32>
        %all_reduce_population_count3A = tpu.all_reduce %lt3A_171 {dim = 0 : i64, kind = #tpu.reduction_kind<sum>} : vector<16xi1> -> vector<16xi32>
        %slice3A = vector.extract_strided_slice %all_reduce_population_count3A {offsets = [0], sizes = [1], strides = [1]} : vector<16xi32> to vector<1xi32>
        %squeeze3A = vector.extract %slice3A[0] : i32 from vector<1xi32>
        %min3A = arith.constant 320 : i32
        %min3A_172 = vector.broadcast %min3A : i32 to vector<16xi32>
        %min3A_173 = arith.minui %sub3A_168, %min3A_172 : vector<16xi32>
        %mul3A_174 = arith.constant 16384 : i32
        %mul3A_175 = vector.broadcast %mul3A_174 : i32 to vector<16xi32>
        %mul3A_176 = arith.muli %min3A_173, %mul3A_175 : vector<16xi32>
        %add3A_177 = arith.addi %mul3A_176, %get3A_167 : vector<16xi32>
        %masked_sort3A = arith.constant dense<true> : vector<16xi1>
        %masked_sort3A_178 = arith.constant -2147483648 : i32
        %masked_sort3A_179 = vector.broadcast %masked_sort3A_178 : i32 to vector<16xi32>
        %masked_sort3A_180 = arith.xori %add3A_177, %masked_sort3A_179 : vector<16xi32>
        %masked_sort3A_181, %masked_sort3A_182, %masked_sort3A_183 = tpu.sort %masked_sort3A_180, %add3A_177 masked %masked_sort3A : (vector<16xi32>, vector<16xi32>, vector<16xi1>) -> (vector<16xi1>, vector<16xi32>, vector<16xi32>)
        %masked_sort3A_184 = arith.xori %masked_sort3A_182, %masked_sort3A_179 : vector<16xi32>
        %mul3A_185 = arith.constant 8 : i32
        %mul3A_186 = arith.muli %scan3A_155, %mul3A_185 : i32
        %add3A_187 = arith.constant 1 : i32
        %add3A_188 = arith.addi %mul3A_186, %add3A_187 : i32
        %mul3A_189 = arith.constant 16 : i32
        %mul3A_190 = arith.muli %add3A_188, %mul3A_189 : i32
        %get3A_191 = arith.index_cast %mul3A_190 : i32 to index
        %get3A_192 = tpu.vector_load %arg8[%get3A_191] {strides = array<i32>} : memref<3200xi32, #tpu.memory_space<vmem>>, vector<16xi32>,
        %mul3A_193 = arith.constant 16 : i32
        %mul3A_194 = arith.muli %add3A_188, %mul3A_193 : i32
        %get3A_195 = arith.index_cast %mul3A_194 : i32 to index
        %get3A_196 = tpu.vector_load %arg7[%get3A_195] {strides = array<i32>} : memref<3200xi32, #tpu.memory_space<vmem>>, vector<16xi32>,
        %sub3A_197 = vector.broadcast %mul3A_2 : i32 to vector<16xi32>
        %sub3A_198 = arith.subi %get3A_192, %sub3A_197 : vector<16xi32>
        %lt3A_199 = arith.constant 320 : i32
        %lt3A_200 = vector.broadcast %lt3A_199 : i32 to vector<16xi32>
        %lt3A_201 = arith.cmpi ult, %sub3A_198, %lt3A_200 : vector<16xi32>
        %all_reduce_population_count3A_202 = tpu.all_reduce %lt3A_201 {dim = 0 : i64, kind = #tpu.reduction_kind<sum>} : vector<16xi1> -> vector<16xi32>
        %slice3A_203 = vector.extract_strided_slice %all_reduce_population_count3A_202 {offsets = [0], sizes = [1], strides = [1]} : vector<16xi32> to vector<1xi32>
        %squeeze3A_204 = vector.extract %slice3A_203[0] : i32 from vector<1xi32>
        %min3A_205 = arith.constant 320 : i32
        %min3A_206 = vector.broadcast %min3A_205 : i32 to vector<16xi32>
        %min3A_207 = arith.minui %sub3A_198, %min3A_206 : vector<16xi32>
        %mul3A_208 = arith.constant 16384 : i32
        %mul3A_209 = vector.broadcast %mul3A_208 : i32 to vector<16xi32>
        %mul3A_210 = arith.muli %min3A_207, %mul3A_209 : vector<16xi32>
        %add3A_211 = arith.addi %mul3A_210, %get3A_196 : vector<16xi32>
        %masked_sort3A_212 = arith.constant dense<true> : vector<16xi1>
        %masked_sort3A_213 = arith.constant -2147483648 : i32
        %masked_sort3A_214 = vector.broadcast %masked_sort3A_213 : i32 to vector<16xi32>
        %masked_sort3A_215 = arith.xori %add3A_211, %masked_sort3A_214 : vector<16xi32>
        %masked_sort3A_216, %masked_sort3A_217, %masked_sort3A_218 = tpu.sort %masked_sort3A_215, %add3A_211 masked %masked_sort3A_212 : (vector<16xi32>, vector<16xi32>, vector<16xi1>) -> (vector<16xi1>, vector<16xi32>, vector<16xi32>)
        %masked_sort3A_219 = arith.xori %masked_sort3A_217, %masked_sort3A_214 : vector<16xi32>
        %mul3A_220 = arith.constant 8 : i32
        %mul3A_221 = arith.muli %scan3A_155, %mul3A_220 : i32
        %add3A_222 = arith.constant 2 : i32
        %add3A_223 = arith.addi %mul3A_221, %add3A_222 : i32
        %mul3A_224 = arith.constant 16 : i32
        %mul3A_225 = arith.muli %add3A_223, %mul3A_224 : i32
        %get3A_226 = arith.index_cast %mul3A_225 : i32 to index
        %get3A_227 = tpu.vector_load %arg8[%get3A_226] {strides = array<i32>} : memref<3200xi32, #tpu.memory_space<vmem>>, vector<16xi32>,
        %mul3A_228 = arith.constant 16 : i32
        %mul3A_229 = arith.muli %add3A_223, %mul3A_228 : i32
        %get3A_230 = arith.index_cast %mul3A_229 : i32 to index
        %get3A_231 = tpu.vector_load %arg7[%get3A_230] {strides = array<i32>} : memref<3200xi32, #tpu.memory_space<vmem>>, vector<16xi32>,
        %sub3A_232 = vector.broadcast %mul3A_2 : i32 to vector<16xi32>
        %sub3A_233 = arith.subi %get3A_227, %sub3A_232 : vector<16xi32>
        %lt3A_234 = arith.constant 320 : i32
        %lt3A_235 = vector.broadcast %lt3A_234 : i32 to vector<16xi32>
        %lt3A_236 = arith.cmpi ult, %sub3A_233, %lt3A_235 : vector<16xi32>
        %all_reduce_population_count3A_237 = tpu.all_reduce %lt3A_236 {dim = 0 : i64, kind = #tpu.reduction_kind<sum>} : vector<16xi1> -> vector<16xi32>
        %slice3A_238 = vector.extract_strided_slice %all_reduce_population_count3A_237 {offsets = [0], sizes = [1], strides = [1]} : vector<16xi32> to vector<1xi32>
        %squeeze3A_239 = vector.extract %slice3A_238[0] : i32 from vector<1xi32>
        %min3A_240 = arith.constant 320 : i32
        %min3A_241 = vector.broadcast %min3A_240 : i32 to vector<16xi32>
        %min3A_242 = arith.minui %sub3A_233, %min3A_241 : vector<16xi32>
        %mul3A_243 = arith.constant 16384 : i32
        %mul3A_244 = vector.broadcast %mul3A_243 : i32 to vector<16xi32>
        %mul3A_245 = arith.muli %min3A_242, %mul3A_244 : vector<16xi32>
        %add3A_246 = arith.addi %mul3A_245, %get3A_231 : vector<16xi32>
        %masked_sort3A_247 = arith.constant dense<true> : vector<16xi1>
        %masked_sort3A_248 = arith.constant -2147483648 : i32
        %masked_sort3A_249 = vector.broadcast %masked_sort3A_248 : i32 to vector<16xi32>
        %masked_sort3A_250 = arith.xori %add3A_246, %masked_sort3A_249 : vector<16xi32>
        %masked_sort3A_251, %masked_sort3A_252, %masked_sort3A_253 = tpu.sort %masked_sort3A_250, %add3A_246 masked %masked_sort3A_247 : (vector<16xi32>, vector<16xi32>, vector<16xi1>) -> (vector<16xi1>, vector<16xi32>, vector<16xi32>)
        %masked_sort3A_254 = arith.xori %masked_sort3A_252, %masked_sort3A_249 : vector<16xi32>
        %mul3A_255 = arith.constant 8 : i32
        %mul3A_256 = arith.muli %scan3A_155, %mul3A_255 : i32
        %add3A_257 = arith.constant 3 : i32
        %add3A_258 = arith.addi %mul3A_256, %add3A_257 : i32
        %mul3A_259 = arith.constant 16 : i32
        %mul3A_260 = arith.muli %add3A_258, %mul3A_259 : i32
        %get3A_261 = arith.index_cast %mul3A_260 : i32 to index
        %get3A_262 = tpu.vector_load %arg8[%get3A_261] {strides = array<i32>} : memref<3200xi32, #tpu.memory_space<vmem>>, vector<16xi32>,
        %mul3A_263 = arith.constant 16 : i32
        %mul3A_264 = arith.muli %add3A_258, %mul3A_263 : i32
        %get3A_265 = arith.index_cast %mul3A_264 : i32 to index
        %get3A_266 = tpu.vector_load %arg7[%get3A_265] {strides = array<i32>} : memref<3200xi32, #tpu.memory_space<vmem>>, vector<16xi32>,
        %sub3A_267 = vector.broadcast %mul3A_2 : i32 to vector<16xi32>
        %sub3A_268 = arith.subi %get3A_262, %sub3A_267 : vector<16xi32>
        %lt3A_269 = arith.constant 320 : i32
        %lt3A_270 = vector.broadcast %lt3A_269 : i32 to vector<16xi32>
        %lt3A_271 = arith.cmpi ult, %sub3A_268, %lt3A_270 : vector<16xi32>
        %all_reduce_population_count3A_272 = tpu.all_reduce %lt3A_271 {dim = 0 : i64, kind = #tpu.reduction_kind<sum>} : vector<16xi1> -> vector<16xi32>
        %slice3A_273 = vector.extract_strided_slice %all_reduce_population_count3A_272 {offsets = [0], sizes = [1], strides = [1]} : vector<16xi32> to vector<1xi32>
        %squeeze3A_274 = vector.extract %slice3A_273[0] : i32 from vector<1xi32>
        %min3A_275 = arith.constant 320 : i32
        %min3A_276 = vector.broadcast %min3A_275 : i32 to vector<16xi32>
        %min3A_277 = arith.minui %sub3A_268, %min3A_276 : vector<16xi32>
        %mul3A_278 = arith.constant 16384 : i32
        %mul3A_279 = vector.broadcast %mul3A_278 : i32 to vector<16xi32>
        %mul3A_280 = arith.muli %min3A_277, %mul3A_279 : vector<16xi32>
        %add3A_281 = arith.addi %mul3A_280, %get3A_266 : vector<16xi32>
        %masked_sort3A_282 = arith.constant dense<true> : vector<16xi1>
        %masked_sort3A_283 = arith.constant -2147483648 : i32
        %masked_sort3A_284 = vector.broadcast %masked_sort3A_283 : i32 to vector<16xi32>
        %masked_sort3A_285 = arith.xori %add3A_281, %masked_sort3A_284 : vector<16xi32>
        %masked_sort3A_286, %masked_sort3A_287, %masked_sort3A_288 = tpu.sort %masked_sort3A_285, %add3A_281 masked %masked_sort3A_282 : (vector<16xi32>, vector<16xi32>, vector<16xi1>) -> (vector<16xi1>, vector<16xi32>, vector<16xi32>)
        %masked_sort3A_289 = arith.xori %masked_sort3A_287, %masked_sort3A_284 : vector<16xi32>
        %mul3A_290 = arith.constant 8 : i32
        %mul3A_291 = arith.muli %scan3A_155, %mul3A_290 : i32
        %add3A_292 = arith.constant 4 : i32
        %add3A_293 = arith.addi %mul3A_291, %add3A_292 : i32
        %mul3A_294 = arith.constant 16 : i32
        %mul3A_295 = arith.muli %add3A_293, %mul3A_294 : i32
        %get3A_296 = arith.index_cast %mul3A_295 : i32 to index
        %get3A_297 = tpu.vector_load %arg8[%get3A_296] {strides = array<i32>} : memref<3200xi32, #tpu.memory_space<vmem>>, vector<16xi32>,
        %mul3A_298 = arith.constant 16 : i32
        %mul3A_299 = arith.muli %add3A_293, %mul3A_298 : i32
        %get3A_300 = arith.index_cast %mul3A_299 : i32 to index
        %get3A_301 = tpu.vector_load %arg7[%get3A_300] {strides = array<i32>} : memref<3200xi32, #tpu.memory_space<vmem>>, vector<16xi32>,
        %sub3A_302 = vector.broadcast %mul3A_2 : i32 to vector<16xi32>
        %sub3A_303 = arith.subi %get3A_297, %sub3A_302 : vector<16xi32>
        %lt3A_304 = arith.constant 320 : i32
        %lt3A_305 = vector.broadcast %lt3A_304 : i32 to vector<16xi32>
        %lt3A_306 = arith.cmpi ult, %sub3A_303, %lt3A_305 : vector<16xi32>
        %all_reduce_population_count3A_307 = tpu.all_reduce %lt3A_306 {dim = 0 : i64, kind = #tpu.reduction_kind<sum>} : vector<16xi1> -> vector<16xi32>
        %slice3A_308 = vector.extract_strided_slice %all_reduce_population_count3A_307 {offsets = [0], sizes = [1], strides = [1]} : vector<16xi32> to vector<1xi32>
        %squeeze3A_309 = vector.extract %slice3A_308[0] : i32 from vector<1xi32>
        %min3A_310 = arith.constant 320 : i32
        %min3A_311 = vector.broadcast %min3A_310 : i32 to vector<16xi32>
        %min3A_312 = arith.minui %sub3A_303, %min3A_311 : vector<16xi32>
        %mul3A_313 = arith.constant 16384 : i32
        %mul3A_314 = vector.broadcast %mul3A_313 : i32 to vector<16xi32>
        %mul3A_315 = arith.muli %min3A_312, %mul3A_314 : vector<16xi32>
        %add3A_316 = arith.addi %mul3A_315, %get3A_301 : vector<16xi32>
        %masked_sort3A_317 = arith.constant dense<true> : vector<16xi1>
        %masked_sort3A_318 = arith.constant -2147483648 : i32
        %masked_sort3A_319 = vector.broadcast %masked_sort3A_318 : i32 to vector<16xi32>
        %masked_sort3A_320 = arith.xori %add3A_316, %masked_sort3A_319 : vector<16xi32>
        %masked_sort3A_321, %masked_sort3A_322, %masked_sort3A_323 = tpu.sort %masked_sort3A_320, %add3A_316 masked %masked_sort3A_317 : (vector<16xi32>, vector<16xi32>, vector<16xi1>) -> (vector<16xi1>, vector<16xi32>, vector<16xi32>)
        %masked_sort3A_324 = arith.xori %masked_sort3A_322, %masked_sort3A_319 : vector<16xi32>
        %mul3A_325 = arith.constant 8 : i32
        %mul3A_326 = arith.muli %scan3A_155, %mul3A_325 : i32
        %add3A_327 = arith.constant 5 : i32
        %add3A_328 = arith.addi %mul3A_326, %add3A_327 : i32
        %mul3A_329 = arith.constant 16 : i32
        %mul3A_330 = arith.muli %add3A_328, %mul3A_329 : i32
        %get3A_331 = arith.index_cast %mul3A_330 : i32 to index
        %get3A_332 = tpu.vector_load %arg8[%get3A_331] {strides = array<i32>} : memref<3200xi32, #tpu.memory_space<vmem>>, vector<16xi32>,
        %mul3A_333 = arith.constant 16 : i32
        %mul3A_334 = arith.muli %add3A_328, %mul3A_333 : i32
        %get3A_335 = arith.index_cast %mul3A_334 : i32 to index
        %get3A_336 = tpu.vector_load %arg7[%get3A_335] {strides = array<i32>} : memref<3200xi32, #tpu.memory_space<vmem>>, vector<16xi32>,
        %sub3A_337 = vector.broadcast %mul3A_2 : i32 to vector<16xi32>
        %sub3A_338 = arith.subi %get3A_332, %sub3A_337 : vector<16xi32>
        %lt3A_339 = arith.constant 320 : i32
        %lt3A_340 = vector.broadcast %lt3A_339 : i32 to vector<16xi32>
        %lt3A_341 = arith.cmpi ult, %sub3A_338, %lt3A_340 : vector<16xi32>
        %all_reduce_population_count3A_342 = tpu.all_reduce %lt3A_341 {dim = 0 : i64, kind = #tpu.reduction_kind<sum>} : vector<16xi1> -> vector<16xi32>
        %slice3A_343 = vector.extract_strided_slice %all_reduce_population_count3A_342 {offsets = [0], sizes = [1], strides = [1]} : vector<16xi32> to vector<1xi32>
        %squeeze3A_344 = vector.extract %slice3A_343[0] : i32 from vector<1xi32>
        %min3A_345 = arith.constant 320 : i32
        %min3A_346 = vector.broadcast %min3A_345 : i32 to vector<16xi32>
        %min3A_347 = arith.minui %sub3A_338, %min3A_346 : vector<16xi32>
        %mul3A_348 = arith.constant 16384 : i32
        %mul3A_349 = vector.broadcast %mul3A_348 : i32 to vector<16xi32>
        %mul3A_350 = arith.muli %min3A_347, %mul3A_349 : vector<16xi32>
        %add3A_351 = arith.addi %mul3A_350, %get3A_336 : vector<16xi32>
        %masked_sort3A_352 = arith.constant dense<true> : vector<16xi1>
        %masked_sort3A_353 = arith.constant -2147483648 : i32
        %masked_sort3A_354 = vector.broadcast %masked_sort3A_353 : i32 to vector<16xi32>
        %masked_sort3A_355 = arith.xori %add3A_351, %masked_sort3A_354 : vector<16xi32>
        %masked_sort3A_356, %masked_sort3A_357, %masked_sort3A_358 = tpu.sort %masked_sort3A_355, %add3A_351 masked %masked_sort3A_352 : (vector<16xi32>, vector<16xi32>, vector<16xi1>) -> (vector<16xi1>, vector<16xi32>, vector<16xi32>)
        %masked_sort3A_359 = arith.xori %masked_sort3A_357, %masked_sort3A_354 : vector<16xi32>
        %mul3A_360 = arith.constant 8 : i32
        %mul3A_361 = arith.muli %scan3A_155, %mul3A_360 : i32
        %add3A_362 = arith.constant 6 : i32
        %add3A_363 = arith.addi %mul3A_361, %add3A_362 : i32
        %mul3A_364 = arith.constant 16 : i32
        %mul3A_365 = arith.muli %add3A_363, %mul3A_364 : i32
        %get3A_366 = arith.index_cast %mul3A_365 : i32 to index
        %get3A_367 = tpu.vector_load %arg8[%get3A_366] {strides = array<i32>} : memref<3200xi32, #tpu.memory_space<vmem>>, vector<16xi32>,
        %mul3A_368 = arith.constant 16 : i32
        %mul3A_369 = arith.muli %add3A_363, %mul3A_368 : i32
        %get3A_370 = arith.index_cast %mul3A_369 : i32 to index
        %get3A_371 = tpu.vector_load %arg7[%get3A_370] {strides = array<i32>} : memref<3200xi32, #tpu.memory_space<vmem>>, vector<16xi32>,
        %sub3A_372 = vector.broadcast %mul3A_2 : i32 to vector<16xi32>
        %sub3A_373 = arith.subi %get3A_367, %sub3A_372 : vector<16xi32>
        %lt3A_374 = arith.constant 320 : i32
        %lt3A_375 = vector.broadcast %lt3A_374 : i32 to vector<16xi32>
        %lt3A_376 = arith.cmpi ult, %sub3A_373, %lt3A_375 : vector<16xi32>
        %all_reduce_population_count3A_377 = tpu.all_reduce %lt3A_376 {dim = 0 : i64, kind = #tpu.reduction_kind<sum>} : vector<16xi1> -> vector<16xi32>
        %slice3A_378 = vector.extract_strided_slice %all_reduce_population_count3A_377 {offsets = [0], sizes = [1], strides = [1]} : vector<16xi32> to vector<1xi32>
        %squeeze3A_379 = vector.extract %slice3A_378[0] : i32 from vector<1xi32>
        %min3A_380 = arith.constant 320 : i32
        %min3A_381 = vector.broadcast %min3A_380 : i32 to vector<16xi32>
        %min3A_382 = arith.minui %sub3A_373, %min3A_381 : vector<16xi32>
        %mul3A_383 = arith.constant 16384 : i32
        %mul3A_384 = vector.broadcast %mul3A_383 : i32 to vector<16xi32>
        %mul3A_385 = arith.muli %min3A_382, %mul3A_384 : vector<16xi32>
        %add3A_386 = arith.addi %mul3A_385, %get3A_371 : vector<16xi32>
        %masked_sort3A_387 = arith.constant dense<true> : vector<16xi1>
        %masked_sort3A_388 = arith.constant -2147483648 : i32
        %masked_sort3A_389 = vector.broadcast %masked_sort3A_388 : i32 to vector<16xi32>
        %masked_sort3A_390 = arith.xori %add3A_386, %masked_sort3A_389 : vector<16xi32>
        %masked_sort3A_391, %masked_sort3A_392, %masked_sort3A_393 = tpu.sort %masked_sort3A_390, %add3A_386 masked %masked_sort3A_387 : (vector<16xi32>, vector<16xi32>, vector<16xi1>) -> (vector<16xi1>, vector<16xi32>, vector<16xi32>)
        %masked_sort3A_394 = arith.xori %masked_sort3A_392, %masked_sort3A_389 : vector<16xi32>
        %mul3A_395 = arith.constant 8 : i32
        %mul3A_396 = arith.muli %scan3A_155, %mul3A_395 : i32
        %add3A_397 = arith.constant 7 : i32
        %add3A_398 = arith.addi %mul3A_396, %add3A_397 : i32
        %mul3A_399 = arith.constant 16 : i32
        %mul3A_400 = arith.muli %add3A_398, %mul3A_399 : i32
        %get3A_401 = arith.index_cast %mul3A_400 : i32 to index
        %get3A_402 = tpu.vector_load %arg8[%get3A_401] {strides = array<i32>} : memref<3200xi32, #tpu.memory_space<vmem>>, vector<16xi32>,
        %mul3A_403 = arith.constant 16 : i32
        %mul3A_404 = arith.muli %add3A_398, %mul3A_403 : i32
        %get3A_405 = arith.index_cast %mul3A_404 : i32 to index
        %get3A_406 = tpu.vector_load %arg7[%get3A_405] {strides = array<i32>} : memref<3200xi32, #tpu.memory_space<vmem>>, vector<16xi32>,
        %sub3A_407 = vector.broadcast %mul3A_2 : i32 to vector<16xi32>
        %sub3A_408 = arith.subi %get3A_402, %sub3A_407 : vector<16xi32>
        %lt3A_409 = arith.constant 320 : i32
        %lt3A_410 = vector.broadcast %lt3A_409 : i32 to vector<16xi32>
        %lt3A_411 = arith.cmpi ult, %sub3A_408, %lt3A_410 : vector<16xi32>
        %all_reduce_population_count3A_412 = tpu.all_reduce %lt3A_411 {dim = 0 : i64, kind = #tpu.reduction_kind<sum>} : vector<16xi1> -> vector<16xi32>
        %slice3A_413 = vector.extract_strided_slice %all_reduce_population_count3A_412 {offsets = [0], sizes = [1], strides = [1]} : vector<16xi32> to vector<1xi32>
        %squeeze3A_414 = vector.extract %slice3A_413[0] : i32 from vector<1xi32>
        %min3A_415 = arith.constant 320 : i32
        %min3A_416 = vector.broadcast %min3A_415 : i32 to vector<16xi32>
        %min3A_417 = arith.minui %sub3A_408, %min3A_416 : vector<16xi32>
        %mul3A_418 = arith.constant 16384 : i32
        %mul3A_419 = vector.broadcast %mul3A_418 : i32 to vector<16xi32>
        %mul3A_420 = arith.muli %min3A_417, %mul3A_419 : vector<16xi32>
        %add3A_421 = arith.addi %mul3A_420, %get3A_406 : vector<16xi32>
        %masked_sort3A_422 = arith.constant dense<true> : vector<16xi1>
        %masked_sort3A_423 = arith.constant -2147483648 : i32
        %masked_sort3A_424 = vector.broadcast %masked_sort3A_423 : i32 to vector<16xi32>
        %masked_sort3A_425 = arith.xori %add3A_421, %masked_sort3A_424 : vector<16xi32>
        %masked_sort3A_426, %masked_sort3A_427, %masked_sort3A_428 = tpu.sort %masked_sort3A_425, %add3A_421 masked %masked_sort3A_422 : (vector<16xi32>, vector<16xi32>, vector<16xi1>) -> (vector<16xi1>, vector<16xi32>, vector<16xi32>)
        %masked_sort3A_429 = arith.xori %masked_sort3A_427, %masked_sort3A_424 : vector<16xi32>
        %swap3A_430 = arith.index_cast %scan3A_156 : i32 to index
        %swap3A_431 = tpu.vector_load %arg11[%swap3A_430] {strides = array<i32>} : memref<256xi32, #tpu.memory_space<vmem>>, vector<16xi32>,
        tpu.vector_store %arg11[%swap3A_430], %masked_sort3A_183 {strides = array<i32>} : memref<256xi32, #tpu.memory_space<vmem>>, vector<16xi32>,
        %add3A_432 = arith.addi %scan3A_156, %squeeze3A : i32
        %swap3A_433 = arith.index_cast %add3A_432 : i32 to index
        %swap3A_434 = tpu.vector_load %arg11[%swap3A_433] {strides = array<i32>} : memref<256xi32, #tpu.memory_space<vmem>>, vector<16xi32>,
        tpu.vector_store %arg11[%swap3A_433], %masked_sort3A_218 {strides = array<i32>} : memref<256xi32, #tpu.memory_space<vmem>>, vector<16xi32>,
        %add3A_435 = arith.addi %add3A_432, %squeeze3A_204 : i32
        %swap3A_436 = arith.index_cast %add3A_435 : i32 to index
        %swap3A_437 = tpu.vector_load %arg11[%swap3A_436] {strides = array<i32>} : memref<256xi32, #tpu.memory_space<vmem>>, vector<16xi32>,
        tpu.vector_store %arg11[%swap3A_436], %masked_sort3A_253 {strides = array<i32>} : memref<256xi32, #tpu.memory_space<vmem>>, vector<16xi32>,
        %add3A_438 = arith.addi %add3A_435, %squeeze3A_239 : i32
        %swap3A_439 = arith.index_cast %add3A_438 : i32 to index
        %swap3A_440 = tpu.vector_load %arg11[%swap3A_439] {strides = array<i32>} : memref<256xi32, #tpu.memory_space<vmem>>, vector<16xi32>,
        tpu.vector_store %arg11[%swap3A_439], %masked_sort3A_288 {strides = array<i32>} : memref<256xi32, #tpu.memory_space<vmem>>, vector<16xi32>,
        %add3A_441 = arith.addi %add3A_438, %squeeze3A_274 : i32
        %swap3A_442 = arith.index_cast %add3A_441 : i32 to index
        %swap3A_443 = tpu.vector_load %arg11[%swap3A_442] {strides = array<i32>} : memref<256xi32, #tpu.memory_space<vmem>>, vector<16xi32>,
        tpu.vector_store %arg11[%swap3A_442], %masked_sort3A_323 {strides = array<i32>} : memref<256xi32, #tpu.memory_space<vmem>>, vector<16xi32>,
        %add3A_444 = arith.addi %add3A_441, %squeeze3A_309 : i32
        %swap3A_445 = arith.index_cast %add3A_444 : i32 to index
        %swap3A_446 = tpu.vector_load %arg11[%swap3A_445] {strides = array<i32>} : memref<256xi32, #tpu.memory_space<vmem>>, vector<16xi32>,
        tpu.vector_store %arg11[%swap3A_445], %masked_sort3A_358 {strides = array<i32>} : memref<256xi32, #tpu.memory_space<vmem>>, vector<16xi32>,
        %add3A_447 = arith.addi %add3A_444, %squeeze3A_344 : i32
        %swap3A_448 = arith.index_cast %add3A_447 : i32 to index
        %swap3A_449 = tpu.vector_load %arg11[%swap3A_448] {strides = array<i32>} : memref<256xi32, #tpu.memory_space<vmem>>, vector<16xi32>,
        tpu.vector_store %arg11[%swap3A_448], %masked_sort3A_393 {strides = array<i32>} : memref<256xi32, #tpu.memory_space<vmem>>, vector<16xi32>,
        %add3A_450 = arith.addi %add3A_447, %squeeze3A_379 : i32
        %swap3A_451 = arith.index_cast %add3A_450 : i32 to index
        %swap3A_452 = tpu.vector_load %arg11[%swap3A_451] {strides = array<i32>} : memref<256xi32, #tpu.memory_space<vmem>>, vector<16xi32>,
        tpu.vector_store %arg11[%swap3A_451], %masked_sort3A_428 {strides = array<i32>} : memref<256xi32, #tpu.memory_space<vmem>>, vector<16xi32>,
        %add3A_453 = arith.addi %add3A_450, %squeeze3A_414 : i32
        %ge3A = arith.constant 128 : i32
        %ge3A_454 = arith.cmpi sge, %add3A_453, %ge3A : i32
        %convert_element_type3A_455 = arith.extui %ge3A_454 : i1 to i32
        %cond3A_456 = arith.constant 0 : i32
        %cond3A_457 = arith.cmpi ne, %convert_element_type3A_455, %cond3A_456 : i32
        scf.if %cond3A_457 {
          %get3A_462 = arith.constant 0 : index
          %get3A_463 = tpu.vector_load %arg11[%get3A_462] {strides = array<i32>} : memref<256xi32, #tpu.memory_space<vmem>>, vector<16xi32>,
          %and3A = arith.constant 16383 : i32
          %and3A_464 = vector.broadcast %and3A : i32 to vector<16xi32>
          %and3A_465 = arith.andi %get3A_463, %and3A_464 : vector<16xi32>
          %swap3A_466 = arith.constant 0 : index
          %swap3A_467 = tpu.vector_load %arg12[%swap3A_466] {strides = array<i32>} : memref<128xi32, #tpu.memory_space<vmem>>, vector<16xi32>,
          tpu.vector_store %arg12[%swap3A_466], %and3A_465 {strides = array<i32>} : memref<128xi32, #tpu.memory_space<vmem>>, vector<16xi32>,
          %get3A_468 = arith.constant 16 : index
          %get3A_469 = tpu.vector_load %arg11[%get3A_468] {strides = array<i32>} : memref<256xi32, #tpu.memory_space<vmem>>, vector<16xi32>,
          %and3A_470 = arith.constant 16383 : i32
          %and3A_471 = vector.broadcast %and3A_470 : i32 to vector<16xi32>
          %and3A_472 = arith.andi %get3A_469, %and3A_471 : vector<16xi32>
          %swap3A_473 = arith.constant 16 : index
          %swap3A_474 = tpu.vector_load %arg12[%swap3A_473] {strides = array<i32>} : memref<128xi32, #tpu.memory_space<vmem>>, vector<16xi32>,
          tpu.vector_store %arg12[%swap3A_473], %and3A_472 {strides = array<i32>} : memref<128xi32, #tpu.memory_space<vmem>>, vector<16xi32>,
          %get3A_475 = arith.constant 32 : index
          %get3A_476 = tpu.vector_load %arg11[%get3A_475] {strides = array<i32>} : memref<256xi32, #tpu.memory_space<vmem>>, vector<16xi32>,
          %and3A_477 = arith.constant 16383 : i32
          %and3A_478 = vector.broadcast %and3A_477 : i32 to vector<16xi32>
          %and3A_479 = arith.andi %get3A_476, %and3A_478 : vector<16xi32>
          %swap3A_480 = arith.constant 32 : index
          %swap3A_481 = tpu.vector_load %arg12[%swap3A_480] {strides = array<i32>} : memref<128xi32, #tpu.memory_space<vmem>>, vector<16xi32>,
          tpu.vector_store %arg12[%swap3A_480], %and3A_479 {strides = array<i32>} : memref<128xi32, #tpu.memory_space<vmem>>, vector<16xi32>,
          %get3A_482 = arith.constant 48 : index
          %get3A_483 = tpu.vector_load %arg11[%get3A_482] {strides = array<i32>} : memref<256xi32, #tpu.memory_space<vmem>>, vector<16xi32>,
          %and3A_484 = arith.constant 16383 : i32
          %and3A_485 = vector.broadcast %and3A_484 : i32 to vector<16xi32>
          %and3A_486 = arith.andi %get3A_483, %and3A_485 : vector<16xi32>
          %swap3A_487 = arith.constant 48 : index
          %swap3A_488 = tpu.vector_load %arg12[%swap3A_487] {strides = array<i32>} : memref<128xi32, #tpu.memory_space<vmem>>, vector<16xi32>,
          tpu.vector_store %arg12[%swap3A_487], %and3A_486 {strides = array<i32>} : memref<128xi32, #tpu.memory_space<vmem>>, vector<16xi32>,
          %get3A_489 = arith.constant 64 : index
          %get3A_490 = tpu.vector_load %arg11[%get3A_489] {strides = array<i32>} : memref<256xi32, #tpu.memory_space<vmem>>, vector<16xi32>,
          %and3A_491 = arith.constant 16383 : i32
          %and3A_492 = vector.broadcast %and3A_491 : i32 to vector<16xi32>
          %and3A_493 = arith.andi %get3A_490, %and3A_492 : vector<16xi32>
          %swap3A_494 = arith.constant 64 : index
          %swap3A_495 = tpu.vector_load %arg12[%swap3A_494] {strides = array<i32>} : memref<128xi32, #tpu.memory_space<vmem>>, vector<16xi32>,
          tpu.vector_store %arg12[%swap3A_494], %and3A_493 {strides = array<i32>} : memref<128xi32, #tpu.memory_space<vmem>>, vector<16xi32>,
          %get3A_496 = arith.constant 80 : index
          %get3A_497 = tpu.vector_load %arg11[%get3A_496] {strides = array<i32>} : memref<256xi32, #tpu.memory_space<vmem>>, vector<16xi32>,
          %and3A_498 = arith.constant 16383 : i32
          %and3A_499 = vector.broadcast %and3A_498 : i32 to vector<16xi32>
          %and3A_500 = arith.andi %get3A_497, %and3A_499 : vector<16xi32>
          %swap3A_501 = arith.constant 80 : index
          %swap3A_502 = tpu.vector_load %arg12[%swap3A_501] {strides = array<i32>} : memref<128xi32, #tpu.memory_space<vmem>>, vector<16xi32>,
          tpu.vector_store %arg12[%swap3A_501], %and3A_500 {strides = array<i32>} : memref<128xi32, #tpu.memory_space<vmem>>, vector<16xi32>,
          %get3A_503 = arith.constant 96 : index
          %get3A_504 = tpu.vector_load %arg11[%get3A_503] {strides = array<i32>} : memref<256xi32, #tpu.memory_space<vmem>>, vector<16xi32>,
          %and3A_505 = arith.constant 16383 : i32
          %and3A_506 = vector.broadcast %and3A_505 : i32 to vector<16xi32>
          %and3A_507 = arith.andi %get3A_504, %and3A_506 : vector<16xi32>
          %swap3A_508 = arith.constant 96 : index
          %swap3A_509 = tpu.vector_load %arg12[%swap3A_508] {strides = array<i32>} : memref<128xi32, #tpu.memory_space<vmem>>, vector<16xi32>,
          tpu.vector_store %arg12[%swap3A_508], %and3A_507 {strides = array<i32>} : memref<128xi32, #tpu.memory_space<vmem>>, vector<16xi32>,
          %get3A_510 = arith.constant 112 : index
          %get3A_511 = tpu.vector_load %arg11[%get3A_510] {strides = array<i32>} : memref<256xi32, #tpu.memory_space<vmem>>, vector<16xi32>,
          %and3A_512 = arith.constant 16383 : i32
          %and3A_513 = vector.broadcast %and3A_512 : i32 to vector<16xi32>
          %and3A_514 = arith.andi %get3A_511, %and3A_513 : vector<16xi32>
          %swap3A_515 = arith.constant 112 : index
          %swap3A_516 = tpu.vector_load %arg12[%swap3A_515] {strides = array<i32>} : memref<128xi32, #tpu.memory_space<vmem>>, vector<16xi32>,
          tpu.vector_store %arg12[%swap3A_515], %and3A_514 {strides = array<i32>} : memref<128xi32, #tpu.memory_space<vmem>>, vector<16xi32>,
          %dma_start3A_517 = arith.constant 0 : i32
          %dma_start3A_518 = arith.constant 0 : i32
          %dma_start3A_519 = tpu.memref_slice %arg2[%dma_start3A_517, %dma_start3A_518] : memref<10000x256xf32, #tpu.memory_space<hbm>> -> memref<10000x256xf32, #tpu.memory_space<hbm>>
          tpu.enqueue_indirect_dma source(%dma_start3A_519 : memref<10000x256xf32, #tpu.memory_space<hbm>>) target(%arg13 : memref<128x256xf32, #tpu.memory_space<vmem>>) offsets(%arg12 : memref<128xi32, #tpu.memory_space<vmem>>) semaphore(%arg16 : memref<!tpu.dma_semaphore, #tpu.memory_space<semaphore_mem>>)
          %dma_wait3A_520 = arith.constant 0 : i32
          %dma_wait3A_521 = arith.constant 0 : i32
          %dma_wait3A_522 = tpu.memref_slice %arg2[%dma_wait3A_520, %dma_wait3A_521] : memref<10000x256xf32, #tpu.memory_space<hbm>> -> memref<10000x256xf32, #tpu.memory_space<hbm>>
          tpu.wait_indirect_dma semaphore(%arg16 : memref<!tpu.dma_semaphore, #tpu.memory_space<semaphore_mem>>) src(%dma_wait3A_522 : memref<10000x256xf32, #tpu.memory_space<hbm>>) dst(%arg13 : memref<128x256xf32, #tpu.memory_space<vmem>>)
          %scan3A_523 = arith.constant 0 : i32
          %scan3A_524 = arith.constant 0 : i32
          %scan3A_525 = arith.constant 128 : i32
          %scan3A_526 = arith.addi %scan3A_524, %scan3A_525 : i32
          %scan3A_527 = arith.constant 1 : i32
          scf.for %scan3A_561 = %scan3A_524 to %scan3A_526 step %scan3A_527  : i32 {
            %add3A_562 = arith.constant 0 : i32
            %add3A_563 = arith.addi %add3A_562, %scan3A_561 : i32
            %get3A_564 = arith.index_cast %add3A_563 : i32 to index
            %get3A_565 = tpu.vector_load %arg11[%get3A_564] {strides = array<i32>} : memref<256xi32, #tpu.memory_space<vmem>>, vector<16xi32>,
            %slice3A_566 = vector.extract_strided_slice %get3A_565 {offsets = [0], sizes = [1], strides = [1]} : vector<16xi32> to vector<1xi32>
            %squeeze3A_567 = vector.extract %slice3A_566[0] : i32 from vector<1xi32>
            %shift_right_arithmetic3A = arith.constant 14 : i32
            %shift_right_arithmetic3A_568 = arith.shrsi %squeeze3A_567, %shift_right_arithmetic3A : i32
            %get3A_569 = arith.index_cast %scan3A_561 : i32 to index
            %get3A_570 = arith.constant 0 : index
            %get3A_571 = tpu.vector_load %arg13[%get3A_569, %get3A_570] {strides = array<i32>} : memref<128x256xf32, #tpu.memory_space<vmem>>, vector<16xf32>,
            %swap3A_572 = arith.index_cast %shift_right_arithmetic3A_568 : i32 to index
            %swap3A_573 = arith.constant 0 : index
            %swap3A_574 = tpu.vector_load %arg14[%swap3A_572, %swap3A_573] {strides = array<i32>} : memref<321x256xf32, #tpu.memory_space<vmem>>, vector<16xf32>,
            tpu.vector_store %arg14[%swap3A_572, %swap3A_573], %get3A_571 {add = true, strides = array<i32>} : memref<321x256xf32, #tpu.memory_space<vmem>>, vector<16xf32>,
            %get3A_575 = arith.index_cast %scan3A_561 : i32 to index
            %get3A_576 = arith.constant 16 : index
            %get3A_577 = tpu.vector_load %arg13[%get3A_575, %get3A_576] {strides = array<i32>} : memref<128x256xf32, #tpu.memory_space<vmem>>, vector<16xf32>,
            %swap3A_578 = arith.index_cast %shift_right_arithmetic3A_568 : i32 to index
            %swap3A_579 = arith.constant 16 : index
            %swap3A_580 = tpu.vector_load %arg14[%swap3A_578, %swap3A_579] {strides = array<i32>} : memref<321x256xf32, #tpu.memory_space<vmem>>, vector<16xf32>,
            tpu.vector_store %arg14[%swap3A_578, %swap3A_579], %get3A_577 {add = true, strides = array<i32>} : memref<321x256xf32, #tpu.memory_space<vmem>>, vector<16xf32>,
            %get3A_581 = arith.index_cast %scan3A_561 : i32 to index
            %get3A_582 = arith.constant 32 : index
            %get3A_583 = tpu.vector_load %arg13[%get3A_581, %get3A_582] {strides = array<i32>} : memref<128x256xf32, #tpu.memory_space<vmem>>, vector<16xf32>,
            %swap3A_584 = arith.index_cast %shift_right_arithmetic3A_568 : i32 to index
            %swap3A_585 = arith.constant 32 : index
            %swap3A_586 = tpu.vector_load %arg14[%swap3A_584, %swap3A_585] {strides = array<i32>} : memref<321x256xf32, #tpu.memory_space<vmem>>, vector<16xf32>,
            tpu.vector_store %arg14[%swap3A_584, %swap3A_585], %get3A_583 {add = true, strides = array<i32>} : memref<321x256xf32, #tpu.memory_space<vmem>>, vector<16xf32>,
            %get3A_587 = arith.index_cast %scan3A_561 : i32 to index
            %get3A_588 = arith.constant 48 : index
            %get3A_589 = tpu.vector_load %arg13[%get3A_587, %get3A_588] {strides = array<i32>} : memref<128x256xf32, #tpu.memory_space<vmem>>, vector<16xf32>,
            %swap3A_590 = arith.index_cast %shift_right_arithmetic3A_568 : i32 to index
            %swap3A_591 = arith.constant 48 : index
            %swap3A_592 = tpu.vector_load %arg14[%swap3A_590, %swap3A_591] {strides = array<i32>} : memref<321x256xf32, #tpu.memory_space<vmem>>, vector<16xf32>,
            tpu.vector_store %arg14[%swap3A_590, %swap3A_591], %get3A_589 {add = true, strides = array<i32>} : memref<321x256xf32, #tpu.memory_space<vmem>>, vector<16xf32>,
            %get3A_593 = arith.index_cast %scan3A_561 : i32 to index
            %get3A_594 = arith.constant 64 : index
            %get3A_595 = tpu.vector_load %arg13[%get3A_593, %get3A_594] {strides = array<i32>} : memref<128x256xf32, #tpu.memory_space<vmem>>, vector<16xf32>,
            %swap3A_596 = arith.index_cast %shift_right_arithmetic3A_568 : i32 to index
            %swap3A_597 = arith.constant 64 : index
            %swap3A_598 = tpu.vector_load %arg14[%swap3A_596, %swap3A_597] {strides = array<i32>} : memref<321x256xf32, #tpu.memory_space<vmem>>, vector<16xf32>,
            tpu.vector_store %arg14[%swap3A_596, %swap3A_597], %get3A_595 {add = true, strides = array<i32>} : memref<321x256xf32, #tpu.memory_space<vmem>>, vector<16xf32>,
            %get3A_599 = arith.index_cast %scan3A_561 : i32 to index
            %get3A_600 = arith.constant 80 : index
            %get3A_601 = tpu.vector_load %arg13[%get3A_599, %get3A_600] {strides = array<i32>} : memref<128x256xf32, #tpu.memory_space<vmem>>, vector<16xf32>,
            %swap3A_602 = arith.index_cast %shift_right_arithmetic3A_568 : i32 to index
            %swap3A_603 = arith.constant 80 : index
            %swap3A_604 = tpu.vector_load %arg14[%swap3A_602, %swap3A_603] {strides = array<i32>} : memref<321x256xf32, #tpu.memory_space<vmem>>, vector<16xf32>,
            tpu.vector_store %arg14[%swap3A_602, %swap3A_603], %get3A_601 {add = true, strides = array<i32>} : memref<321x256xf32, #tpu.memory_space<vmem>>, vector<16xf32>,
            %get3A_605 = arith.index_cast %scan3A_561 : i32 to index
            %get3A_606 = arith.constant 96 : index
            %get3A_607 = tpu.vector_load %arg13[%get3A_605, %get3A_606] {strides = array<i32>} : memref<128x256xf32, #tpu.memory_space<vmem>>, vector<16xf32>,
            %swap3A_608 = arith.index_cast %shift_right_arithmetic3A_568 : i32 to index
            %swap3A_609 = arith.constant 96 : index
            %swap3A_610 = tpu.vector_load %arg14[%swap3A_608, %swap3A_609] {strides = array<i32>} : memref<321x256xf32, #tpu.memory_space<vmem>>, vector<16xf32>,
            tpu.vector_store %arg14[%swap3A_608, %swap3A_609], %get3A_607 {add = true, strides = array<i32>} : memref<321x256xf32, #tpu.memory_space<vmem>>, vector<16xf32>,
            %get3A_611 = arith.index_cast %scan3A_561 : i32 to index
            %get3A_612 = arith.constant 112 : index
            %get3A_613 = tpu.vector_load %arg13[%get3A_611, %get3A_612] {strides = array<i32>} : memref<128x256xf32, #tpu.memory_space<vmem>>, vector<16xf32>,
            %swap3A_614 = arith.index_cast %shift_right_arithmetic3A_568 : i32 to index
            %swap3A_615 = arith.constant 112 : index
            %swap3A_616 = tpu.vector_load %arg14[%swap3A_614, %swap3A_615] {strides = array<i32>} : memref<321x256xf32, #tpu.memory_space<vmem>>, vector<16xf32>,
            tpu.vector_store %arg14[%swap3A_614, %swap3A_615], %get3A_613 {add = true, strides = array<i32>} : memref<321x256xf32, #tpu.memory_space<vmem>>, vector<16xf32>,
            %get3A_617 = arith.index_cast %scan3A_561 : i32 to index
            %get3A_618 = arith.constant 128 : index
            %get3A_619 = tpu.vector_load %arg13[%get3A_617, %get3A_618] {strides = array<i32>} : memref<128x256xf32, #tpu.memory_space<vmem>>, vector<16xf32>,
            %swap3A_620 = arith.index_cast %shift_right_arithmetic3A_568 : i32 to index
            %swap3A_621 = arith.constant 128 : index
            %swap3A_622 = tpu.vector_load %arg14[%swap3A_620, %swap3A_621] {strides = array<i32>} : memref<321x256xf32, #tpu.memory_space<vmem>>, vector<16xf32>,
            tpu.vector_store %arg14[%swap3A_620, %swap3A_621], %get3A_619 {add = true, strides = array<i32>} : memref<321x256xf32, #tpu.memory_space<vmem>>, vector<16xf32>,
            %get3A_623 = arith.index_cast %scan3A_561 : i32 to index
            %get3A_624 = arith.constant 144 : index
            %get3A_625 = tpu.vector_load %arg13[%get3A_623, %get3A_624] {strides = array<i32>} : memref<128x256xf32, #tpu.memory_space<vmem>>, vector<16xf32>,
            %swap3A_626 = arith.index_cast %shift_right_arithmetic3A_568 : i32 to index
            %swap3A_627 = arith.constant 144 : index
            %swap3A_628 = tpu.vector_load %arg14[%swap3A_626, %swap3A_627] {strides = array<i32>} : memref<321x256xf32, #tpu.memory_space<vmem>>, vector<16xf32>,
            tpu.vector_store %arg14[%swap3A_626, %swap3A_627], %get3A_625 {add = true, strides = array<i32>} : memref<321x256xf32, #tpu.memory_space<vmem>>, vector<16xf32>,
            %get3A_629 = arith.index_cast %scan3A_561 : i32 to index
            %get3A_630 = arith.constant 160 : index
            %get3A_631 = tpu.vector_load %arg13[%get3A_629, %get3A_630] {strides = array<i32>} : memref<128x256xf32, #tpu.memory_space<vmem>>, vector<16xf32>,
            %swap3A_632 = arith.index_cast %shift_right_arithmetic3A_568 : i32 to index
            %swap3A_633 = arith.constant 160 : index
            %swap3A_634 = tpu.vector_load %arg14[%swap3A_632, %swap3A_633] {strides = array<i32>} : memref<321x256xf32, #tpu.memory_space<vmem>>, vector<16xf32>,
            tpu.vector_store %arg14[%swap3A_632, %swap3A_633], %get3A_631 {add = true, strides = array<i32>} : memref<321x256xf32, #tpu.memory_space<vmem>>, vector<16xf32>,
            %get3A_635 = arith.index_cast %scan3A_561 : i32 to index
            %get3A_636 = arith.constant 176 : index
            %get3A_637 = tpu.vector_load %arg13[%get3A_635, %get3A_636] {strides = array<i32>} : memref<128x256xf32, #tpu.memory_space<vmem>>, vector<16xf32>,
            %swap3A_638 = arith.index_cast %shift_right_arithmetic3A_568 : i32 to index
            %swap3A_639 = arith.constant 176 : index
            %swap3A_640 = tpu.vector_load %arg14[%swap3A_638, %swap3A_639] {strides = array<i32>} : memref<321x256xf32, #tpu.memory_space<vmem>>, vector<16xf32>,
            tpu.vector_store %arg14[%swap3A_638, %swap3A_639], %get3A_637 {add = true, strides = array<i32>} : memref<321x256xf32, #tpu.memory_space<vmem>>, vector<16xf32>,
            %get3A_641 = arith.index_cast %scan3A_561 : i32 to index
            %get3A_642 = arith.constant 192 : index
            %get3A_643 = tpu.vector_load %arg13[%get3A_641, %get3A_642] {strides = array<i32>} : memref<128x256xf32, #tpu.memory_space<vmem>>, vector<16xf32>,
            %swap3A_644 = arith.index_cast %shift_right_arithmetic3A_568 : i32 to index
            %swap3A_645 = arith.constant 192 : index
            %swap3A_646 = tpu.vector_load %arg14[%swap3A_644, %swap3A_645] {strides = array<i32>} : memref<321x256xf32, #tpu.memory_space<vmem>>, vector<16xf32>,
            tpu.vector_store %arg14[%swap3A_644, %swap3A_645], %get3A_643 {add = true, strides = array<i32>} : memref<321x256xf32, #tpu.memory_space<vmem>>, vector<16xf32>,
            %get3A_647 = arith.index_cast %scan3A_561 : i32 to index
            %get3A_648 = arith.constant 208 : index
            %get3A_649 = tpu.vector_load %arg13[%get3A_647, %get3A_648] {strides = array<i32>} : memref<128x256xf32, #tpu.memory_space<vmem>>, vector<16xf32>,
            %swap3A_650 = arith.index_cast %shift_right_arithmetic3A_568 : i32 to index
            %swap3A_651 = arith.constant 208 : index
            %swap3A_652 = tpu.vector_load %arg14[%swap3A_650, %swap3A_651] {strides = array<i32>} : memref<321x256xf32, #tpu.memory_space<vmem>>, vector<16xf32>,
            tpu.vector_store %arg14[%swap3A_650, %swap3A_651], %get3A_649 {add = true, strides = array<i32>} : memref<321x256xf32, #tpu.memory_space<vmem>>, vector<16xf32>,
            %get3A_653 = arith.index_cast %scan3A_561 : i32 to index
            %get3A_654 = arith.constant 224 : index
            %get3A_655 = tpu.vector_load %arg13[%get3A_653, %get3A_654] {strides = array<i32>} : memref<128x256xf32, #tpu.memory_space<vmem>>, vector<16xf32>,
            %swap3A_656 = arith.index_cast %shift_right_arithmetic3A_568 : i32 to index
            %swap3A_657 = arith.constant 224 : index
            %swap3A_658 = tpu.vector_load %arg14[%swap3A_656, %swap3A_657] {strides = array<i32>} : memref<321x256xf32, #tpu.memory_space<vmem>>, vector<16xf32>,
            tpu.vector_store %arg14[%swap3A_656, %swap3A_657], %get3A_655 {add = true, strides = array<i32>} : memref<321x256xf32, #tpu.memory_space<vmem>>, vector<16xf32>,
            %get3A_659 = arith.index_cast %scan3A_561 : i32 to index
            %get3A_660 = arith.constant 240 : index
            %get3A_661 = tpu.vector_load %arg13[%get3A_659, %get3A_660] {strides = array<i32>} : memref<128x256xf32, #tpu.memory_space<vmem>>, vector<16xf32>,
            %swap3A_662 = arith.index_cast %shift_right_arithmetic3A_568 : i32 to index
            %swap3A_663 = arith.constant 240 : index
            %swap3A_664 = tpu.vector_load %arg14[%swap3A_662, %swap3A_663] {strides = array<i32>} : memref<321x256xf32, #tpu.memory_space<vmem>>, vector<16xf32>,
            tpu.vector_store %arg14[%swap3A_662, %swap3A_663], %get3A_661 {add = true, strides = array<i32>} : memref<321x256xf32, #tpu.memory_space<vmem>>, vector<16xf32>,
            %swap3A_665 = arith.index_cast %shift_right_arithmetic3A_568 : i32 to index
            %swap3A_666 = tpu.vector_load %arg15[%swap3A_665] {strides = array<i32>} : memref<352xi32, #tpu.memory_space<vmem>>, vector<16xi32>,
            tpu.vector_store %arg15[%swap3A_665], %convert_element_type3A {add = true, strides = array<i32>} : memref<352xi32, #tpu.memory_space<vmem>>, vector<16xi32>,
          }
          %scan3A_528 = arith.constant 128 : i32
          %get3A_529 = arith.constant 128 : index
          %get3A_530 = tpu.vector_load %arg11[%get3A_529] {strides = array<i32>} : memref<256xi32, #tpu.memory_space<vmem>>, vector<16xi32>,
          %swap3A_531 = arith.constant 0 : index
          %swap3A_532 = tpu.vector_load %arg11[%swap3A_531] {strides = array<i32>} : memref<256xi32, #tpu.memory_space<vmem>>, vector<16xi32>,
          tpu.vector_store %arg11[%swap3A_531], %get3A_530 {strides = array<i32>} : memref<256xi32, #tpu.memory_space<vmem>>, vector<16xi32>,
          %get3A_533 = arith.constant 144 : index
          %get3A_534 = tpu.vector_load %arg11[%get3A_533] {strides = array<i32>} : memref<256xi32, #tpu.memory_space<vmem>>, vector<16xi32>,
          %swap3A_535 = arith.constant 16 : index
          %swap3A_536 = tpu.vector_load %arg11[%swap3A_535] {strides = array<i32>} : memref<256xi32, #tpu.memory_space<vmem>>, vector<16xi32>,
          tpu.vector_store %arg11[%swap3A_535], %get3A_534 {strides = array<i32>} : memref<256xi32, #tpu.memory_space<vmem>>, vector<16xi32>,
          %get3A_537 = arith.constant 160 : index
          %get3A_538 = tpu.vector_load %arg11[%get3A_537] {strides = array<i32>} : memref<256xi32, #tpu.memory_space<vmem>>, vector<16xi32>,
          %swap3A_539 = arith.constant 32 : index
          %swap3A_540 = tpu.vector_load %arg11[%swap3A_539] {strides = array<i32>} : memref<256xi32, #tpu.memory_space<vmem>>, vector<16xi32>,
          tpu.vector_store %arg11[%swap3A_539], %get3A_538 {strides = array<i32>} : memref<256xi32, #tpu.memory_space<vmem>>, vector<16xi32>,
          %get3A_541 = arith.constant 176 : index
          %get3A_542 = tpu.vector_load %arg11[%get3A_541] {strides = array<i32>} : memref<256xi32, #tpu.memory_space<vmem>>, vector<16xi32>,
          %swap3A_543 = arith.constant 48 : index
          %swap3A_544 = tpu.vector_load %arg11[%swap3A_543] {strides = array<i32>} : memref<256xi32, #tpu.memory_space<vmem>>, vector<16xi32>,
          tpu.vector_store %arg11[%swap3A_543], %get3A_542 {strides = array<i32>} : memref<256xi32, #tpu.memory_space<vmem>>, vector<16xi32>,
          %get3A_545 = arith.constant 192 : index
          %get3A_546 = tpu.vector_load %arg11[%get3A_545] {strides = array<i32>} : memref<256xi32, #tpu.memory_space<vmem>>, vector<16xi32>,
          %swap3A_547 = arith.constant 64 : index
          %swap3A_548 = tpu.vector_load %arg11[%swap3A_547] {strides = array<i32>} : memref<256xi32, #tpu.memory_space<vmem>>, vector<16xi32>,
          tpu.vector_store %arg11[%swap3A_547], %get3A_546 {strides = array<i32>} : memref<256xi32, #tpu.memory_space<vmem>>, vector<16xi32>,
          %get3A_549 = arith.constant 208 : index
          %get3A_550 = tpu.vector_load %arg11[%get3A_549] {strides = array<i32>} : memref<256xi32, #tpu.memory_space<vmem>>, vector<16xi32>,
          %swap3A_551 = arith.constant 80 : index
          %swap3A_552 = tpu.vector_load %arg11[%swap3A_551] {strides = array<i32>} : memref<256xi32, #tpu.memory_space<vmem>>, vector<16xi32>,
          tpu.vector_store %arg11[%swap3A_551], %get3A_550 {strides = array<i32>} : memref<256xi32, #tpu.memory_space<vmem>>, vector<16xi32>,
          %get3A_553 = arith.constant 224 : index
          %get3A_554 = tpu.vector_load %arg11[%get3A_553] {strides = array<i32>} : memref<256xi32, #tpu.memory_space<vmem>>, vector<16xi32>,
          %swap3A_555 = arith.constant 96 : index
          %swap3A_556 = tpu.vector_load %arg11[%swap3A_555] {strides = array<i32>} : memref<256xi32, #tpu.memory_space<vmem>>, vector<16xi32>,
          tpu.vector_store %arg11[%swap3A_555], %get3A_554 {strides = array<i32>} : memref<256xi32, #tpu.memory_space<vmem>>, vector<16xi32>,
          %get3A_557 = arith.constant 240 : index
          %get3A_558 = tpu.vector_load %arg11[%get3A_557] {strides = array<i32>} : memref<256xi32, #tpu.memory_space<vmem>>, vector<16xi32>,
          %swap3A_559 = arith.constant 112 : index
          %swap3A_560 = tpu.vector_load %arg11[%swap3A_559] {strides = array<i32>} : memref<256xi32, #tpu.memory_space<vmem>>, vector<16xi32>,
          tpu.vector_store %arg11[%swap3A_559], %get3A_558 {strides = array<i32>} : memref<256xi32, #tpu.memory_space<vmem>>, vector<16xi32>,
        } else {
        }
        %ge3A_458 = arith.constant 128 : i32
        %ge3A_459 = arith.cmpi sge, %add3A_453, %ge3A_458 : i32
        %sub3A_460 = arith.constant 128 : i32
        %sub3A_461 = arith.subi %add3A_453, %sub3A_460 : i32
        %select_n3A = arith.select %ge3A_459, %sub3A_461, %add3A_453 : i32
        scf.yield %select_n3A : i32
      }
      %scan3A_133 = arith.constant 25 : i32
      %add3A_134 = arith.constant 1 : i32
      %add3A_135 = arith.addi %mul3A_110, %add3A_134 : i32
      %mul3A_136 = arith.constant 3200 : i32
      %mul3A_137 = arith.muli %add3A_135, %mul3A_136 : i32
      %dma_wait3A_138 = tpu.memref_slice %arg3[%mul3A_137] : memref<160000xi32, #tpu.memory_space<hbm>> -> memref<3200xi32, #tpu.memory_space<hbm>>
      %dma_wait3A_139 = tpu.memref_slice %arg3[%mul3A_137] : memref<160000xi32, #tpu.memory_space<hbm>> -> memref<3200xi32, #tpu.memory_space<hbm>>
      tpu.wait_dma2 semaphore(%arg18 : memref<!tpu.dma_semaphore, #tpu.memory_space<semaphore_mem>>) src(%dma_wait3A_139 : memref<3200xi32, #tpu.memory_space<hbm>>) dst(%arg9 : memref<3200xi32, #tpu.memory_space<vmem>>)
      %mul3A_140 = arith.constant 3200 : i32
      %mul3A_141 = arith.muli %add3A_135, %mul3A_140 : i32
      %dma_wait3A_142 = tpu.memref_slice %arg4[%mul3A_141] : memref<160000xi32, #tpu.memory_space<hbm>> -> memref<3200xi32, #tpu.memory_space<hbm>>
      %dma_wait3A_143 = tpu.memref_slice %arg4[%mul3A_141] : memref<160000xi32, #tpu.memory_space<hbm>> -> memref<3200xi32, #tpu.memory_space<hbm>>
      tpu.wait_dma2 semaphore(%arg18 : memref<!tpu.dma_semaphore, #tpu.memory_space<semaphore_mem>>) src(%dma_wait3A_143 : memref<3200xi32, #tpu.memory_space<hbm>>) dst(%arg10 : memref<3200xi32, #tpu.memory_space<vmem>>)
      %lt3A_144 = arith.constant 24 : i32
      %lt3A_145 = arith.cmpi slt, %scan3A_107, %lt3A_144 : i32
      %convert_element_type3A_146 = arith.extui %lt3A_145 : i1 to i32
      %cond3A_147 = arith.constant 0 : i32
      %cond3A_148 = arith.cmpi ne, %convert_element_type3A_146, %cond3A_147 : i32
      scf.if %cond3A_148 {
        %add3A_155 = arith.constant 2 : i32
        %add3A_156 = arith.addi %mul3A_110, %add3A_155 : i32
        %mul3A_157 = arith.constant 3200 : i32
        %mul3A_158 = arith.muli %add3A_156, %mul3A_157 : i32
        %dma_start3A_159 = tpu.memref_slice %arg3[%mul3A_158] : memref<160000xi32, #tpu.memory_space<hbm>> -> memref<3200xi32, #tpu.memory_space<hbm>>
        %dma_start3A_160 = tpu.memref_slice %arg3[%mul3A_158] : memref<160000xi32, #tpu.memory_space<hbm>> -> memref<3200xi32, #tpu.memory_space<hbm>>
        tpu.enqueue_dma source(%dma_start3A_160 : memref<3200xi32, #tpu.memory_space<hbm>>) target(%arg7 : memref<3200xi32, #tpu.memory_space<vmem>>) target_semaphore(%arg17 : memref<!tpu.dma_semaphore, #tpu.memory_space<semaphore_mem>>)
        %mul3A_161 = arith.constant 3200 : i32
        %mul3A_162 = arith.muli %add3A_156, %mul3A_161 : i32
        %dma_start3A_163 = tpu.memref_slice %arg4[%mul3A_162] : memref<160000xi32, #tpu.memory_space<hbm>> -> memref<3200xi32, #tpu.memory_space<hbm>>
        %dma_start3A_164 = tpu.memref_slice %arg4[%mul3A_162] : memref<160000xi32, #tpu.memory_space<hbm>> -> memref<3200xi32, #tpu.memory_space<hbm>>
        tpu.enqueue_dma source(%dma_start3A_164 : memref<3200xi32, #tpu.memory_space<hbm>>) target(%arg8 : memref<3200xi32, #tpu.memory_space<vmem>>) target_semaphore(%arg17 : memref<!tpu.dma_semaphore, #tpu.memory_space<semaphore_mem>>)
      } else {
      }
      %scan3A_149 = arith.constant 0 : i32
      %scan3A_150 = arith.constant 25 : i32
      %scan3A_151 = arith.addi %scan3A_149, %scan3A_150 : i32
      %scan3A_152 = arith.constant 1 : i32
      %scan3A_153 = scf.for %scan3A_155 = %scan3A_149 to %scan3A_151 step %scan3A_152 iter_args(%scan3A_156 = %scan3A_132) -> (i32)  : i32 {
        %mul3A_157 = arith.constant 8 : i32
        %mul3A_158 = arith.muli %scan3A_155, %mul3A_157 : i32
        %add3A_159 = arith.constant 0 : i32
        %add3A_160 = arith.addi %mul3A_158, %add3A_159 : i32
        %mul3A_161 = arith.constant 16 : i32
        %mul3A_162 = arith.muli %add3A_160, %mul3A_161 : i32
        %get3A = arith.index_cast %mul3A_162 : i32 to index
        %get3A_163 = tpu.vector_load %arg10[%get3A] {strides = array<i32>} : memref<3200xi32, #tpu.memory_space<vmem>>, vector<16xi32>,
        %mul3A_164 = arith.constant 16 : i32
        %mul3A_165 = arith.muli %add3A_160, %mul3A_164 : i32
        %get3A_166 = arith.index_cast %mul3A_165 : i32 to index
        %get3A_167 = tpu.vector_load %arg9[%get3A_166] {strides = array<i32>} : memref<3200xi32, #tpu.memory_space<vmem>>, vector<16xi32>,
        %sub3A = vector.broadcast %mul3A_2 : i32 to vector<16xi32>
        %sub3A_168 = arith.subi %get3A_163, %sub3A : vector<16xi32>
        %lt3A_169 = arith.constant 320 : i32
        %lt3A_170 = vector.broadcast %lt3A_169 : i32 to vector<16xi32>
        %lt3A_171 = arith.cmpi ult, %sub3A_168, %lt3A_170 : vector<16xi32>
        %all_reduce_population_count3A = tpu.all_reduce %lt3A_171 {dim = 0 : i64, kind = #tpu.reduction_kind<sum>} : vector<16xi1> -> vector<16xi32>
        %slice3A = vector.extract_strided_slice %all_reduce_population_count3A {offsets = [0], sizes = [1], strides = [1]} : vector<16xi32> to vector<1xi32>
        %squeeze3A = vector.extract %slice3A[0] : i32 from vector<1xi32>
        %min3A = arith.constant 320 : i32
        %min3A_172 = vector.broadcast %min3A : i32 to vector<16xi32>
        %min3A_173 = arith.minui %sub3A_168, %min3A_172 : vector<16xi32>
        %mul3A_174 = arith.constant 16384 : i32
        %mul3A_175 = vector.broadcast %mul3A_174 : i32 to vector<16xi32>
        %mul3A_176 = arith.muli %min3A_173, %mul3A_175 : vector<16xi32>
        %add3A_177 = arith.addi %mul3A_176, %get3A_167 : vector<16xi32>
        %masked_sort3A = arith.constant dense<true> : vector<16xi1>
        %masked_sort3A_178 = arith.constant -2147483648 : i32
        %masked_sort3A_179 = vector.broadcast %masked_sort3A_178 : i32 to vector<16xi32>
        %masked_sort3A_180 = arith.xori %add3A_177, %masked_sort3A_179 : vector<16xi32>
        %masked_sort3A_181, %masked_sort3A_182, %masked_sort3A_183 = tpu.sort %masked_sort3A_180, %add3A_177 masked %masked_sort3A : (vector<16xi32>, vector<16xi32>, vector<16xi1>) -> (vector<16xi1>, vector<16xi32>, vector<16xi32>)
        %masked_sort3A_184 = arith.xori %masked_sort3A_182, %masked_sort3A_179 : vector<16xi32>
        %mul3A_185 = arith.constant 8 : i32
        %mul3A_186 = arith.muli %scan3A_155, %mul3A_185 : i32
        %add3A_187 = arith.constant 1 : i32
        %add3A_188 = arith.addi %mul3A_186, %add3A_187 : i32
        %mul3A_189 = arith.constant 16 : i32
        %mul3A_190 = arith.muli %add3A_188, %mul3A_189 : i32
        %get3A_191 = arith.index_cast %mul3A_190 : i32 to index
        %get3A_192 = tpu.vector_load %arg10[%get3A_191] {strides = array<i32>} : memref<3200xi32, #tpu.memory_space<vmem>>, vector<16xi32>,
        %mul3A_193 = arith.constant 16 : i32
        %mul3A_194 = arith.muli %add3A_188, %mul3A_193 : i32
        %get3A_195 = arith.index_cast %mul3A_194 : i32 to index
        %get3A_196 = tpu.vector_load %arg9[%get3A_195] {strides = array<i32>} : memref<3200xi32, #tpu.memory_space<vmem>>, vector<16xi32>,
        %sub3A_197 = vector.broadcast %mul3A_2 : i32 to vector<16xi32>
        %sub3A_198 = arith.subi %get3A_192, %sub3A_197 : vector<16xi32>
        %lt3A_199 = arith.constant 320 : i32
        %lt3A_200 = vector.broadcast %lt3A_199 : i32 to vector<16xi32>
        %lt3A_201 = arith.cmpi ult, %sub3A_198, %lt3A_200 : vector<16xi32>
        %all_reduce_population_count3A_202 = tpu.all_reduce %lt3A_201 {dim = 0 : i64, kind = #tpu.reduction_kind<sum>} : vector<16xi1> -> vector<16xi32>
        %slice3A_203 = vector.extract_strided_slice %all_reduce_population_count3A_202 {offsets = [0], sizes = [1], strides = [1]} : vector<16xi32> to vector<1xi32>
        %squeeze3A_204 = vector.extract %slice3A_203[0] : i32 from vector<1xi32>
        %min3A_205 = arith.constant 320 : i32
        %min3A_206 = vector.broadcast %min3A_205 : i32 to vector<16xi32>
        %min3A_207 = arith.minui %sub3A_198, %min3A_206 : vector<16xi32>
        %mul3A_208 = arith.constant 16384 : i32
        %mul3A_209 = vector.broadcast %mul3A_208 : i32 to vector<16xi32>
        %mul3A_210 = arith.muli %min3A_207, %mul3A_209 : vector<16xi32>
        %add3A_211 = arith.addi %mul3A_210, %get3A_196 : vector<16xi32>
        %masked_sort3A_212 = arith.constant dense<true> : vector<16xi1>
        %masked_sort3A_213 = arith.constant -2147483648 : i32
        %masked_sort3A_214 = vector.broadcast %masked_sort3A_213 : i32 to vector<16xi32>
        %masked_sort3A_215 = arith.xori %add3A_211, %masked_sort3A_214 : vector<16xi32>
        %masked_sort3A_216, %masked_sort3A_217, %masked_sort3A_218 = tpu.sort %masked_sort3A_215, %add3A_211 masked %masked_sort3A_212 : (vector<16xi32>, vector<16xi32>, vector<16xi1>) -> (vector<16xi1>, vector<16xi32>, vector<16xi32>)
        %masked_sort3A_219 = arith.xori %masked_sort3A_217, %masked_sort3A_214 : vector<16xi32>
        %mul3A_220 = arith.constant 8 : i32
        %mul3A_221 = arith.muli %scan3A_155, %mul3A_220 : i32
        %add3A_222 = arith.constant 2 : i32
        %add3A_223 = arith.addi %mul3A_221, %add3A_222 : i32
        %mul3A_224 = arith.constant 16 : i32
        %mul3A_225 = arith.muli %add3A_223, %mul3A_224 : i32
        %get3A_226 = arith.index_cast %mul3A_225 : i32 to index
        %get3A_227 = tpu.vector_load %arg10[%get3A_226] {strides = array<i32>} : memref<3200xi32, #tpu.memory_space<vmem>>, vector<16xi32>,
        %mul3A_228 = arith.constant 16 : i32
        %mul3A_229 = arith.muli %add3A_223, %mul3A_228 : i32
        %get3A_230 = arith.index_cast %mul3A_229 : i32 to index
        %get3A_231 = tpu.vector_load %arg9[%get3A_230] {strides = array<i32>} : memref<3200xi32, #tpu.memory_space<vmem>>, vector<16xi32>,
        %sub3A_232 = vector.broadcast %mul3A_2 : i32 to vector<16xi32>
        %sub3A_233 = arith.subi %get3A_227, %sub3A_232 : vector<16xi32>
        %lt3A_234 = arith.constant 320 : i32
        %lt3A_235 = vector.broadcast %lt3A_234 : i32 to vector<16xi32>
        %lt3A_236 = arith.cmpi ult, %sub3A_233, %lt3A_235 : vector<16xi32>
        %all_reduce_population_count3A_237 = tpu.all_reduce %lt3A_236 {dim = 0 : i64, kind = #tpu.reduction_kind<sum>} : vector<16xi1> -> vector<16xi32>
        %slice3A_238 = vector.extract_strided_slice %all_reduce_population_count3A_237 {offsets = [0], sizes = [1], strides = [1]} : vector<16xi32> to vector<1xi32>
        %squeeze3A_239 = vector.extract %slice3A_238[0] : i32 from vector<1xi32>
        %min3A_240 = arith.constant 320 : i32
        %min3A_241 = vector.broadcast %min3A_240 : i32 to vector<16xi32>
        %min3A_242 = arith.minui %sub3A_233, %min3A_241 : vector<16xi32>
        %mul3A_243 = arith.constant 16384 : i32
        %mul3A_244 = vector.broadcast %mul3A_243 : i32 to vector<16xi32>
        %mul3A_245 = arith.muli %min3A_242, %mul3A_244 : vector<16xi32>
        %add3A_246 = arith.addi %mul3A_245, %get3A_231 : vector<16xi32>
        %masked_sort3A_247 = arith.constant dense<true> : vector<16xi1>
        %masked_sort3A_248 = arith.constant -2147483648 : i32
        %masked_sort3A_249 = vector.broadcast %masked_sort3A_248 : i32 to vector<16xi32>
        %masked_sort3A_250 = arith.xori %add3A_246, %masked_sort3A_249 : vector<16xi32>
        %masked_sort3A_251, %masked_sort3A_252, %masked_sort3A_253 = tpu.sort %masked_sort3A_250, %add3A_246 masked %masked_sort3A_247 : (vector<16xi32>, vector<16xi32>, vector<16xi1>) -> (vector<16xi1>, vector<16xi32>, vector<16xi32>)
        %masked_sort3A_254 = arith.xori %masked_sort3A_252, %masked_sort3A_249 : vector<16xi32>
        %mul3A_255 = arith.constant 8 : i32
        %mul3A_256 = arith.muli %scan3A_155, %mul3A_255 : i32
        %add3A_257 = arith.constant 3 : i32
        %add3A_258 = arith.addi %mul3A_256, %add3A_257 : i32
        %mul3A_259 = arith.constant 16 : i32
        %mul3A_260 = arith.muli %add3A_258, %mul3A_259 : i32
        %get3A_261 = arith.index_cast %mul3A_260 : i32 to index
        %get3A_262 = tpu.vector_load %arg10[%get3A_261] {strides = array<i32>} : memref<3200xi32, #tpu.memory_space<vmem>>, vector<16xi32>,
        %mul3A_263 = arith.constant 16 : i32
        %mul3A_264 = arith.muli %add3A_258, %mul3A_263 : i32
        %get3A_265 = arith.index_cast %mul3A_264 : i32 to index
        %get3A_266 = tpu.vector_load %arg9[%get3A_265] {strides = array<i32>} : memref<3200xi32, #tpu.memory_space<vmem>>, vector<16xi32>,
        %sub3A_267 = vector.broadcast %mul3A_2 : i32 to vector<16xi32>
        %sub3A_268 = arith.subi %get3A_262, %sub3A_267 : vector<16xi32>
        %lt3A_269 = arith.constant 320 : i32
        %lt3A_270 = vector.broadcast %lt3A_269 : i32 to vector<16xi32>
        %lt3A_271 = arith.cmpi ult, %sub3A_268, %lt3A_270 : vector<16xi32>
        %all_reduce_population_count3A_272 = tpu.all_reduce %lt3A_271 {dim = 0 : i64, kind = #tpu.reduction_kind<sum>} : vector<16xi1> -> vector<16xi32>
        %slice3A_273 = vector.extract_strided_slice %all_reduce_population_count3A_272 {offsets = [0], sizes = [1], strides = [1]} : vector<16xi32> to vector<1xi32>
        %squeeze3A_274 = vector.extract %slice3A_273[0] : i32 from vector<1xi32>
        %min3A_275 = arith.constant 320 : i32
        %min3A_276 = vector.broadcast %min3A_275 : i32 to vector<16xi32>
        %min3A_277 = arith.minui %sub3A_268, %min3A_276 : vector<16xi32>
        %mul3A_278 = arith.constant 16384 : i32
        %mul3A_279 = vector.broadcast %mul3A_278 : i32 to vector<16xi32>
        %mul3A_280 = arith.muli %min3A_277, %mul3A_279 : vector<16xi32>
        %add3A_281 = arith.addi %mul3A_280, %get3A_266 : vector<16xi32>
        %masked_sort3A_282 = arith.constant dense<true> : vector<16xi1>
        %masked_sort3A_283 = arith.constant -2147483648 : i32
        %masked_sort3A_284 = vector.broadcast %masked_sort3A_283 : i32 to vector<16xi32>
        %masked_sort3A_285 = arith.xori %add3A_281, %masked_sort3A_284 : vector<16xi32>
        %masked_sort3A_286, %masked_sort3A_287, %masked_sort3A_288 = tpu.sort %masked_sort3A_285, %add3A_281 masked %masked_sort3A_282 : (vector<16xi32>, vector<16xi32>, vector<16xi1>) -> (vector<16xi1>, vector<16xi32>, vector<16xi32>)
        %masked_sort3A_289 = arith.xori %masked_sort3A_287, %masked_sort3A_284 : vector<16xi32>
        %mul3A_290 = arith.constant 8 : i32
        %mul3A_291 = arith.muli %scan3A_155, %mul3A_290 : i32
        %add3A_292 = arith.constant 4 : i32
        %add3A_293 = arith.addi %mul3A_291, %add3A_292 : i32
        %mul3A_294 = arith.constant 16 : i32
        %mul3A_295 = arith.muli %add3A_293, %mul3A_294 : i32
        %get3A_296 = arith.index_cast %mul3A_295 : i32 to index
        %get3A_297 = tpu.vector_load %arg10[%get3A_296] {strides = array<i32>} : memref<3200xi32, #tpu.memory_space<vmem>>, vector<16xi32>,
        %mul3A_298 = arith.constant 16 : i32
        %mul3A_299 = arith.muli %add3A_293, %mul3A_298 : i32
        %get3A_300 = arith.index_cast %mul3A_299 : i32 to index
        %get3A_301 = tpu.vector_load %arg9[%get3A_300] {strides = array<i32>} : memref<3200xi32, #tpu.memory_space<vmem>>, vector<16xi32>,
        %sub3A_302 = vector.broadcast %mul3A_2 : i32 to vector<16xi32>
        %sub3A_303 = arith.subi %get3A_297, %sub3A_302 : vector<16xi32>
        %lt3A_304 = arith.constant 320 : i32
        %lt3A_305 = vector.broadcast %lt3A_304 : i32 to vector<16xi32>
        %lt3A_306 = arith.cmpi ult, %sub3A_303, %lt3A_305 : vector<16xi32>
        %all_reduce_population_count3A_307 = tpu.all_reduce %lt3A_306 {dim = 0 : i64, kind = #tpu.reduction_kind<sum>} : vector<16xi1> -> vector<16xi32>
        %slice3A_308 = vector.extract_strided_slice %all_reduce_population_count3A_307 {offsets = [0], sizes = [1], strides = [1]} : vector<16xi32> to vector<1xi32>
        %squeeze3A_309 = vector.extract %slice3A_308[0] : i32 from vector<1xi32>
        %min3A_310 = arith.constant 320 : i32
        %min3A_311 = vector.broadcast %min3A_310 : i32 to vector<16xi32>
        %min3A_312 = arith.minui %sub3A_303, %min3A_311 : vector<16xi32>
        %mul3A_313 = arith.constant 16384 : i32
        %mul3A_314 = vector.broadcast %mul3A_313 : i32 to vector<16xi32>
        %mul3A_315 = arith.muli %min3A_312, %mul3A_314 : vector<16xi32>
        %add3A_316 = arith.addi %mul3A_315, %get3A_301 : vector<16xi32>
        %masked_sort3A_317 = arith.constant dense<true> : vector<16xi1>
        %masked_sort3A_318 = arith.constant -2147483648 : i32
        %masked_sort3A_319 = vector.broadcast %masked_sort3A_318 : i32 to vector<16xi32>
        %masked_sort3A_320 = arith.xori %add3A_316, %masked_sort3A_319 : vector<16xi32>
        %masked_sort3A_321, %masked_sort3A_322, %masked_sort3A_323 = tpu.sort %masked_sort3A_320, %add3A_316 masked %masked_sort3A_317 : (vector<16xi32>, vector<16xi32>, vector<16xi1>) -> (vector<16xi1>, vector<16xi32>, vector<16xi32>)
        %masked_sort3A_324 = arith.xori %masked_sort3A_322, %masked_sort3A_319 : vector<16xi32>
        %mul3A_325 = arith.constant 8 : i32
        %mul3A_326 = arith.muli %scan3A_155, %mul3A_325 : i32
        %add3A_327 = arith.constant 5 : i32
        %add3A_328 = arith.addi %mul3A_326, %add3A_327 : i32
        %mul3A_329 = arith.constant 16 : i32
        %mul3A_330 = arith.muli %add3A_328, %mul3A_329 : i32
        %get3A_331 = arith.index_cast %mul3A_330 : i32 to index
        %get3A_332 = tpu.vector_load %arg10[%get3A_331] {strides = array<i32>} : memref<3200xi32, #tpu.memory_space<vmem>>, vector<16xi32>,
        %mul3A_333 = arith.constant 16 : i32
        %mul3A_334 = arith.muli %add3A_328, %mul3A_333 : i32
        %get3A_335 = arith.index_cast %mul3A_334 : i32 to index
        %get3A_336 = tpu.vector_load %arg9[%get3A_335] {strides = array<i32>} : memref<3200xi32, #tpu.memory_space<vmem>>, vector<16xi32>,
        %sub3A_337 = vector.broadcast %mul3A_2 : i32 to vector<16xi32>
        %sub3A_338 = arith.subi %get3A_332, %sub3A_337 : vector<16xi32>
        %lt3A_339 = arith.constant 320 : i32
        %lt3A_340 = vector.broadcast %lt3A_339 : i32 to vector<16xi32>
        %lt3A_341 = arith.cmpi ult, %sub3A_338, %lt3A_340 : vector<16xi32>
        %all_reduce_population_count3A_342 = tpu.all_reduce %lt3A_341 {dim = 0 : i64, kind = #tpu.reduction_kind<sum>} : vector<16xi1> -> vector<16xi32>
        %slice3A_343 = vector.extract_strided_slice %all_reduce_population_count3A_342 {offsets = [0], sizes = [1], strides = [1]} : vector<16xi32> to vector<1xi32>
        %squeeze3A_344 = vector.extract %slice3A_343[0] : i32 from vector<1xi32>
        %min3A_345 = arith.constant 320 : i32
        %min3A_346 = vector.broadcast %min3A_345 : i32 to vector<16xi32>
        %min3A_347 = arith.minui %sub3A_338, %min3A_346 : vector<16xi32>
        %mul3A_348 = arith.constant 16384 : i32
        %mul3A_349 = vector.broadcast %mul3A_348 : i32 to vector<16xi32>
        %mul3A_350 = arith.muli %min3A_347, %mul3A_349 : vector<16xi32>
        %add3A_351 = arith.addi %mul3A_350, %get3A_336 : vector<16xi32>
        %masked_sort3A_352 = arith.constant dense<true> : vector<16xi1>
        %masked_sort3A_353 = arith.constant -2147483648 : i32
        %masked_sort3A_354 = vector.broadcast %masked_sort3A_353 : i32 to vector<16xi32>
        %masked_sort3A_355 = arith.xori %add3A_351, %masked_sort3A_354 : vector<16xi32>
        %masked_sort3A_356, %masked_sort3A_357, %masked_sort3A_358 = tpu.sort %masked_sort3A_355, %add3A_351 masked %masked_sort3A_352 : (vector<16xi32>, vector<16xi32>, vector<16xi1>) -> (vector<16xi1>, vector<16xi32>, vector<16xi32>)
        %masked_sort3A_359 = arith.xori %masked_sort3A_357, %masked_sort3A_354 : vector<16xi32>
        %mul3A_360 = arith.constant 8 : i32
        %mul3A_361 = arith.muli %scan3A_155, %mul3A_360 : i32
        %add3A_362 = arith.constant 6 : i32
        %add3A_363 = arith.addi %mul3A_361, %add3A_362 : i32
        %mul3A_364 = arith.constant 16 : i32
        %mul3A_365 = arith.muli %add3A_363, %mul3A_364 : i32
        %get3A_366 = arith.index_cast %mul3A_365 : i32 to index
        %get3A_367 = tpu.vector_load %arg10[%get3A_366] {strides = array<i32>} : memref<3200xi32, #tpu.memory_space<vmem>>, vector<16xi32>,
        %mul3A_368 = arith.constant 16 : i32
        %mul3A_369 = arith.muli %add3A_363, %mul3A_368 : i32
        %get3A_370 = arith.index_cast %mul3A_369 : i32 to index
        %get3A_371 = tpu.vector_load %arg9[%get3A_370] {strides = array<i32>} : memref<3200xi32, #tpu.memory_space<vmem>>, vector<16xi32>,
        %sub3A_372 = vector.broadcast %mul3A_2 : i32 to vector<16xi32>
        %sub3A_373 = arith.subi %get3A_367, %sub3A_372 : vector<16xi32>
        %lt3A_374 = arith.constant 320 : i32
        %lt3A_375 = vector.broadcast %lt3A_374 : i32 to vector<16xi32>
        %lt3A_376 = arith.cmpi ult, %sub3A_373, %lt3A_375 : vector<16xi32>
        %all_reduce_population_count3A_377 = tpu.all_reduce %lt3A_376 {dim = 0 : i64, kind = #tpu.reduction_kind<sum>} : vector<16xi1> -> vector<16xi32>
        %slice3A_378 = vector.extract_strided_slice %all_reduce_population_count3A_377 {offsets = [0], sizes = [1], strides = [1]} : vector<16xi32> to vector<1xi32>
        %squeeze3A_379 = vector.extract %slice3A_378[0] : i32 from vector<1xi32>
        %min3A_380 = arith.constant 320 : i32
        %min3A_381 = vector.broadcast %min3A_380 : i32 to vector<16xi32>
        %min3A_382 = arith.minui %sub3A_373, %min3A_381 : vector<16xi32>
        %mul3A_383 = arith.constant 16384 : i32
        %mul3A_384 = vector.broadcast %mul3A_383 : i32 to vector<16xi32>
        %mul3A_385 = arith.muli %min3A_382, %mul3A_384 : vector<16xi32>
        %add3A_386 = arith.addi %mul3A_385, %get3A_371 : vector<16xi32>
        %masked_sort3A_387 = arith.constant dense<true> : vector<16xi1>
        %masked_sort3A_388 = arith.constant -2147483648 : i32
        %masked_sort3A_389 = vector.broadcast %masked_sort3A_388 : i32 to vector<16xi32>
        %masked_sort3A_390 = arith.xori %add3A_386, %masked_sort3A_389 : vector<16xi32>
        %masked_sort3A_391, %masked_sort3A_392, %masked_sort3A_393 = tpu.sort %masked_sort3A_390, %add3A_386 masked %masked_sort3A_387 : (vector<16xi32>, vector<16xi32>, vector<16xi1>) -> (vector<16xi1>, vector<16xi32>, vector<16xi32>)
        %masked_sort3A_394 = arith.xori %masked_sort3A_392, %masked_sort3A_389 : vector<16xi32>
        %mul3A_395 = arith.constant 8 : i32
        %mul3A_396 = arith.muli %scan3A_155, %mul3A_395 : i32
        %add3A_397 = arith.constant 7 : i32
        %add3A_398 = arith.addi %mul3A_396, %add3A_397 : i32
        %mul3A_399 = arith.constant 16 : i32
        %mul3A_400 = arith.muli %add3A_398, %mul3A_399 : i32
        %get3A_401 = arith.index_cast %mul3A_400 : i32 to index
        %get3A_402 = tpu.vector_load %arg10[%get3A_401] {strides = array<i32>} : memref<3200xi32, #tpu.memory_space<vmem>>, vector<16xi32>,
        %mul3A_403 = arith.constant 16 : i32
        %mul3A_404 = arith.muli %add3A_398, %mul3A_403 : i32
        %get3A_405 = arith.index_cast %mul3A_404 : i32 to index
        %get3A_406 = tpu.vector_load %arg9[%get3A_405] {strides = array<i32>} : memref<3200xi32, #tpu.memory_space<vmem>>, vector<16xi32>,
        %sub3A_407 = vector.broadcast %mul3A_2 : i32 to vector<16xi32>
        %sub3A_408 = arith.subi %get3A_402, %sub3A_407 : vector<16xi32>
        %lt3A_409 = arith.constant 320 : i32
        %lt3A_410 = vector.broadcast %lt3A_409 : i32 to vector<16xi32>
        %lt3A_411 = arith.cmpi ult, %sub3A_408, %lt3A_410 : vector<16xi32>
        %all_reduce_population_count3A_412 = tpu.all_reduce %lt3A_411 {dim = 0 : i64, kind = #tpu.reduction_kind<sum>} : vector<16xi1> -> vector<16xi32>
        %slice3A_413 = vector.extract_strided_slice %all_reduce_population_count3A_412 {offsets = [0], sizes = [1], strides = [1]} : vector<16xi32> to vector<1xi32>
        %squeeze3A_414 = vector.extract %slice3A_413[0] : i32 from vector<1xi32>
        %min3A_415 = arith.constant 320 : i32
        %min3A_416 = vector.broadcast %min3A_415 : i32 to vector<16xi32>
        %min3A_417 = arith.minui %sub3A_408, %min3A_416 : vector<16xi32>
        %mul3A_418 = arith.constant 16384 : i32
        %mul3A_419 = vector.broadcast %mul3A_418 : i32 to vector<16xi32>
        %mul3A_420 = arith.muli %min3A_417, %mul3A_419 : vector<16xi32>
        %add3A_421 = arith.addi %mul3A_420, %get3A_406 : vector<16xi32>
        %masked_sort3A_422 = arith.constant dense<true> : vector<16xi1>
        %masked_sort3A_423 = arith.constant -2147483648 : i32
        %masked_sort3A_424 = vector.broadcast %masked_sort3A_423 : i32 to vector<16xi32>
        %masked_sort3A_425 = arith.xori %add3A_421, %masked_sort3A_424 : vector<16xi32>
        %masked_sort3A_426, %masked_sort3A_427, %masked_sort3A_428 = tpu.sort %masked_sort3A_425, %add3A_421 masked %masked_sort3A_422 : (vector<16xi32>, vector<16xi32>, vector<16xi1>) -> (vector<16xi1>, vector<16xi32>, vector<16xi32>)
        %masked_sort3A_429 = arith.xori %masked_sort3A_427, %masked_sort3A_424 : vector<16xi32>
        %swap3A_430 = arith.index_cast %scan3A_156 : i32 to index
        %swap3A_431 = tpu.vector_load %arg11[%swap3A_430] {strides = array<i32>} : memref<256xi32, #tpu.memory_space<vmem>>, vector<16xi32>,
        tpu.vector_store %arg11[%swap3A_430], %masked_sort3A_183 {strides = array<i32>} : memref<256xi32, #tpu.memory_space<vmem>>, vector<16xi32>,
        %add3A_432 = arith.addi %scan3A_156, %squeeze3A : i32
        %swap3A_433 = arith.index_cast %add3A_432 : i32 to index
        %swap3A_434 = tpu.vector_load %arg11[%swap3A_433] {strides = array<i32>} : memref<256xi32, #tpu.memory_space<vmem>>, vector<16xi32>,
        tpu.vector_store %arg11[%swap3A_433], %masked_sort3A_218 {strides = array<i32>} : memref<256xi32, #tpu.memory_space<vmem>>, vector<16xi32>,
        %add3A_435 = arith.addi %add3A_432, %squeeze3A_204 : i32
        %swap3A_436 = arith.index_cast %add3A_435 : i32 to index
        %swap3A_437 = tpu.vector_load %arg11[%swap3A_436] {strides = array<i32>} : memref<256xi32, #tpu.memory_space<vmem>>, vector<16xi32>,
        tpu.vector_store %arg11[%swap3A_436], %masked_sort3A_253 {strides = array<i32>} : memref<256xi32, #tpu.memory_space<vmem>>, vector<16xi32>,
        %add3A_438 = arith.addi %add3A_435, %squeeze3A_239 : i32
        %swap3A_439 = arith.index_cast %add3A_438 : i32 to index
        %swap3A_440 = tpu.vector_load %arg11[%swap3A_439] {strides = array<i32>} : memref<256xi32, #tpu.memory_space<vmem>>, vector<16xi32>,
        tpu.vector_store %arg11[%swap3A_439], %masked_sort3A_288 {strides = array<i32>} : memref<256xi32, #tpu.memory_space<vmem>>, vector<16xi32>,
        %add3A_441 = arith.addi %add3A_438, %squeeze3A_274 : i32
        %swap3A_442 = arith.index_cast %add3A_441 : i32 to index
        %swap3A_443 = tpu.vector_load %arg11[%swap3A_442] {strides = array<i32>} : memref<256xi32, #tpu.memory_space<vmem>>, vector<16xi32>,
        tpu.vector_store %arg11[%swap3A_442], %masked_sort3A_323 {strides = array<i32>} : memref<256xi32, #tpu.memory_space<vmem>>, vector<16xi32>,
        %add3A_444 = arith.addi %add3A_441, %squeeze3A_309 : i32
        %swap3A_445 = arith.index_cast %add3A_444 : i32 to index
        %swap3A_446 = tpu.vector_load %arg11[%swap3A_445] {strides = array<i32>} : memref<256xi32, #tpu.memory_space<vmem>>, vector<16xi32>,
        tpu.vector_store %arg11[%swap3A_445], %masked_sort3A_358 {strides = array<i32>} : memref<256xi32, #tpu.memory_space<vmem>>, vector<16xi32>,
        %add3A_447 = arith.addi %add3A_444, %squeeze3A_344 : i32
        %swap3A_448 = arith.index_cast %add3A_447 : i32 to index
        %swap3A_449 = tpu.vector_load %arg11[%swap3A_448] {strides = array<i32>} : memref<256xi32, #tpu.memory_space<vmem>>, vector<16xi32>,
        tpu.vector_store %arg11[%swap3A_448], %masked_sort3A_393 {strides = array<i32>} : memref<256xi32, #tpu.memory_space<vmem>>, vector<16xi32>,
        %add3A_450 = arith.addi %add3A_447, %squeeze3A_379 : i32
        %swap3A_451 = arith.index_cast %add3A_450 : i32 to index
        %swap3A_452 = tpu.vector_load %arg11[%swap3A_451] {strides = array<i32>} : memref<256xi32, #tpu.memory_space<vmem>>, vector<16xi32>,
        tpu.vector_store %arg11[%swap3A_451], %masked_sort3A_428 {strides = array<i32>} : memref<256xi32, #tpu.memory_space<vmem>>, vector<16xi32>,
        %add3A_453 = arith.addi %add3A_450, %squeeze3A_414 : i32
        %ge3A = arith.constant 128 : i32
        %ge3A_454 = arith.cmpi sge, %add3A_453, %ge3A : i32
        %convert_element_type3A_455 = arith.extui %ge3A_454 : i1 to i32
        %cond3A_456 = arith.constant 0 : i32
        %cond3A_457 = arith.cmpi ne, %convert_element_type3A_455, %cond3A_456 : i32
        scf.if %cond3A_457 {
          %get3A_462 = arith.constant 0 : index
          %get3A_463 = tpu.vector_load %arg11[%get3A_462] {strides = array<i32>} : memref<256xi32, #tpu.memory_space<vmem>>, vector<16xi32>,
          %and3A = arith.constant 16383 : i32
          %and3A_464 = vector.broadcast %and3A : i32 to vector<16xi32>
          %and3A_465 = arith.andi %get3A_463, %and3A_464 : vector<16xi32>
          %swap3A_466 = arith.constant 0 : index
          %swap3A_467 = tpu.vector_load %arg12[%swap3A_466] {strides = array<i32>} : memref<128xi32, #tpu.memory_space<vmem>>, vector<16xi32>,
          tpu.vector_store %arg12[%swap3A_466], %and3A_465 {strides = array<i32>} : memref<128xi32, #tpu.memory_space<vmem>>, vector<16xi32>,
          %get3A_468 = arith.constant 16 : index
          %get3A_469 = tpu.vector_load %arg11[%get3A_468] {strides = array<i32>} : memref<256xi32, #tpu.memory_space<vmem>>, vector<16xi32>,
          %and3A_470 = arith.constant 16383 : i32
          %and3A_471 = vector.broadcast %and3A_470 : i32 to vector<16xi32>
          %and3A_472 = arith.andi %get3A_469, %and3A_471 : vector<16xi32>
          %swap3A_473 = arith.constant 16 : index
          %swap3A_474 = tpu.vector_load %arg12[%swap3A_473] {strides = array<i32>} : memref<128xi32, #tpu.memory_space<vmem>>, vector<16xi32>,
          tpu.vector_store %arg12[%swap3A_473], %and3A_472 {strides = array<i32>} : memref<128xi32, #tpu.memory_space<vmem>>, vector<16xi32>,
          %get3A_475 = arith.constant 32 : index
          %get3A_476 = tpu.vector_load %arg11[%get3A_475] {strides = array<i32>} : memref<256xi32, #tpu.memory_space<vmem>>, vector<16xi32>,
          %and3A_477 = arith.constant 16383 : i32
          %and3A_478 = vector.broadcast %and3A_477 : i32 to vector<16xi32>
          %and3A_479 = arith.andi %get3A_476, %and3A_478 : vector<16xi32>
          %swap3A_480 = arith.constant 32 : index
          %swap3A_481 = tpu.vector_load %arg12[%swap3A_480] {strides = array<i32>} : memref<128xi32, #tpu.memory_space<vmem>>, vector<16xi32>,
          tpu.vector_store %arg12[%swap3A_480], %and3A_479 {strides = array<i32>} : memref<128xi32, #tpu.memory_space<vmem>>, vector<16xi32>,
          %get3A_482 = arith.constant 48 : index
          %get3A_483 = tpu.vector_load %arg11[%get3A_482] {strides = array<i32>} : memref<256xi32, #tpu.memory_space<vmem>>, vector<16xi32>,
          %and3A_484 = arith.constant 16383 : i32
          %and3A_485 = vector.broadcast %and3A_484 : i32 to vector<16xi32>
          %and3A_486 = arith.andi %get3A_483, %and3A_485 : vector<16xi32>
          %swap3A_487 = arith.constant 48 : index
          %swap3A_488 = tpu.vector_load %arg12[%swap3A_487] {strides = array<i32>} : memref<128xi32, #tpu.memory_space<vmem>>, vector<16xi32>,
          tpu.vector_store %arg12[%swap3A_487], %and3A_486 {strides = array<i32>} : memref<128xi32, #tpu.memory_space<vmem>>, vector<16xi32>,
          %get3A_489 = arith.constant 64 : index
          %get3A_490 = tpu.vector_load %arg11[%get3A_489] {strides = array<i32>} : memref<256xi32, #tpu.memory_space<vmem>>, vector<16xi32>,
          %and3A_491 = arith.constant 16383 : i32
          %and3A_492 = vector.broadcast %and3A_491 : i32 to vector<16xi32>
          %and3A_493 = arith.andi %get3A_490, %and3A_492 : vector<16xi32>
          %swap3A_494 = arith.constant 64 : index
          %swap3A_495 = tpu.vector_load %arg12[%swap3A_494] {strides = array<i32>} : memref<128xi32, #tpu.memory_space<vmem>>, vector<16xi32>,
          tpu.vector_store %arg12[%swap3A_494], %and3A_493 {strides = array<i32>} : memref<128xi32, #tpu.memory_space<vmem>>, vector<16xi32>,
          %get3A_496 = arith.constant 80 : index
          %get3A_497 = tpu.vector_load %arg11[%get3A_496] {strides = array<i32>} : memref<256xi32, #tpu.memory_space<vmem>>, vector<16xi32>,
          %and3A_498 = arith.constant 16383 : i32
          %and3A_499 = vector.broadcast %and3A_498 : i32 to vector<16xi32>
          %and3A_500 = arith.andi %get3A_497, %and3A_499 : vector<16xi32>
          %swap3A_501 = arith.constant 80 : index
          %swap3A_502 = tpu.vector_load %arg12[%swap3A_501] {strides = array<i32>} : memref<128xi32, #tpu.memory_space<vmem>>, vector<16xi32>,
          tpu.vector_store %arg12[%swap3A_501], %and3A_500 {strides = array<i32>} : memref<128xi32, #tpu.memory_space<vmem>>, vector<16xi32>,
          %get3A_503 = arith.constant 96 : index
          %get3A_504 = tpu.vector_load %arg11[%get3A_503] {strides = array<i32>} : memref<256xi32, #tpu.memory_space<vmem>>, vector<16xi32>,
          %and3A_505 = arith.constant 16383 : i32
          %and3A_506 = vector.broadcast %and3A_505 : i32 to vector<16xi32>
          %and3A_507 = arith.andi %get3A_504, %and3A_506 : vector<16xi32>
          %swap3A_508 = arith.constant 96 : index
          %swap3A_509 = tpu.vector_load %arg12[%swap3A_508] {strides = array<i32>} : memref<128xi32, #tpu.memory_space<vmem>>, vector<16xi32>,
          tpu.vector_store %arg12[%swap3A_508], %and3A_507 {strides = array<i32>} : memref<128xi32, #tpu.memory_space<vmem>>, vector<16xi32>,
          %get3A_510 = arith.constant 112 : index
          %get3A_511 = tpu.vector_load %arg11[%get3A_510] {strides = array<i32>} : memref<256xi32, #tpu.memory_space<vmem>>, vector<16xi32>,
          %and3A_512 = arith.constant 16383 : i32
          %and3A_513 = vector.broadcast %and3A_512 : i32 to vector<16xi32>
          %and3A_514 = arith.andi %get3A_511, %and3A_513 : vector<16xi32>
          %swap3A_515 = arith.constant 112 : index
          %swap3A_516 = tpu.vector_load %arg12[%swap3A_515] {strides = array<i32>} : memref<128xi32, #tpu.memory_space<vmem>>, vector<16xi32>,
          tpu.vector_store %arg12[%swap3A_515], %and3A_514 {strides = array<i32>} : memref<128xi32, #tpu.memory_space<vmem>>, vector<16xi32>,
          %dma_start3A_517 = arith.constant 0 : i32
          %dma_start3A_518 = arith.constant 0 : i32
          %dma_start3A_519 = tpu.memref_slice %arg2[%dma_start3A_517, %dma_start3A_518] : memref<10000x256xf32, #tpu.memory_space<hbm>> -> memref<10000x256xf32, #tpu.memory_space<hbm>>
          tpu.enqueue_indirect_dma source(%dma_start3A_519 : memref<10000x256xf32, #tpu.memory_space<hbm>>) target(%arg13 : memref<128x256xf32, #tpu.memory_space<vmem>>) offsets(%arg12 : memref<128xi32, #tpu.memory_space<vmem>>) semaphore(%arg16 : memref<!tpu.dma_semaphore, #tpu.memory_space<semaphore_mem>>)
          %dma_wait3A_520 = arith.constant 0 : i32
          %dma_wait3A_521 = arith.constant 0 : i32
          %dma_wait3A_522 = tpu.memref_slice %arg2[%dma_wait3A_520, %dma_wait3A_521] : memref<10000x256xf32, #tpu.memory_space<hbm>> -> memref<10000x256xf32, #tpu.memory_space<hbm>>
          tpu.wait_indirect_dma semaphore(%arg16 : memref<!tpu.dma_semaphore, #tpu.memory_space<semaphore_mem>>) src(%dma_wait3A_522 : memref<10000x256xf32, #tpu.memory_space<hbm>>) dst(%arg13 : memref<128x256xf32, #tpu.memory_space<vmem>>)
          %scan3A_523 = arith.constant 0 : i32
          %scan3A_524 = arith.constant 0 : i32
          %scan3A_525 = arith.constant 128 : i32
          %scan3A_526 = arith.addi %scan3A_524, %scan3A_525 : i32
          %scan3A_527 = arith.constant 1 : i32
          scf.for %scan3A_561 = %scan3A_524 to %scan3A_526 step %scan3A_527  : i32 {
            %add3A_562 = arith.constant 0 : i32
            %add3A_563 = arith.addi %add3A_562, %scan3A_561 : i32
            %get3A_564 = arith.index_cast %add3A_563 : i32 to index
            %get3A_565 = tpu.vector_load %arg11[%get3A_564] {strides = array<i32>} : memref<256xi32, #tpu.memory_space<vmem>>, vector<16xi32>,
            %slice3A_566 = vector.extract_strided_slice %get3A_565 {offsets = [0], sizes = [1], strides = [1]} : vector<16xi32> to vector<1xi32>
            %squeeze3A_567 = vector.extract %slice3A_566[0] : i32 from vector<1xi32>
            %shift_right_arithmetic3A = arith.constant 14 : i32
            %shift_right_arithmetic3A_568 = arith.shrsi %squeeze3A_567, %shift_right_arithmetic3A : i32
            %get3A_569 = arith.index_cast %scan3A_561 : i32 to index
            %get3A_570 = arith.constant 0 : index
            %get3A_571 = tpu.vector_load %arg13[%get3A_569, %get3A_570] {strides = array<i32>} : memref<128x256xf32, #tpu.memory_space<vmem>>, vector<16xf32>,
            %swap3A_572 = arith.index_cast %shift_right_arithmetic3A_568 : i32 to index
            %swap3A_573 = arith.constant 0 : index
            %swap3A_574 = tpu.vector_load %arg14[%swap3A_572, %swap3A_573] {strides = array<i32>} : memref<321x256xf32, #tpu.memory_space<vmem>>, vector<16xf32>,
            tpu.vector_store %arg14[%swap3A_572, %swap3A_573], %get3A_571 {add = true, strides = array<i32>} : memref<321x256xf32, #tpu.memory_space<vmem>>, vector<16xf32>,
            %get3A_575 = arith.index_cast %scan3A_561 : i32 to index
            %get3A_576 = arith.constant 16 : index
            %get3A_577 = tpu.vector_load %arg13[%get3A_575, %get3A_576] {strides = array<i32>} : memref<128x256xf32, #tpu.memory_space<vmem>>, vector<16xf32>,
            %swap3A_578 = arith.index_cast %shift_right_arithmetic3A_568 : i32 to index
            %swap3A_579 = arith.constant 16 : index
            %swap3A_580 = tpu.vector_load %arg14[%swap3A_578, %swap3A_579] {strides = array<i32>} : memref<321x256xf32, #tpu.memory_space<vmem>>, vector<16xf32>,
            tpu.vector_store %arg14[%swap3A_578, %swap3A_579], %get3A_577 {add = true, strides = array<i32>} : memref<321x256xf32, #tpu.memory_space<vmem>>, vector<16xf32>,
            %get3A_581 = arith.index_cast %scan3A_561 : i32 to index
            %get3A_582 = arith.constant 32 : index
            %get3A_583 = tpu.vector_load %arg13[%get3A_581, %get3A_582] {strides = array<i32>} : memref<128x256xf32, #tpu.memory_space<vmem>>, vector<16xf32>,
            %swap3A_584 = arith.index_cast %shift_right_arithmetic3A_568 : i32 to index
            %swap3A_585 = arith.constant 32 : index
            %swap3A_586 = tpu.vector_load %arg14[%swap3A_584, %swap3A_585] {strides = array<i32>} : memref<321x256xf32, #tpu.memory_space<vmem>>, vector<16xf32>,
            tpu.vector_store %arg14[%swap3A_584, %swap3A_585], %get3A_583 {add = true, strides = array<i32>} : memref<321x256xf32, #tpu.memory_space<vmem>>, vector<16xf32>,
            %get3A_587 = arith.index_cast %scan3A_561 : i32 to index
            %get3A_588 = arith.constant 48 : index
            %get3A_589 = tpu.vector_load %arg13[%get3A_587, %get3A_588] {strides = array<i32>} : memref<128x256xf32, #tpu.memory_space<vmem>>, vector<16xf32>,
            %swap3A_590 = arith.index_cast %shift_right_arithmetic3A_568 : i32 to index
            %swap3A_591 = arith.constant 48 : index
            %swap3A_592 = tpu.vector_load %arg14[%swap3A_590, %swap3A_591] {strides = array<i32>} : memref<321x256xf32, #tpu.memory_space<vmem>>, vector<16xf32>,
            tpu.vector_store %arg14[%swap3A_590, %swap3A_591], %get3A_589 {add = true, strides = array<i32>} : memref<321x256xf32, #tpu.memory_space<vmem>>, vector<16xf32>,
            %get3A_593 = arith.index_cast %scan3A_561 : i32 to index
            %get3A_594 = arith.constant 64 : index
            %get3A_595 = tpu.vector_load %arg13[%get3A_593, %get3A_594] {strides = array<i32>} : memref<128x256xf32, #tpu.memory_space<vmem>>, vector<16xf32>,
            %swap3A_596 = arith.index_cast %shift_right_arithmetic3A_568 : i32 to index
            %swap3A_597 = arith.constant 64 : index
            %swap3A_598 = tpu.vector_load %arg14[%swap3A_596, %swap3A_597] {strides = array<i32>} : memref<321x256xf32, #tpu.memory_space<vmem>>, vector<16xf32>,
            tpu.vector_store %arg14[%swap3A_596, %swap3A_597], %get3A_595 {add = true, strides = array<i32>} : memref<321x256xf32, #tpu.memory_space<vmem>>, vector<16xf32>,
            %get3A_599 = arith.index_cast %scan3A_561 : i32 to index
            %get3A_600 = arith.constant 80 : index
            %get3A_601 = tpu.vector_load %arg13[%get3A_599, %get3A_600] {strides = array<i32>} : memref<128x256xf32, #tpu.memory_space<vmem>>, vector<16xf32>,
            %swap3A_602 = arith.index_cast %shift_right_arithmetic3A_568 : i32 to index
            %swap3A_603 = arith.constant 80 : index
            %swap3A_604 = tpu.vector_load %arg14[%swap3A_602, %swap3A_603] {strides = array<i32>} : memref<321x256xf32, #tpu.memory_space<vmem>>, vector<16xf32>,
            tpu.vector_store %arg14[%swap3A_602, %swap3A_603], %get3A_601 {add = true, strides = array<i32>} : memref<321x256xf32, #tpu.memory_space<vmem>>, vector<16xf32>,
            %get3A_605 = arith.index_cast %scan3A_561 : i32 to index
            %get3A_606 = arith.constant 96 : index
            %get3A_607 = tpu.vector_load %arg13[%get3A_605, %get3A_606] {strides = array<i32>} : memref<128x256xf32, #tpu.memory_space<vmem>>, vector<16xf32>,
            %swap3A_608 = arith.index_cast %shift_right_arithmetic3A_568 : i32 to index
            %swap3A_609 = arith.constant 96 : index
            %swap3A_610 = tpu.vector_load %arg14[%swap3A_608, %swap3A_609] {strides = array<i32>} : memref<321x256xf32, #tpu.memory_space<vmem>>, vector<16xf32>,
            tpu.vector_store %arg14[%swap3A_608, %swap3A_609], %get3A_607 {add = true, strides = array<i32>} : memref<321x256xf32, #tpu.memory_space<vmem>>, vector<16xf32>,
            %get3A_611 = arith.index_cast %scan3A_561 : i32 to index
            %get3A_612 = arith.constant 112 : index
            %get3A_613 = tpu.vector_load %arg13[%get3A_611, %get3A_612] {strides = array<i32>} : memref<128x256xf32, #tpu.memory_space<vmem>>, vector<16xf32>,
            %swap3A_614 = arith.index_cast %shift_right_arithmetic3A_568 : i32 to index
            %swap3A_615 = arith.constant 112 : index
            %swap3A_616 = tpu.vector_load %arg14[%swap3A_614, %swap3A_615] {strides = array<i32>} : memref<321x256xf32, #tpu.memory_space<vmem>>, vector<16xf32>,
            tpu.vector_store %arg14[%swap3A_614, %swap3A_615], %get3A_613 {add = true, strides = array<i32>} : memref<321x256xf32, #tpu.memory_space<vmem>>, vector<16xf32>,
            %get3A_617 = arith.index_cast %scan3A_561 : i32 to index
            %get3A_618 = arith.constant 128 : index
            %get3A_619 = tpu.vector_load %arg13[%get3A_617, %get3A_618] {strides = array<i32>} : memref<128x256xf32, #tpu.memory_space<vmem>>, vector<16xf32>,
            %swap3A_620 = arith.index_cast %shift_right_arithmetic3A_568 : i32 to index
            %swap3A_621 = arith.constant 128 : index
            %swap3A_622 = tpu.vector_load %arg14[%swap3A_620, %swap3A_621] {strides = array<i32>} : memref<321x256xf32, #tpu.memory_space<vmem>>, vector<16xf32>,
            tpu.vector_store %arg14[%swap3A_620, %swap3A_621], %get3A_619 {add = true, strides = array<i32>} : memref<321x256xf32, #tpu.memory_space<vmem>>, vector<16xf32>,
            %get3A_623 = arith.index_cast %scan3A_561 : i32 to index
            %get3A_624 = arith.constant 144 : index
            %get3A_625 = tpu.vector_load %arg13[%get3A_623, %get3A_624] {strides = array<i32>} : memref<128x256xf32, #tpu.memory_space<vmem>>, vector<16xf32>,
            %swap3A_626 = arith.index_cast %shift_right_arithmetic3A_568 : i32 to index
            %swap3A_627 = arith.constant 144 : index
            %swap3A_628 = tpu.vector_load %arg14[%swap3A_626, %swap3A_627] {strides = array<i32>} : memref<321x256xf32, #tpu.memory_space<vmem>>, vector<16xf32>,
            tpu.vector_store %arg14[%swap3A_626, %swap3A_627], %get3A_625 {add = true, strides = array<i32>} : memref<321x256xf32, #tpu.memory_space<vmem>>, vector<16xf32>,
            %get3A_629 = arith.index_cast %scan3A_561 : i32 to index
            %get3A_630 = arith.constant 160 : index
            %get3A_631 = tpu.vector_load %arg13[%get3A_629, %get3A_630] {strides = array<i32>} : memref<128x256xf32, #tpu.memory_space<vmem>>, vector<16xf32>,
            %swap3A_632 = arith.index_cast %shift_right_arithmetic3A_568 : i32 to index
            %swap3A_633 = arith.constant 160 : index
            %swap3A_634 = tpu.vector_load %arg14[%swap3A_632, %swap3A_633] {strides = array<i32>} : memref<321x256xf32, #tpu.memory_space<vmem>>, vector<16xf32>,
            tpu.vector_store %arg14[%swap3A_632, %swap3A_633], %get3A_631 {add = true, strides = array<i32>} : memref<321x256xf32, #tpu.memory_space<vmem>>, vector<16xf32>,
            %get3A_635 = arith.index_cast %scan3A_561 : i32 to index
            %get3A_636 = arith.constant 176 : index
            %get3A_637 = tpu.vector_load %arg13[%get3A_635, %get3A_636] {strides = array<i32>} : memref<128x256xf32, #tpu.memory_space<vmem>>, vector<16xf32>,
            %swap3A_638 = arith.index_cast %shift_right_arithmetic3A_568 : i32 to index
            %swap3A_639 = arith.constant 176 : index
            %swap3A_640 = tpu.vector_load %arg14[%swap3A_638, %swap3A_639] {strides = array<i32>} : memref<321x256xf32, #tpu.memory_space<vmem>>, vector<16xf32>,
            tpu.vector_store %arg14[%swap3A_638, %swap3A_639], %get3A_637 {add = true, strides = array<i32>} : memref<321x256xf32, #tpu.memory_space<vmem>>, vector<16xf32>,
            %get3A_641 = arith.index_cast %scan3A_561 : i32 to index
            %get3A_642 = arith.constant 192 : index
            %get3A_643 = tpu.vector_load %arg13[%get3A_641, %get3A_642] {strides = array<i32>} : memref<128x256xf32, #tpu.memory_space<vmem>>, vector<16xf32>,
            %swap3A_644 = arith.index_cast %shift_right_arithmetic3A_568 : i32 to index
            %swap3A_645 = arith.constant 192 : index
            %swap3A_646 = tpu.vector_load %arg14[%swap3A_644, %swap3A_645] {strides = array<i32>} : memref<321x256xf32, #tpu.memory_space<vmem>>, vector<16xf32>,
            tpu.vector_store %arg14[%swap3A_644, %swap3A_645], %get3A_643 {add = true, strides = array<i32>} : memref<321x256xf32, #tpu.memory_space<vmem>>, vector<16xf32>,
            %get3A_647 = arith.index_cast %scan3A_561 : i32 to index
            %get3A_648 = arith.constant 208 : index
            %get3A_649 = tpu.vector_load %arg13[%get3A_647, %get3A_648] {strides = array<i32>} : memref<128x256xf32, #tpu.memory_space<vmem>>, vector<16xf32>,
            %swap3A_650 = arith.index_cast %shift_right_arithmetic3A_568 : i32 to index
            %swap3A_651 = arith.constant 208 : index
            %swap3A_652 = tpu.vector_load %arg14[%swap3A_650, %swap3A_651] {strides = array<i32>} : memref<321x256xf32, #tpu.memory_space<vmem>>, vector<16xf32>,
            tpu.vector_store %arg14[%swap3A_650, %swap3A_651], %get3A_649 {add = true, strides = array<i32>} : memref<321x256xf32, #tpu.memory_space<vmem>>, vector<16xf32>,
            %get3A_653 = arith.index_cast %scan3A_561 : i32 to index
            %get3A_654 = arith.constant 224 : index
            %get3A_655 = tpu.vector_load %arg13[%get3A_653, %get3A_654] {strides = array<i32>} : memref<128x256xf32, #tpu.memory_space<vmem>>, vector<16xf32>,
            %swap3A_656 = arith.index_cast %shift_right_arithmetic3A_568 : i32 to index
            %swap3A_657 = arith.constant 224 : index
            %swap3A_658 = tpu.vector_load %arg14[%swap3A_656, %swap3A_657] {strides = array<i32>} : memref<321x256xf32, #tpu.memory_space<vmem>>, vector<16xf32>,
            tpu.vector_store %arg14[%swap3A_656, %swap3A_657], %get3A_655 {add = true, strides = array<i32>} : memref<321x256xf32, #tpu.memory_space<vmem>>, vector<16xf32>,
            %get3A_659 = arith.index_cast %scan3A_561 : i32 to index
            %get3A_660 = arith.constant 240 : index
            %get3A_661 = tpu.vector_load %arg13[%get3A_659, %get3A_660] {strides = array<i32>} : memref<128x256xf32, #tpu.memory_space<vmem>>, vector<16xf32>,
            %swap3A_662 = arith.index_cast %shift_right_arithmetic3A_568 : i32 to index
            %swap3A_663 = arith.constant 240 : index
            %swap3A_664 = tpu.vector_load %arg14[%swap3A_662, %swap3A_663] {strides = array<i32>} : memref<321x256xf32, #tpu.memory_space<vmem>>, vector<16xf32>,
            tpu.vector_store %arg14[%swap3A_662, %swap3A_663], %get3A_661 {add = true, strides = array<i32>} : memref<321x256xf32, #tpu.memory_space<vmem>>, vector<16xf32>,
            %swap3A_665 = arith.index_cast %shift_right_arithmetic3A_568 : i32 to index
            %swap3A_666 = tpu.vector_load %arg15[%swap3A_665] {strides = array<i32>} : memref<352xi32, #tpu.memory_space<vmem>>, vector<16xi32>,
            tpu.vector_store %arg15[%swap3A_665], %convert_element_type3A {add = true, strides = array<i32>} : memref<352xi32, #tpu.memory_space<vmem>>, vector<16xi32>,
          }
          %scan3A_528 = arith.constant 128 : i32
          %get3A_529 = arith.constant 128 : index
          %get3A_530 = tpu.vector_load %arg11[%get3A_529] {strides = array<i32>} : memref<256xi32, #tpu.memory_space<vmem>>, vector<16xi32>,
          %swap3A_531 = arith.constant 0 : index
          %swap3A_532 = tpu.vector_load %arg11[%swap3A_531] {strides = array<i32>} : memref<256xi32, #tpu.memory_space<vmem>>, vector<16xi32>,
          tpu.vector_store %arg11[%swap3A_531], %get3A_530 {strides = array<i32>} : memref<256xi32, #tpu.memory_space<vmem>>, vector<16xi32>,
          %get3A_533 = arith.constant 144 : index
          %get3A_534 = tpu.vector_load %arg11[%get3A_533] {strides = array<i32>} : memref<256xi32, #tpu.memory_space<vmem>>, vector<16xi32>,
          %swap3A_535 = arith.constant 16 : index
          %swap3A_536 = tpu.vector_load %arg11[%swap3A_535] {strides = array<i32>} : memref<256xi32, #tpu.memory_space<vmem>>, vector<16xi32>,
          tpu.vector_store %arg11[%swap3A_535], %get3A_534 {strides = array<i32>} : memref<256xi32, #tpu.memory_space<vmem>>, vector<16xi32>,
          %get3A_537 = arith.constant 160 : index
          %get3A_538 = tpu.vector_load %arg11[%get3A_537] {strides = array<i32>} : memref<256xi32, #tpu.memory_space<vmem>>, vector<16xi32>,
          %swap3A_539 = arith.constant 32 : index
          %swap3A_540 = tpu.vector_load %arg11[%swap3A_539] {strides = array<i32>} : memref<256xi32, #tpu.memory_space<vmem>>, vector<16xi32>,
          tpu.vector_store %arg11[%swap3A_539], %get3A_538 {strides = array<i32>} : memref<256xi32, #tpu.memory_space<vmem>>, vector<16xi32>,
          %get3A_541 = arith.constant 176 : index
          %get3A_542 = tpu.vector_load %arg11[%get3A_541] {strides = array<i32>} : memref<256xi32, #tpu.memory_space<vmem>>, vector<16xi32>,
          %swap3A_543 = arith.constant 48 : index
          %swap3A_544 = tpu.vector_load %arg11[%swap3A_543] {strides = array<i32>} : memref<256xi32, #tpu.memory_space<vmem>>, vector<16xi32>,
          tpu.vector_store %arg11[%swap3A_543], %get3A_542 {strides = array<i32>} : memref<256xi32, #tpu.memory_space<vmem>>, vector<16xi32>,
          %get3A_545 = arith.constant 192 : index
          %get3A_546 = tpu.vector_load %arg11[%get3A_545] {strides = array<i32>} : memref<256xi32, #tpu.memory_space<vmem>>, vector<16xi32>,
          %swap3A_547 = arith.constant 64 : index
          %swap3A_548 = tpu.vector_load %arg11[%swap3A_547] {strides = array<i32>} : memref<256xi32, #tpu.memory_space<vmem>>, vector<16xi32>,
          tpu.vector_store %arg11[%swap3A_547], %get3A_546 {strides = array<i32>} : memref<256xi32, #tpu.memory_space<vmem>>, vector<16xi32>,
          %get3A_549 = arith.constant 208 : index
          %get3A_550 = tpu.vector_load %arg11[%get3A_549] {strides = array<i32>} : memref<256xi32, #tpu.memory_space<vmem>>, vector<16xi32>,
          %swap3A_551 = arith.constant 80 : index
          %swap3A_552 = tpu.vector_load %arg11[%swap3A_551] {strides = array<i32>} : memref<256xi32, #tpu.memory_space<vmem>>, vector<16xi32>,
          tpu.vector_store %arg11[%swap3A_551], %get3A_550 {strides = array<i32>} : memref<256xi32, #tpu.memory_space<vmem>>, vector<16xi32>,
          %get3A_553 = arith.constant 224 : index
          %get3A_554 = tpu.vector_load %arg11[%get3A_553] {strides = array<i32>} : memref<256xi32, #tpu.memory_space<vmem>>, vector<16xi32>,
          %swap3A_555 = arith.constant 96 : index
          %swap3A_556 = tpu.vector_load %arg11[%swap3A_555] {strides = array<i32>} : memref<256xi32, #tpu.memory_space<vmem>>, vector<16xi32>,
          tpu.vector_store %arg11[%swap3A_555], %get3A_554 {strides = array<i32>} : memref<256xi32, #tpu.memory_space<vmem>>, vector<16xi32>,
          %get3A_557 = arith.constant 240 : index
          %get3A_558 = tpu.vector_load %arg11[%get3A_557] {strides = array<i32>} : memref<256xi32, #tpu.memory_space<vmem>>, vector<16xi32>,
          %swap3A_559 = arith.constant 112 : index
          %swap3A_560 = tpu.vector_load %arg11[%swap3A_559] {strides = array<i32>} : memref<256xi32, #tpu.memory_space<vmem>>, vector<16xi32>,
          tpu.vector_store %arg11[%swap3A_559], %get3A_558 {strides = array<i32>} : memref<256xi32, #tpu.memory_space<vmem>>, vector<16xi32>,
        } else {
        }
        %ge3A_458 = arith.constant 128 : i32
        %ge3A_459 = arith.cmpi sge, %add3A_453, %ge3A_458 : i32
        %sub3A_460 = arith.constant 128 : i32
        %sub3A_461 = arith.subi %add3A_453, %sub3A_460 : i32
        %select_n3A = arith.select %ge3A_459, %sub3A_461, %add3A_453 : i32
        scf.yield %select_n3A : i32
      }
      %scan3A_154 = arith.constant 25 : i32
      scf.yield %scan3A_153 : i32
    }
    %scan3A_71 = arith.constant 25 : i32
    %add3A_72 = arith.constant 0 : i32
    %add3A_73 = arith.addi %scan3A_70, %add3A_72 : i32
    %swap3A_74 = arith.index_cast %add3A_73 : i32 to index
    %swap3A_75 = tpu.vector_load %arg11[%swap3A_74] {strides = array<i32>} : memref<256xi32, #tpu.memory_space<vmem>>, vector<16xi32>,
    tpu.vector_store %arg11[%swap3A_74], %broadcast_in_dim3A_9 {strides = array<i32>} : memref<256xi32, #tpu.memory_space<vmem>>, vector<16xi32>,
    %add3A_76 = arith.constant 16 : i32
    %add3A_77 = arith.addi %scan3A_70, %add3A_76 : i32
    %swap3A_78 = arith.index_cast %add3A_77 : i32 to index
    %swap3A_79 = tpu.vector_load %arg11[%swap3A_78] {strides = array<i32>} : memref<256xi32, #tpu.memory_space<vmem>>, vector<16xi32>,
    tpu.vector_store %arg11[%swap3A_78], %broadcast_in_dim3A_9 {strides = array<i32>} : memref<256xi32, #tpu.memory_space<vmem>>, vector<16xi32>,
    %add3A_80 = arith.constant 32 : i32
    %add3A_81 = arith.addi %scan3A_70, %add3A_80 : i32
    %swap3A_82 = arith.index_cast %add3A_81 : i32 to index
    %swap3A_83 = tpu.vector_load %arg11[%swap3A_82] {strides = array<i32>} : memref<256xi32, #tpu.memory_space<vmem>>, vector<16xi32>,
    tpu.vector_store %arg11[%swap3A_82], %broadcast_in_dim3A_9 {strides = array<i32>} : memref<256xi32, #tpu.memory_space<vmem>>, vector<16xi32>,
    %add3A_84 = arith.constant 48 : i32
    %add3A_85 = arith.addi %scan3A_70, %add3A_84 : i32
    %swap3A_86 = arith.index_cast %add3A_85 : i32 to index
    %swap3A_87 = tpu.vector_load %arg11[%swap3A_86] {strides = array<i32>} : memref<256xi32, #tpu.memory_space<vmem>>, vector<16xi32>,
    tpu.vector_store %arg11[%swap3A_86], %broadcast_in_dim3A_9 {strides = array<i32>} : memref<256xi32, #tpu.memory_space<vmem>>, vector<16xi32>,
    %add3A_88 = arith.constant 64 : i32
    %add3A_89 = arith.addi %scan3A_70, %add3A_88 : i32
    %swap3A_90 = arith.index_cast %add3A_89 : i32 to index
    %swap3A_91 = tpu.vector_load %arg11[%swap3A_90] {strides = array<i32>} : memref<256xi32, #tpu.memory_space<vmem>>, vector<16xi32>,
    tpu.vector_store %arg11[%swap3A_90], %broadcast_in_dim3A_9 {strides = array<i32>} : memref<256xi32, #tpu.memory_space<vmem>>, vector<16xi32>,
    %add3A_92 = arith.constant 80 : i32
    %add3A_93 = arith.addi %scan3A_70, %add3A_92 : i32
    %swap3A_94 = arith.index_cast %add3A_93 : i32 to index
    %swap3A_95 = tpu.vector_load %arg11[%swap3A_94] {strides = array<i32>} : memref<256xi32, #tpu.memory_space<vmem>>, vector<16xi32>,
    tpu.vector_store %arg11[%swap3A_94], %broadcast_in_dim3A_9 {strides = array<i32>} : memref<256xi32, #tpu.memory_space<vmem>>, vector<16xi32>,
    %add3A_96 = arith.constant 96 : i32
    %add3A_97 = arith.addi %scan3A_70, %add3A_96 : i32
    %swap3A_98 = arith.index_cast %add3A_97 : i32 to index
    %swap3A_99 = tpu.vector_load %arg11[%swap3A_98] {strides = array<i32>} : memref<256xi32, #tpu.memory_space<vmem>>, vector<16xi32>,
    tpu.vector_store %arg11[%swap3A_98], %broadcast_in_dim3A_9 {strides = array<i32>} : memref<256xi32, #tpu.memory_space<vmem>>, vector<16xi32>,
    %add3A_100 = arith.constant 112 : i32
    %add3A_101 = arith.addi %scan3A_70, %add3A_100 : i32
    %swap3A_102 = arith.index_cast %add3A_101 : i32 to index
    %swap3A_103 = tpu.vector_load %arg11[%swap3A_102] {strides = array<i32>} : memref<256xi32, #tpu.memory_space<vmem>>, vector<16xi32>,
    tpu.vector_store %arg11[%swap3A_102], %broadcast_in_dim3A_9 {strides = array<i32>} : memref<256xi32, #tpu.memory_space<vmem>>, vector<16xi32>,
    %gt3A = arith.constant 0 : i32
    %gt3A_104 = arith.cmpi sgt, %scan3A_70, %gt3A : i32
    %convert_element_type3A_105 = arith.extui %gt3A_104 : i1 to i32
    %cond3A = arith.constant 0 : i32
    %cond3A_106 = arith.cmpi ne, %convert_element_type3A_105, %cond3A : i32
    scf.if %cond3A_106 {
      %get3A = arith.constant 0 : index
      %get3A_107 = tpu.vector_load %arg11[%get3A] {strides = array<i32>} : memref<256xi32, #tpu.memory_space<vmem>>, vector<16xi32>,
      %and3A = arith.constant 16383 : i32
      %and3A_108 = vector.broadcast %and3A : i32 to vector<16xi32>
      %and3A_109 = arith.andi %get3A_107, %and3A_108 : vector<16xi32>
      %swap3A_110 = arith.constant 0 : index
      %swap3A_111 = tpu.vector_load %arg12[%swap3A_110] {strides = array<i32>} : memref<128xi32, #tpu.memory_space<vmem>>, vector<16xi32>,
      tpu.vector_store %arg12[%swap3A_110], %and3A_109 {strides = array<i32>} : memref<128xi32, #tpu.memory_space<vmem>>, vector<16xi32>,
      %get3A_112 = arith.constant 16 : index
      %get3A_113 = tpu.vector_load %arg11[%get3A_112] {strides = array<i32>} : memref<256xi32, #tpu.memory_space<vmem>>, vector<16xi32>,
      %and3A_114 = arith.constant 16383 : i32
      %and3A_115 = vector.broadcast %and3A_114 : i32 to vector<16xi32>
      %and3A_116 = arith.andi %get3A_113, %and3A_115 : vector<16xi32>
      %swap3A_117 = arith.constant 16 : index
      %swap3A_118 = tpu.vector_load %arg12[%swap3A_117] {strides = array<i32>} : memref<128xi32, #tpu.memory_space<vmem>>, vector<16xi32>,
      tpu.vector_store %arg12[%swap3A_117], %and3A_116 {strides = array<i32>} : memref<128xi32, #tpu.memory_space<vmem>>, vector<16xi32>,
      %get3A_119 = arith.constant 32 : index
      %get3A_120 = tpu.vector_load %arg11[%get3A_119] {strides = array<i32>} : memref<256xi32, #tpu.memory_space<vmem>>, vector<16xi32>,
      %and3A_121 = arith.constant 16383 : i32
      %and3A_122 = vector.broadcast %and3A_121 : i32 to vector<16xi32>
      %and3A_123 = arith.andi %get3A_120, %and3A_122 : vector<16xi32>
      %swap3A_124 = arith.constant 32 : index
      %swap3A_125 = tpu.vector_load %arg12[%swap3A_124] {strides = array<i32>} : memref<128xi32, #tpu.memory_space<vmem>>, vector<16xi32>,
      tpu.vector_store %arg12[%swap3A_124], %and3A_123 {strides = array<i32>} : memref<128xi32, #tpu.memory_space<vmem>>, vector<16xi32>,
      %get3A_126 = arith.constant 48 : index
      %get3A_127 = tpu.vector_load %arg11[%get3A_126] {strides = array<i32>} : memref<256xi32, #tpu.memory_space<vmem>>, vector<16xi32>,
      %and3A_128 = arith.constant 16383 : i32
      %and3A_129 = vector.broadcast %and3A_128 : i32 to vector<16xi32>
      %and3A_130 = arith.andi %get3A_127, %and3A_129 : vector<16xi32>
      %swap3A_131 = arith.constant 48 : index
      %swap3A_132 = tpu.vector_load %arg12[%swap3A_131] {strides = array<i32>} : memref<128xi32, #tpu.memory_space<vmem>>, vector<16xi32>,
      tpu.vector_store %arg12[%swap3A_131], %and3A_130 {strides = array<i32>} : memref<128xi32, #tpu.memory_space<vmem>>, vector<16xi32>,
      %get3A_133 = arith.constant 64 : index
      %get3A_134 = tpu.vector_load %arg11[%get3A_133] {strides = array<i32>} : memref<256xi32, #tpu.memory_space<vmem>>, vector<16xi32>,
      %and3A_135 = arith.constant 16383 : i32
      %and3A_136 = vector.broadcast %and3A_135 : i32 to vector<16xi32>
      %and3A_137 = arith.andi %get3A_134, %and3A_136 : vector<16xi32>
      %swap3A_138 = arith.constant 64 : index
      %swap3A_139 = tpu.vector_load %arg12[%swap3A_138] {strides = array<i32>} : memref<128xi32, #tpu.memory_space<vmem>>, vector<16xi32>,
      tpu.vector_store %arg12[%swap3A_138], %and3A_137 {strides = array<i32>} : memref<128xi32, #tpu.memory_space<vmem>>, vector<16xi32>,
      %get3A_140 = arith.constant 80 : index
      %get3A_141 = tpu.vector_load %arg11[%get3A_140] {strides = array<i32>} : memref<256xi32, #tpu.memory_space<vmem>>, vector<16xi32>,
      %and3A_142 = arith.constant 16383 : i32
      %and3A_143 = vector.broadcast %and3A_142 : i32 to vector<16xi32>
      %and3A_144 = arith.andi %get3A_141, %and3A_143 : vector<16xi32>
      %swap3A_145 = arith.constant 80 : index
      %swap3A_146 = tpu.vector_load %arg12[%swap3A_145] {strides = array<i32>} : memref<128xi32, #tpu.memory_space<vmem>>, vector<16xi32>,
      tpu.vector_store %arg12[%swap3A_145], %and3A_144 {strides = array<i32>} : memref<128xi32, #tpu.memory_space<vmem>>, vector<16xi32>,
      %get3A_147 = arith.constant 96 : index
      %get3A_148 = tpu.vector_load %arg11[%get3A_147] {strides = array<i32>} : memref<256xi32, #tpu.memory_space<vmem>>, vector<16xi32>,
      %and3A_149 = arith.constant 16383 : i32
      %and3A_150 = vector.broadcast %and3A_149 : i32 to vector<16xi32>
      %and3A_151 = arith.andi %get3A_148, %and3A_150 : vector<16xi32>
      %swap3A_152 = arith.constant 96 : index
      %swap3A_153 = tpu.vector_load %arg12[%swap3A_152] {strides = array<i32>} : memref<128xi32, #tpu.memory_space<vmem>>, vector<16xi32>,
      tpu.vector_store %arg12[%swap3A_152], %and3A_151 {strides = array<i32>} : memref<128xi32, #tpu.memory_space<vmem>>, vector<16xi32>,
      %get3A_154 = arith.constant 112 : index
      %get3A_155 = tpu.vector_load %arg11[%get3A_154] {strides = array<i32>} : memref<256xi32, #tpu.memory_space<vmem>>, vector<16xi32>,
      %and3A_156 = arith.constant 16383 : i32
      %and3A_157 = vector.broadcast %and3A_156 : i32 to vector<16xi32>
      %and3A_158 = arith.andi %get3A_155, %and3A_157 : vector<16xi32>
      %swap3A_159 = arith.constant 112 : index
      %swap3A_160 = tpu.vector_load %arg12[%swap3A_159] {strides = array<i32>} : memref<128xi32, #tpu.memory_space<vmem>>, vector<16xi32>,
      tpu.vector_store %arg12[%swap3A_159], %and3A_158 {strides = array<i32>} : memref<128xi32, #tpu.memory_space<vmem>>, vector<16xi32>,
      %dma_start3A_161 = arith.constant 0 : i32
      %dma_start3A_162 = arith.constant 0 : i32
      %dma_start3A_163 = tpu.memref_slice %arg2[%dma_start3A_161, %dma_start3A_162] : memref<10000x256xf32, #tpu.memory_space<hbm>> -> memref<10000x256xf32, #tpu.memory_space<hbm>>
      tpu.enqueue_indirect_dma source(%dma_start3A_163 : memref<10000x256xf32, #tpu.memory_space<hbm>>) target(%arg13 : memref<128x256xf32, #tpu.memory_space<vmem>>) offsets(%arg12 : memref<128xi32, #tpu.memory_space<vmem>>) semaphore(%arg16 : memref<!tpu.dma_semaphore, #tpu.memory_space<semaphore_mem>>)
      %dma_wait3A = arith.constant 0 : i32
      %dma_wait3A_164 = arith.constant 0 : i32
      %dma_wait3A_165 = tpu.memref_slice %arg2[%dma_wait3A, %dma_wait3A_164] : memref<10000x256xf32, #tpu.memory_space<hbm>> -> memref<10000x256xf32, #tpu.memory_space<hbm>>
      tpu.wait_indirect_dma semaphore(%arg16 : memref<!tpu.dma_semaphore, #tpu.memory_space<semaphore_mem>>) src(%dma_wait3A_165 : memref<10000x256xf32, #tpu.memory_space<hbm>>) dst(%arg13 : memref<128x256xf32, #tpu.memory_space<vmem>>)
      %scan3A_166 = arith.constant 0 : i32
      %scan3A_167 = arith.constant 0 : i32
      %scan3A_168 = arith.constant 128 : i32
      %scan3A_169 = arith.addi %scan3A_167, %scan3A_168 : i32
      %scan3A_170 = arith.constant 1 : i32
      scf.for %scan3A_172 = %scan3A_167 to %scan3A_169 step %scan3A_170  : i32 {
        %add3A_173 = arith.constant 0 : i32
        %add3A_174 = arith.addi %add3A_173, %scan3A_172 : i32
        %get3A_175 = arith.index_cast %add3A_174 : i32 to index
        %get3A_176 = tpu.vector_load %arg11[%get3A_175] {strides = array<i32>} : memref<256xi32, #tpu.memory_space<vmem>>, vector<16xi32>,
        %slice3A = vector.extract_strided_slice %get3A_176 {offsets = [0], sizes = [1], strides = [1]} : vector<16xi32> to vector<1xi32>
        %squeeze3A = vector.extract %slice3A[0] : i32 from vector<1xi32>
        %shift_right_arithmetic3A = arith.constant 14 : i32
        %shift_right_arithmetic3A_177 = arith.shrsi %squeeze3A, %shift_right_arithmetic3A : i32
        %get3A_178 = arith.index_cast %scan3A_172 : i32 to index
        %get3A_179 = arith.constant 0 : index
        %get3A_180 = tpu.vector_load %arg13[%get3A_178, %get3A_179] {strides = array<i32>} : memref<128x256xf32, #tpu.memory_space<vmem>>, vector<16xf32>,
        %swap3A_181 = arith.index_cast %shift_right_arithmetic3A_177 : i32 to index
        %swap3A_182 = arith.constant 0 : index
        %swap3A_183 = tpu.vector_load %arg14[%swap3A_181, %swap3A_182] {strides = array<i32>} : memref<321x256xf32, #tpu.memory_space<vmem>>, vector<16xf32>,
        tpu.vector_store %arg14[%swap3A_181, %swap3A_182], %get3A_180 {add = true, strides = array<i32>} : memref<321x256xf32, #tpu.memory_space<vmem>>, vector<16xf32>,
        %get3A_184 = arith.index_cast %scan3A_172 : i32 to index
        %get3A_185 = arith.constant 16 : index
        %get3A_186 = tpu.vector_load %arg13[%get3A_184, %get3A_185] {strides = array<i32>} : memref<128x256xf32, #tpu.memory_space<vmem>>, vector<16xf32>,
        %swap3A_187 = arith.index_cast %shift_right_arithmetic3A_177 : i32 to index
        %swap3A_188 = arith.constant 16 : index
        %swap3A_189 = tpu.vector_load %arg14[%swap3A_187, %swap3A_188] {strides = array<i32>} : memref<321x256xf32, #tpu.memory_space<vmem>>, vector<16xf32>,
        tpu.vector_store %arg14[%swap3A_187, %swap3A_188], %get3A_186 {add = true, strides = array<i32>} : memref<321x256xf32, #tpu.memory_space<vmem>>, vector<16xf32>,
        %get3A_190 = arith.index_cast %scan3A_172 : i32 to index
        %get3A_191 = arith.constant 32 : index
        %get3A_192 = tpu.vector_load %arg13[%get3A_190, %get3A_191] {strides = array<i32>} : memref<128x256xf32, #tpu.memory_space<vmem>>, vector<16xf32>,
        %swap3A_193 = arith.index_cast %shift_right_arithmetic3A_177 : i32 to index
        %swap3A_194 = arith.constant 32 : index
        %swap3A_195 = tpu.vector_load %arg14[%swap3A_193, %swap3A_194] {strides = array<i32>} : memref<321x256xf32, #tpu.memory_space<vmem>>, vector<16xf32>,
        tpu.vector_store %arg14[%swap3A_193, %swap3A_194], %get3A_192 {add = true, strides = array<i32>} : memref<321x256xf32, #tpu.memory_space<vmem>>, vector<16xf32>,
        %get3A_196 = arith.index_cast %scan3A_172 : i32 to index
        %get3A_197 = arith.constant 48 : index
        %get3A_198 = tpu.vector_load %arg13[%get3A_196, %get3A_197] {strides = array<i32>} : memref<128x256xf32, #tpu.memory_space<vmem>>, vector<16xf32>,
        %swap3A_199 = arith.index_cast %shift_right_arithmetic3A_177 : i32 to index
        %swap3A_200 = arith.constant 48 : index
        %swap3A_201 = tpu.vector_load %arg14[%swap3A_199, %swap3A_200] {strides = array<i32>} : memref<321x256xf32, #tpu.memory_space<vmem>>, vector<16xf32>,
        tpu.vector_store %arg14[%swap3A_199, %swap3A_200], %get3A_198 {add = true, strides = array<i32>} : memref<321x256xf32, #tpu.memory_space<vmem>>, vector<16xf32>,
        %get3A_202 = arith.index_cast %scan3A_172 : i32 to index
        %get3A_203 = arith.constant 64 : index
        %get3A_204 = tpu.vector_load %arg13[%get3A_202, %get3A_203] {strides = array<i32>} : memref<128x256xf32, #tpu.memory_space<vmem>>, vector<16xf32>,
        %swap3A_205 = arith.index_cast %shift_right_arithmetic3A_177 : i32 to index
        %swap3A_206 = arith.constant 64 : index
        %swap3A_207 = tpu.vector_load %arg14[%swap3A_205, %swap3A_206] {strides = array<i32>} : memref<321x256xf32, #tpu.memory_space<vmem>>, vector<16xf32>,
        tpu.vector_store %arg14[%swap3A_205, %swap3A_206], %get3A_204 {add = true, strides = array<i32>} : memref<321x256xf32, #tpu.memory_space<vmem>>, vector<16xf32>,
        %get3A_208 = arith.index_cast %scan3A_172 : i32 to index
        %get3A_209 = arith.constant 80 : index
        %get3A_210 = tpu.vector_load %arg13[%get3A_208, %get3A_209] {strides = array<i32>} : memref<128x256xf32, #tpu.memory_space<vmem>>, vector<16xf32>,
        %swap3A_211 = arith.index_cast %shift_right_arithmetic3A_177 : i32 to index
        %swap3A_212 = arith.constant 80 : index
        %swap3A_213 = tpu.vector_load %arg14[%swap3A_211, %swap3A_212] {strides = array<i32>} : memref<321x256xf32, #tpu.memory_space<vmem>>, vector<16xf32>,
        tpu.vector_store %arg14[%swap3A_211, %swap3A_212], %get3A_210 {add = true, strides = array<i32>} : memref<321x256xf32, #tpu.memory_space<vmem>>, vector<16xf32>,
        %get3A_214 = arith.index_cast %scan3A_172 : i32 to index
        %get3A_215 = arith.constant 96 : index
        %get3A_216 = tpu.vector_load %arg13[%get3A_214, %get3A_215] {strides = array<i32>} : memref<128x256xf32, #tpu.memory_space<vmem>>, vector<16xf32>,
        %swap3A_217 = arith.index_cast %shift_right_arithmetic3A_177 : i32 to index
        %swap3A_218 = arith.constant 96 : index
        %swap3A_219 = tpu.vector_load %arg14[%swap3A_217, %swap3A_218] {strides = array<i32>} : memref<321x256xf32, #tpu.memory_space<vmem>>, vector<16xf32>,
        tpu.vector_store %arg14[%swap3A_217, %swap3A_218], %get3A_216 {add = true, strides = array<i32>} : memref<321x256xf32, #tpu.memory_space<vmem>>, vector<16xf32>,
        %get3A_220 = arith.index_cast %scan3A_172 : i32 to index
        %get3A_221 = arith.constant 112 : index
        %get3A_222 = tpu.vector_load %arg13[%get3A_220, %get3A_221] {strides = array<i32>} : memref<128x256xf32, #tpu.memory_space<vmem>>, vector<16xf32>,
        %swap3A_223 = arith.index_cast %shift_right_arithmetic3A_177 : i32 to index
        %swap3A_224 = arith.constant 112 : index
        %swap3A_225 = tpu.vector_load %arg14[%swap3A_223, %swap3A_224] {strides = array<i32>} : memref<321x256xf32, #tpu.memory_space<vmem>>, vector<16xf32>,
        tpu.vector_store %arg14[%swap3A_223, %swap3A_224], %get3A_222 {add = true, strides = array<i32>} : memref<321x256xf32, #tpu.memory_space<vmem>>, vector<16xf32>,
        %get3A_226 = arith.index_cast %scan3A_172 : i32 to index
        %get3A_227 = arith.constant 128 : index
        %get3A_228 = tpu.vector_load %arg13[%get3A_226, %get3A_227] {strides = array<i32>} : memref<128x256xf32, #tpu.memory_space<vmem>>, vector<16xf32>,
        %swap3A_229 = arith.index_cast %shift_right_arithmetic3A_177 : i32 to index
        %swap3A_230 = arith.constant 128 : index
        %swap3A_231 = tpu.vector_load %arg14[%swap3A_229, %swap3A_230] {strides = array<i32>} : memref<321x256xf32, #tpu.memory_space<vmem>>, vector<16xf32>,
        tpu.vector_store %arg14[%swap3A_229, %swap3A_230], %get3A_228 {add = true, strides = array<i32>} : memref<321x256xf32, #tpu.memory_space<vmem>>, vector<16xf32>,
        %get3A_232 = arith.index_cast %scan3A_172 : i32 to index
        %get3A_233 = arith.constant 144 : index
        %get3A_234 = tpu.vector_load %arg13[%get3A_232, %get3A_233] {strides = array<i32>} : memref<128x256xf32, #tpu.memory_space<vmem>>, vector<16xf32>,
        %swap3A_235 = arith.index_cast %shift_right_arithmetic3A_177 : i32 to index
        %swap3A_236 = arith.constant 144 : index
        %swap3A_237 = tpu.vector_load %arg14[%swap3A_235, %swap3A_236] {strides = array<i32>} : memref<321x256xf32, #tpu.memory_space<vmem>>, vector<16xf32>,
        tpu.vector_store %arg14[%swap3A_235, %swap3A_236], %get3A_234 {add = true, strides = array<i32>} : memref<321x256xf32, #tpu.memory_space<vmem>>, vector<16xf32>,
        %get3A_238 = arith.index_cast %scan3A_172 : i32 to index
        %get3A_239 = arith.constant 160 : index
        %get3A_240 = tpu.vector_load %arg13[%get3A_238, %get3A_239] {strides = array<i32>} : memref<128x256xf32, #tpu.memory_space<vmem>>, vector<16xf32>,
        %swap3A_241 = arith.index_cast %shift_right_arithmetic3A_177 : i32 to index
        %swap3A_242 = arith.constant 160 : index
        %swap3A_243 = tpu.vector_load %arg14[%swap3A_241, %swap3A_242] {strides = array<i32>} : memref<321x256xf32, #tpu.memory_space<vmem>>, vector<16xf32>,
        tpu.vector_store %arg14[%swap3A_241, %swap3A_242], %get3A_240 {add = true, strides = array<i32>} : memref<321x256xf32, #tpu.memory_space<vmem>>, vector<16xf32>,
        %get3A_244 = arith.index_cast %scan3A_172 : i32 to index
        %get3A_245 = arith.constant 176 : index
        %get3A_246 = tpu.vector_load %arg13[%get3A_244, %get3A_245] {strides = array<i32>} : memref<128x256xf32, #tpu.memory_space<vmem>>, vector<16xf32>,
        %swap3A_247 = arith.index_cast %shift_right_arithmetic3A_177 : i32 to index
        %swap3A_248 = arith.constant 176 : index
        %swap3A_249 = tpu.vector_load %arg14[%swap3A_247, %swap3A_248] {strides = array<i32>} : memref<321x256xf32, #tpu.memory_space<vmem>>, vector<16xf32>,
        tpu.vector_store %arg14[%swap3A_247, %swap3A_248], %get3A_246 {add = true, strides = array<i32>} : memref<321x256xf32, #tpu.memory_space<vmem>>, vector<16xf32>,
        %get3A_250 = arith.index_cast %scan3A_172 : i32 to index
        %get3A_251 = arith.constant 192 : index
        %get3A_252 = tpu.vector_load %arg13[%get3A_250, %get3A_251] {strides = array<i32>} : memref<128x256xf32, #tpu.memory_space<vmem>>, vector<16xf32>,
        %swap3A_253 = arith.index_cast %shift_right_arithmetic3A_177 : i32 to index
        %swap3A_254 = arith.constant 192 : index
        %swap3A_255 = tpu.vector_load %arg14[%swap3A_253, %swap3A_254] {strides = array<i32>} : memref<321x256xf32, #tpu.memory_space<vmem>>, vector<16xf32>,
        tpu.vector_store %arg14[%swap3A_253, %swap3A_254], %get3A_252 {add = true, strides = array<i32>} : memref<321x256xf32, #tpu.memory_space<vmem>>, vector<16xf32>,
        %get3A_256 = arith.index_cast %scan3A_172 : i32 to index
        %get3A_257 = arith.constant 208 : index
        %get3A_258 = tpu.vector_load %arg13[%get3A_256, %get3A_257] {strides = array<i32>} : memref<128x256xf32, #tpu.memory_space<vmem>>, vector<16xf32>,
        %swap3A_259 = arith.index_cast %shift_right_arithmetic3A_177 : i32 to index
        %swap3A_260 = arith.constant 208 : index
        %swap3A_261 = tpu.vector_load %arg14[%swap3A_259, %swap3A_260] {strides = array<i32>} : memref<321x256xf32, #tpu.memory_space<vmem>>, vector<16xf32>,
        tpu.vector_store %arg14[%swap3A_259, %swap3A_260], %get3A_258 {add = true, strides = array<i32>} : memref<321x256xf32, #tpu.memory_space<vmem>>, vector<16xf32>,
        %get3A_262 = arith.index_cast %scan3A_172 : i32 to index
        %get3A_263 = arith.constant 224 : index
        %get3A_264 = tpu.vector_load %arg13[%get3A_262, %get3A_263] {strides = array<i32>} : memref<128x256xf32, #tpu.memory_space<vmem>>, vector<16xf32>,
        %swap3A_265 = arith.index_cast %shift_right_arithmetic3A_177 : i32 to index
        %swap3A_266 = arith.constant 224 : index
        %swap3A_267 = tpu.vector_load %arg14[%swap3A_265, %swap3A_266] {strides = array<i32>} : memref<321x256xf32, #tpu.memory_space<vmem>>, vector<16xf32>,
        tpu.vector_store %arg14[%swap3A_265, %swap3A_266], %get3A_264 {add = true, strides = array<i32>} : memref<321x256xf32, #tpu.memory_space<vmem>>, vector<16xf32>,
        %get3A_268 = arith.index_cast %scan3A_172 : i32 to index
        %get3A_269 = arith.constant 240 : index
        %get3A_270 = tpu.vector_load %arg13[%get3A_268, %get3A_269] {strides = array<i32>} : memref<128x256xf32, #tpu.memory_space<vmem>>, vector<16xf32>,
        %swap3A_271 = arith.index_cast %shift_right_arithmetic3A_177 : i32 to index
        %swap3A_272 = arith.constant 240 : index
        %swap3A_273 = tpu.vector_load %arg14[%swap3A_271, %swap3A_272] {strides = array<i32>} : memref<321x256xf32, #tpu.memory_space<vmem>>, vector<16xf32>,
        tpu.vector_store %arg14[%swap3A_271, %swap3A_272], %get3A_270 {add = true, strides = array<i32>} : memref<321x256xf32, #tpu.memory_space<vmem>>, vector<16xf32>,
        %swap3A_274 = arith.index_cast %shift_right_arithmetic3A_177 : i32 to index
        %swap3A_275 = tpu.vector_load %arg15[%swap3A_274] {strides = array<i32>} : memref<352xi32, #tpu.memory_space<vmem>>, vector<16xi32>,
        tpu.vector_store %arg15[%swap3A_274], %convert_element_type3A {add = true, strides = array<i32>} : memref<352xi32, #tpu.memory_space<vmem>>, vector<16xi32>,
      }
      %scan3A_171 = arith.constant 128 : i32
    } else {
    }
    "tpu.region"() ({
      %run_scoped3A = tpu.sem_alloc : memref<!tpu.dma_semaphore, #tpu.memory_space<semaphore_mem>>
      %dma_start3A_107 = arith.constant 0 : i32
      %dma_start3A_108 = arith.constant 0 : i32
      %dma_start3A_109 = tpu.memref_slice %arg14[%dma_start3A_107, %dma_start3A_108] : memref<321x256xf32, #tpu.memory_space<vmem>> -> memref<320x256xf32, #tpu.memory_space<vmem>>
      %dma_start3A_110 = arith.constant 0 : i32
      %dma_start3A_111 = tpu.memref_slice %arg5[%mul3A_2, %dma_start3A_110] : memref<10240x256xf32, #tpu.memory_space<hbm>> -> memref<320x256xf32, #tpu.memory_space<hbm>>
      %dma_start3A_112 = arith.constant 0 : i32
      %dma_start3A_113 = tpu.memref_slice %arg5[%mul3A_2, %dma_start3A_112] : memref<10240x256xf32, #tpu.memory_space<hbm>> -> memref<320x256xf32, #tpu.memory_space<hbm>>
      %dma_start3A_114 = arith.constant 0 : i32
      %dma_start3A_115 = arith.constant 0 : i32
      %dma_start3A_116 = tpu.memref_slice %arg14[%dma_start3A_114, %dma_start3A_115] : memref<321x256xf32, #tpu.memory_space<vmem>> -> memref<320x256xf32, #tpu.memory_space<vmem>>
      tpu.enqueue_dma source(%dma_start3A_116 : memref<320x256xf32, #tpu.memory_space<vmem>>) target(%dma_start3A_113 : memref<320x256xf32, #tpu.memory_space<hbm>>) target_semaphore(%run_scoped3A : memref<!tpu.dma_semaphore, #tpu.memory_space<semaphore_mem>>)
      %dma_wait3A = arith.constant 0 : i32
      %dma_wait3A_117 = arith.constant 0 : i32
      %dma_wait3A_118 = tpu.memref_slice %arg14[%dma_wait3A, %dma_wait3A_117] : memref<321x256xf32, #tpu.memory_space<vmem>> -> memref<320x256xf32, #tpu.memory_space<vmem>>
      %dma_wait3A_119 = arith.constant 0 : i32
      %dma_wait3A_120 = tpu.memref_slice %arg5[%mul3A_2, %dma_wait3A_119] : memref<10240x256xf32, #tpu.memory_space<hbm>> -> memref<320x256xf32, #tpu.memory_space<hbm>>
      %dma_wait3A_121 = arith.constant 0 : i32
      %dma_wait3A_122 = tpu.memref_slice %arg5[%mul3A_2, %dma_wait3A_121] : memref<10240x256xf32, #tpu.memory_space<hbm>> -> memref<320x256xf32, #tpu.memory_space<hbm>>
      %dma_wait3A_123 = arith.constant 0 : i32
      %dma_wait3A_124 = arith.constant 0 : i32
      %dma_wait3A_125 = tpu.memref_slice %arg14[%dma_wait3A_123, %dma_wait3A_124] : memref<321x256xf32, #tpu.memory_space<vmem>> -> memref<320x256xf32, #tpu.memory_space<vmem>>
      tpu.wait_dma2 semaphore(%run_scoped3A : memref<!tpu.dma_semaphore, #tpu.memory_space<semaphore_mem>>) src(%dma_wait3A_125 : memref<320x256xf32, #tpu.memory_space<vmem>>) dst(%dma_wait3A_122 : memref<320x256xf32, #tpu.memory_space<hbm>>)
      tpu.yield
    }) : () -> ()
    "tpu.region"() ({
      %run_scoped3A = tpu.sem_alloc : memref<!tpu.dma_semaphore, #tpu.memory_space<semaphore_mem>>
      %dma_start3A_107 = arith.constant 0 : i32
      %dma_start3A_108 = tpu.memref_slice %arg15[%dma_start3A_107] : memref<352xi32, #tpu.memory_space<vmem>> -> memref<320xi32, #tpu.memory_space<vmem>>
      %dma_start3A_109 = tpu.memref_slice %arg6[%mul3A_2] : memref<10240xi32, #tpu.memory_space<hbm>> -> memref<320xi32, #tpu.memory_space<hbm>>
      %dma_start3A_110 = tpu.memref_slice %arg6[%mul3A_2] : memref<10240xi32, #tpu.memory_space<hbm>> -> memref<320xi32, #tpu.memory_space<hbm>>
      %dma_start3A_111 = arith.constant 0 : i32
      %dma_start3A_112 = tpu.memref_slice %arg15[%dma_start3A_111] : memref<352xi32, #tpu.memory_space<vmem>> -> memref<320xi32, #tpu.memory_space<vmem>>
      tpu.enqueue_dma source(%dma_start3A_112 : memref<320xi32, #tpu.memory_space<vmem>>) target(%dma_start3A_110 : memref<320xi32, #tpu.memory_space<hbm>>) target_semaphore(%run_scoped3A : memref<!tpu.dma_semaphore, #tpu.memory_space<semaphore_mem>>)
      %dma_wait3A = arith.constant 0 : i32
      %dma_wait3A_113 = tpu.memref_slice %arg15[%dma_wait3A] : memref<352xi32, #tpu.memory_space<vmem>> -> memref<320xi32, #tpu.memory_space<vmem>>
      %dma_wait3A_114 = tpu.memref_slice %arg6[%mul3A_2] : memref<10240xi32, #tpu.memory_space<hbm>> -> memref<320xi32, #tpu.memory_space<hbm>>
      %dma_wait3A_115 = tpu.memref_slice %arg6[%mul3A_2] : memref<10240xi32, #tpu.memory_space<hbm>> -> memref<320xi32, #tpu.memory_space<hbm>>
      %dma_wait3A_116 = arith.constant 0 : i32
      %dma_wait3A_117 = tpu.memref_slice %arg15[%dma_wait3A_116] : memref<352xi32, #tpu.memory_space<vmem>> -> memref<320xi32, #tpu.memory_space<vmem>>
      tpu.wait_dma2 semaphore(%run_scoped3A : memref<!tpu.dma_semaphore, #tpu.memory_space<semaphore_mem>>) src(%dma_wait3A_117 : memref<320xi32, #tpu.memory_space<vmem>>) dst(%dma_wait3A_115 : memref<320xi32, #tpu.memory_space<hbm>>)
      tpu.yield
    }) : () -> ()
    return
  }
}

module attributes {stable_mosaic.version = 14 : i64} {
  func.func @_tc_body(%arg0: i32, %arg1: memref<400x1xi32, #tpu.memory_space<vmem>>, %arg2: memref<400x256xf32, #tpu.memory_space<vmem>>, %arg3: memref<256x256xf32, #tpu.memory_space<vmem>>, %arg4: memref<1x256xf32, #tpu.memory_space<vmem>>, %arg5: memref<1x256xf32, #tpu.memory_space<vmem>>, %arg6: memref<1x256xf32, #tpu.memory_space<vmem>>, %arg7: memref<400x256xf32, #tpu.memory_space<vmem>>) attributes {dimension_semantics = [#tpu.dimension_semantics<arbitrary>], iteration_bounds = array<i64: 25>, scalar_prefetch = 0 : i64, scratch_operands = 0 : i64, tpu.core_type = #tpu.core_type<tc>, window_params = [{transform_indices = @transform_0, window_bounds = array<i64: 400, 1>}, {transform_indices = @transform_1, window_bounds = array<i64: 400, 256>}, {pipeline_mode = #tpu.pipeline_mode<synchronous>, transform_indices = @transform_2, window_bounds = array<i64: 256, 256>}, {pipeline_mode = #tpu.pipeline_mode<synchronous>, transform_indices = @transform_3, window_bounds = array<i64: 1, 256>}, {pipeline_mode = #tpu.pipeline_mode<synchronous>, transform_indices = @transform_4, window_bounds = array<i64: 1, 256>}, {pipeline_mode = #tpu.pipeline_mode<synchronous>, transform_indices = @transform_5, window_bounds = array<i64: 1, 256>}, {transform_indices = @transform_6, window_bounds = array<i64: 400, 256>}]} {
    %get3A = arith.constant 0 : index
    %get3A_0 = arith.constant 0 : index
    %get3A_1 = vector.load %arg1[%get3A, %get3A_0] : memref<400x1xi32, #tpu.memory_space<vmem>>, vector<400x1xi32>
    %convert_element_type3A = arith.sitofp %get3A_1 : vector<400x1xi32> to vector<400x1xf32>
    %get3A_2 = arith.constant 0 : index
    %get3A_3 = arith.constant 0 : index
    %get3A_4 = vector.load %arg2[%get3A_2, %get3A_3] : memref<400x256xf32, #tpu.memory_space<vmem>>, vector<400x256xf32>
    %max3A = arith.constant 1.000000e+00 : f32
    %max3A_5 = vector.broadcast %max3A : f32 to vector<400x1xf32>
    %max3A_6 = arith.maximumf %convert_element_type3A, %max3A_5 : vector<400x1xf32>
    %div3A = vector.broadcast %max3A_6 : vector<400x1xf32> to vector<400x256xf32>
    %div3A_7 = arith.divf %get3A_4, %div3A : vector<400x256xf32>
    %get3A_8 = arith.constant 0 : index
    %get3A_9 = arith.constant 0 : index
    %get3A_10 = vector.load %arg3[%get3A_8, %get3A_9] : memref<256x256xf32, #tpu.memory_space<vmem>>, vector<256x256xf32>
    %dot_general3A = arith.constant dense<0.000000e+00> : vector<400x256xf32>
    %dot_general3A_11 = tpu.matmul %div3A_7, %get3A_10, %dot_general3A {dimension_numbers = #tpu.dot_dimension_numbers<[1], [0], [0], [1], [0, 0, 1, 1], [], []>, transpose_lhs_hint = false} : vector<400x256xf32>, vector<256x256xf32>, vector<400x256xf32> -> vector<400x256xf32>
    %get3A_12 = arith.constant 0 : index
    %get3A_13 = arith.constant 0 : index
    %get3A_14 = vector.load %arg4[%get3A_12, %get3A_13] : memref<1x256xf32, #tpu.memory_space<vmem>>, vector<1x256xf32>
    %add3A = vector.broadcast %get3A_14 : vector<1x256xf32> to vector<400x256xf32>
    %add3A_15 = arith.addf %dot_general3A_11, %add3A : vector<400x256xf32>
    %reduce_sum3A = arith.constant dense<0.000000e+00> : vector<400xf32>
    %reduce_sum3A_16 = vector.multi_reduction <add>, %add3A_15, %reduce_sum3A [1] : vector<400x256xf32> to vector<400xf32>
    %broadcast_in_dim3A = vector.shape_cast %reduce_sum3A_16 : vector<400xf32> to vector<400x1xf32>
    %div3A_17 = arith.constant 2.560000e+02 : f32
    %div3A_18 = vector.broadcast %div3A_17 : f32 to vector<400x1xf32>
    %div3A_19 = arith.divf %broadcast_in_dim3A, %div3A_18 : vector<400x1xf32>
    %sub3A = vector.broadcast %div3A_19 : vector<400x1xf32> to vector<400x256xf32>
    %sub3A_20 = arith.subf %add3A_15, %sub3A : vector<400x256xf32>
    %integer_pow3A = arith.mulf %sub3A_20, %sub3A_20 : vector<400x256xf32>
    %reduce_sum3A_21 = arith.constant dense<0.000000e+00> : vector<400xf32>
    %reduce_sum3A_22 = vector.multi_reduction <add>, %integer_pow3A, %reduce_sum3A_21 [1] : vector<400x256xf32> to vector<400xf32>
    %broadcast_in_dim3A_23 = vector.shape_cast %reduce_sum3A_22 : vector<400xf32> to vector<400x1xf32>
    %div3A_24 = arith.constant 2.560000e+02 : f32
    %div3A_25 = vector.broadcast %div3A_24 : f32 to vector<400x1xf32>
    %div3A_26 = arith.divf %broadcast_in_dim3A_23, %div3A_25 : vector<400x1xf32>
    %sub3A_27 = vector.broadcast %div3A_19 : vector<400x1xf32> to vector<400x256xf32>
    %sub3A_28 = arith.subf %add3A_15, %sub3A_27 : vector<400x256xf32>
    %add3A_29 = arith.constant 9.99999974E-6 : f32
    %add3A_30 = vector.broadcast %add3A_29 : f32 to vector<400x1xf32>
    %add3A_31 = arith.addf %div3A_26, %add3A_30 : vector<400x1xf32>
    %rsqrt3A = math.rsqrt %add3A_31 : vector<400x1xf32>
    %mul3A = vector.broadcast %rsqrt3A : vector<400x1xf32> to vector<400x256xf32>
    %mul3A_32 = arith.mulf %sub3A_28, %mul3A : vector<400x256xf32>
    %get3A_33 = arith.constant 0 : index
    %get3A_34 = arith.constant 0 : index
    %get3A_35 = vector.load %arg5[%get3A_33, %get3A_34] : memref<1x256xf32, #tpu.memory_space<vmem>>, vector<1x256xf32>
    %mul3A_36 = vector.broadcast %get3A_35 : vector<1x256xf32> to vector<400x256xf32>
    %mul3A_37 = arith.mulf %mul3A_32, %mul3A_36 : vector<400x256xf32>
    %get3A_38 = arith.constant 0 : index
    %get3A_39 = arith.constant 0 : index
    %get3A_40 = vector.load %arg6[%get3A_38, %get3A_39] : memref<1x256xf32, #tpu.memory_space<vmem>>, vector<1x256xf32>
    %add3A_41 = vector.broadcast %get3A_40 : vector<1x256xf32> to vector<400x256xf32>
    %add3A_42 = arith.addf %mul3A_37, %add3A_41 : vector<400x256xf32>
    %max3A_43 = arith.constant 0.000000e+00 : f32
    %max3A_44 = vector.broadcast %max3A_43 : f32 to vector<400x256xf32>
    %max3A_45 = arith.maximumf %add3A_42, %max3A_44 : vector<400x256xf32>
    %swap3A = arith.constant 0 : index
    %swap3A_46 = arith.constant 0 : index
    %swap3A_47 = vector.load %arg7[%swap3A, %swap3A_46] : memref<400x256xf32, #tpu.memory_space<vmem>>, vector<400x256xf32>
    tpu.vector_store %arg7[%swap3A, %swap3A_46], %max3A_45 {strides = array<i32>} : memref<400x256xf32, #tpu.memory_space<vmem>>, vector<400x256xf32>,
    return
  }
  func.func @transform_0(%arg0: i32) -> (i32, i32) {
    %c0_i32 = arith.constant 0 : i32
    %c0_i32_0 = arith.constant 0 : i32
    return %arg0, %c0_i32 : i32, i32
  }
  func.func @transform_1(%arg0: i32) -> (i32, i32) {
    %c0_i32 = arith.constant 0 : i32
    %c0_i32_0 = arith.constant 0 : i32
    return %arg0, %c0_i32 : i32, i32
  }
  func.func @transform_2(%arg0: i32) -> (i32, i32) {
    %c0_i32 = arith.constant 0 : i32
    %c0_i32_0 = arith.constant 0 : i32
    %c0_i32_1 = arith.constant 0 : i32
    return %c0_i32, %c0_i32_0 : i32, i32
  }
  func.func @transform_3(%arg0: i32) -> (i32, i32) {
    %c0_i32 = arith.constant 0 : i32
    %c0_i32_0 = arith.constant 0 : i32
    %c0_i32_1 = arith.constant 0 : i32
    return %c0_i32, %c0_i32_0 : i32, i32
  }
  func.func @transform_4(%arg0: i32) -> (i32, i32) {
    %c0_i32 = arith.constant 0 : i32
    %c0_i32_0 = arith.constant 0 : i32
    %c0_i32_1 = arith.constant 0 : i32
    return %c0_i32, %c0_i32_0 : i32, i32
  }
  func.func @transform_5(%arg0: i32) -> (i32, i32) {
    %c0_i32 = arith.constant 0 : i32
    %c0_i32_0 = arith.constant 0 : i32
    %c0_i32_1 = arith.constant 0 : i32
    return %c0_i32, %c0_i32_0 : i32, i32
  }
  func.func @transform_6(%arg0: i32) -> (i32, i32) {
    %c0_i32 = arith.constant 0 : i32
    %c0_i32_0 = arith.constant 0 : i32
    return %arg0, %c0_i32 : i32, i32
  }
}

</mosaic_0001>

<sc_bundles>
// kernel: kernel.4.cloned.1.call-start
scs
__scs_entry_jumppad:
0x0: {  	(pc) =	sbr.rel $0x88, $3  }
0x1: {  	(tag) =	ssettag $0x0;
	lr =	simm.s32 $0x1  }
0x2: {  	[smem:$0x3F9B] =	sst lr;
	_ =	strace $0xD0000000  }
0x3: {  	_ = 	snop  }
0x4: {  	_ = 	snop  }
0x5: {  	_ = 	snop  }
0x6: {  	_ = 	snop  }
0x7: {  	_ = 	snop  }
__scs_overlays_trampoline_lowered:
0x8: {  	[smem:$0x3FAA] =	sst s0  }
0x9: {  	[smem:$0x3FAB] =	sst s1  }
0xa: {  	[smem:$0x3FAC] =	sst s2  }
0xb: {  	[smem:$0x3FAD] =	sst s3  }
0xc: {  	[smem:$0x3FAE] =	sst s4  }
0xd: {  	[smem:$0x3FAF] =	sst s5  }
0xe: {  	[smem:$0x3FB0] =	sst s6  }
0xf: {  	[smem:$0x3FB1] =	sst s7  }
0x10: {  	[smem:$0x3FB2] =	sst s8  }
0x11: {  	[smem:$0x3FB3] =	sst s9;
	s0 =	simm.s32 @!p0 $0x0  }
0x12: {  	s1 =	sld [smem:$0x3F99];
	s0 =	simm.s32 @p0 $0x1  }
0x13: {  	[smem:$0x3FB4] =	sst s0;
	s0 =	simm.s32 @!p1 $0x0  }
0x14: {  	s2 =	sld [smem:$0x3F98];
	s0 =	simm.s32 @p1 $0x1  }
0x15: {  	[smem:$0x3FB5] =	sst s0;
	s0 =	simm.s32 @!p2 $0x0  }
0x16: {  	s3 =	sld [smem:$0x3FDB];
	s0 =	simm.s32 @p2 $0x1  }
0x17: {  	s4 =	simm.s32 $0x1BF5;
	[smem:$0x3FB7] =	sst s0  }
0x18: {  	s0 =	sld [smem:$0x3F9A];
	_ =	swait.ge [sflag:s4], $0x0  }
0x19: {  	s7 =	sld [smem:$0x3F9B]  }
0x1a: {  	s8 =	sadd.s32 $0xFFFFE003, lr  }
0x1b: {  	s9 =	sadd.s32 $0xFFFFFEF7, lr;
	s5 =	simm.s32 $0xFFFFFFFF;
	p2 =	slt.u32 s8, $0xFFFFF086  }
0x1c: {  	p1 =	slt.u32 s9, $0xF7A;
	s5 =	simm.s32 @!p2 $0x0  }
0x1d: {  	s5 =	simm.s32 @p1 $0x1;
	p0 =	seq.s32 s7, s2  }
0x1e: {  	s7 =	smul.u32 @!p0 $0xF7A, s2;
	p2 =	seq.s32 @!p0 s5, $0x0  }
0x1f: {  	s9 =	smul.u32 $0xF7A, s1;
	s8 =	simm.s32 @!p0 $0x1BF5;
	p2 =	por !p2, p0  }
0x20: {  	[sflag:s8] =	ssyncset.s32 @!p0 $0xFFFFF086;
	s6 =	sadd.s32 @!p0 s3, s7;
	s7 =	simm.s32 @!p0 $0x108  }
0x21: {  	s3 =	sadd.s32 s3, s9;
	s6 =	sadd.s32 @!p0 $0x88, s6;
	s7 =	simm.s32 @p2 $0x1082  }
0x22: {  	[simem:s7], [sflag:s8] =	dma.local @!p0 [hbm:s6], $0xF7A  }
0x23: {  	s9 =	sor.u32 $0xD0000000, s2;
	s6 =	simm.s32 $0x108;
	_ =	swait.ge @!p0 [sflag:s8], $0x0  }
0x24: {  	s3 =	sadd.s32 $0x88, s3;
	s6 =	simm.s32 @!p1 $0x1082;
	[sflag:s4] =	ssyncset.s32 $0xFFFFF086  }
0x25: {  	[simem:s6], [sflag:s4] =	dma.local [hbm:s3], $0xF7A  }
0x26: {  	[smem:$0x3F9B] =	sst s1;
	(tag) =	ssettag s2;
	_ =	strace s9  }
0x27: {  	s1 =	sld [smem:$0x3FAB]  }
0x28: {  	s2 =	sld [smem:$0x3FAC]  }
0x29: {  	s4 =	sld [smem:$0x3FAE]  }
0x2a: {  	p0 =	seq.s32 s5, $0x0;
	s5 =	sld [smem:$0x3FAF]  }
0x2b: {  	s6 =	sld [smem:$0x3FB0]  }
0x2c: {  	s7 =	sld [smem:$0x3FB1]  }
0x2d: {  	s3 =	simm.s32 $0x108;
	s8 =	sld [smem:$0x3FB2]  }
0x2e: {  	s3 =	simm.s32 @!p0 $0x1082;
	s9 =	sld [smem:$0x3FB3]  }
0x2f: {  	lr =	sadd.s32 s0, s3;
	s0 =	sld [smem:$0x3FAA]  }
0x30: {  	s3 =	sld [smem:$0x3FAD]  }
0x31: {  	[smem:$0x3FB6] =	sst s10  }
0x32: {  	s10 =	sld [smem:$0x3FB4];
	_ =	sdelay $0x3  }
0x33: {  	p0 =	seq.s32 s10, $0x1;
	s10 =	sld [smem:$0x3FB6];
	_ =	sdelay $0x3  }
0x34: {  	[smem:$0x3FB6] =	sst s10  }
0x35: {  	s10 =	sld [smem:$0x3FB5];
	_ =	sdelay $0x3  }
0x36: {  	p1 =	seq.s32 s10, $0x1;
	s10 =	sld [smem:$0x3FB6];
	_ =	sdelay $0x3  }
0x37: {  	[smem:$0x3FB6] =	sst s10  }
0x38: {  	s10 =	sld [smem:$0x3FB7]  }
0x39: {  	_ = 	snop;
	(pc) =	sbr.ind lr, $3  }
0x3a: {  	_ = 	snop  }
0x3b: {  	_ = 	snop  }
0x3c: {  	p2 =	seq.s32 s10, $0x1;
	s10 =	sld [smem:$0x3FB6]  }
0x3d: {  	_ =	shalt  }
0x3e: {  	_ =	shalt  }
0x3f: {  	_ =	shalt  }
0x40: {  	_ =	shalt  }
0x41: {  	_ =	shalt  }
0x42: {  	_ =	shalt  }
0x43: {  	_ =	shalt  }
0x44: {  	_ =	shalt  }
0x45: {  	_ =	shalt  }
0x46: {  	_ =	shalt  }
0x47: {  	_ =	shalt  }
0x48: {  	_ =	shalt  }
0x49: {  	_ =	shalt  }
0x4a: {  	_ =	shalt  }
0x4b: {  	_ =	shalt  }
0x4c: {  	_ =	shalt  }
0x4d: {  	_ =	shalt  }
0x4e: {  	_ =	shalt  }
0x4f: {  	_ =	shalt  }
0x50: {  	_ =	shalt  }
0x51: {  	_ =	shalt  }
0x52: {  	_ =	shalt  }
0x53: {  	_ =	shalt  }
0x54: {  	_ =	shalt  }
0x55: {  	_ =	shalt  }
0x56: {  	_ =	shalt  }
0x57: {  	_ =	shalt  }
0x58: {  	_ =	shalt  }
0x59: {  	_ =	shalt  }
0x5a: {  	_ =	shalt  }
0x5b: {  	_ =	shalt  }
0x5c: {  	_ =	shalt  }
0x5d: {  	_ =	shalt  }
0x5e: {  	_ =	shalt  }
0x5f: {  	_ =	shalt  }
0x60: {  	_ =	shalt  }
0x61: {  	_ =	shalt  }
0x62: {  	_ =	shalt  }
0x63: {  	_ =	shalt  }
0x64: {  	_ =	shalt  }
0x65: {  	_ =	shalt  }
0x66: {  	_ =	shalt  }
0x67: {  	_ =	shalt  }
0x68: {  	_ =	shalt  }
0x69: {  	_ =	shalt  }
0x6a: {  	_ =	shalt  }
0x6b: {  	_ =	shalt  }
0x6c: {  	_ =	shalt  }
0x6d: {  	_ =	shalt  }
0x6e: {  	_ =	shalt  }
0x6f: {  	_ =	shalt  }
0x70: {  	_ =	shalt  }
0x71: {  	_ =	shalt  }
0x72: {  	_ =	shalt  }
0x73: {  	_ =	shalt  }
0x74: {  	_ =	shalt  }
0x75: {  	_ =	shalt  }
0x76: {  	_ =	shalt  }
0x77: {  	_ =	shalt  }
0x78: {  	_ =	shalt  }
0x79: {  	_ =	shalt  }
0x7a: {  	_ =	shalt  }
0x7b: {  	_ =	shalt  }
0x7c: {  	_ =	shalt  }
0x7d: {  	_ =	shalt  }
0x7e: {  	_ =	shalt  }
0x7f: {  	_ =	shalt  }
0x80: {  	_ =	shalt  }
0x81: {  	_ =	shalt  }
0x82: {  	_ =	shalt  }
0x83: {  	_ =	shalt  }
0x84: {  	_ =	shalt  }
0x85: {  	_ =	shalt  }
0x86: {  	_ =	shalt  }
0x87: {  	_ =	shalt  }
.Lfunc_end0:
.L_simem_size_0:
called_computation_lowered:
.L_overlay_start_0:
0x88: {  	s2 =	sld [smem:$0x3FD9]  }
0x89: {  	s3 =	sld [smem:$0x3FFE];
	_ =	sdelay $0x1  }
0x8a: {  	s1 =	srdreg.scid  }
0x8b: {  	s0 =	sand.u32 $0x1, s1  }
0x8c: {  	s17 =	sshll.u32 s0, $0xA;
	s2 =	sadd.s32 s3, s2  }
0x8d: {  	s2 =	sadd.s32 s2, s17  }
0x8e: {  	[smem:$0x3FC2] =	sst s2  }
0x8f: {  	_ = 	snop  }
0x90: {  	s2 =	sld [smem:$0x3FC9]  }
0x91: {  	s18 =	sld [smem:$0x3FD0];
	(tm) =	ssettm $0x1  }
0x92: {  	s4 =	sld [smem:$0x3FFB];
	_ =	sdelay $0x3  }
0x93: {  	_ =	strace s4  }
0x94: {  	s4 =	sld [smem:$0x3FFC];
	_ =	sdelay $0x3  }
0x95: {  	_ =	strace s4  }
0x96: {  	s4 =	sld [smem:$0x3FFD];
	_ =	sdelay $0x3  }
0x97: {  	_ =	strace s4  }
0x98: {  	_ =	strace $0x8FFFFFFF  }
0x99: {  	s19 =	sld [smem:$0x3FDB];
	_ =	sdelay $0x1  }
0x9a: {  	s5 =	simm.s32 $_scs_section_size  }
0x9b: {  	s6 =	simm.s32 $_size__tile_overlayer_lowered;
	s7 =	simm.s32 $_tile_overlayer_lowered  }
0x9c: {  	s22 =	simm.s32 $0x1BFF;
	s21 =	sshll.u32 s7, $0x1;
	s4 =	sadd.s32 s5, s19  }
0x9d: {  	s8 =	simm.s32 $0x0;
	s20 =	sshll.u32 s6, $0x1;
	s6 =	sadd.s32 s21, s4  }
0x9e: {  	[timem:s8], [sflag:s22] =	dma.local [hbm:s6], s20  }
0x9f: {  	_ =	swait.ge [sflag:s22], s20  }
0xa0: {  	s5 =	ssub.s32 $0x0, s20;
	[sflag:s22] =	ssyncset.done $0x0  }
0xa1: {  	[sflag:s22] =	ssyncadd.s32 s5;
	_ =	sdelay $0x1  }
0xa2: {  	s23 =	simm.s32 $0x1B8B  }
0xa3: {  	_ =	swait.ge [sflag:s23], $0x1  }
0xa4: {  	[sflag:s23] =	ssyncset.done $0x0  }
0xa5: {  	s25 =	simm.s32 $0x1B8E;
	s24 =	sld [smem:$0x3FFE];
	[sflag:s23] =	ssyncadd.s32 $0xFFFFFFFF  }
0xa6: {  	s26 =	simm.s32 $execute0_lowered;
	[smem:$0x3FD2] =	sst s25  }
0xa7: {  	s6 =	sshll.u32 s26, $0x1;
	_ =	strace $0x80000046;
	[dreg:$0x1] =	wrdreg $0xFFFFFFFF  }
0xa8: {  	s28 =	simm.s32 $_size_execute0_lowered;
	s4 =	sadd.s32 s4, s6;
	[dreg:$0x0] =	wrdreg $0x0  }
0xa9: {  	s6 =	sshll.u32 s28, $0x1;
	[dreg:$0x2] =	wrdreg s4  }
0xaa: {  	[dreg:$0x3] =	wrdreg s6  }
0xab: {  	[dreg:$0x4] =	wrdreg $0xC0  }
0xac: {  	_ =	task [dreg:s8], $0x5FFFF  }
0xad: {  	[dreg:$0x1] =	wrdreg $0xFFFFFFFF  }
0xae: {  	[dreg:$0x0] =	wrdreg $0x60  }
0xaf: {  	[dreg:$0x2] =	wrdreg s2  }
0xb0: {  	[dreg:$0x3] =	wrdreg s24  }
0xb1: {  	[dreg:$0x4] =	wrdreg s18  }
0xb2: {  	[dreg:$0x5] =	wrdreg $0x9  }
0xb3: {  	_ =	task.clear_ibuf [dreg:s8], $0x6FFFF;
	_ =	strace $0x90000046  }
0xb4: {  	s29 =	simm.s32 $0x9;
	_ =	strace $0x80000048  }
0xb5: {  	_ =	swait.ge [sflag:s29], $0x1  }
0xb6: {  	[sflag:s29] =	ssyncadd.s32 $0xFFFFFFFF  }
0xb7: {  	_ =	strace $0x90000048  }
0xb8: {  	_ =	sfence  }
0xb9: {  	s30 =	sld [smem:$0x0];
	_ =	sdelay $0x2  }
0xba: {  	s31 =	sshll.u32 s1, $0xD;
	s1 =	sshrl.u32 s1, $0x2  }
0xbb: {  	s3 =	sand.u32 $0x4000, s31;
	s1 =	sadd.s32 s1, s30  }
0xbc: {  	s0 =	sor.u32 s3, s0;
	s1 =	sshll.u32 s1, $0x11  }
0xbd: {  	s0 =	sor.u32 s1, s0  }
0xbe: {  	s0 =	sadd.s32 $0x8F2B, s0  }
0xbf: {  	[sflag:s0] =	ssyncadd.remote.s32 $0x1  }
0xc0: {  	_ =	sfence.sel $0xFFFF  }
0xc1: {  	[dreg:$0x0] =	wrdreg $0xFFFFFFFF;
	(pc) =	sbr.abs _section_cstart, $3  }
0xc2: {  	[dreg:$0x1] =	wrdreg $0xFFFFFFFF  }
0xc3: {  	_ =	task.clear_ibuf [dreg:s8], $0x2FFFF;
	_ =	strace $0x9FFFFFFF  }
0xc4: {  	(tm) =	ssettm $0x7FFFFFFF  }
0xc5: {  	_ =	shalt  }
tec
execute0_lowered:
.L_overlay_start_1:
0x0: {  	(tag) =	ssettag $0x1  }
0x1: {  	s1 =	rddreg [dreg:$0x0]  }
0x2: {  	s0 =	rddreg [dreg:$0x1]  }
0x3: {  	s2 =	srdreg.scid;
	s3 =	stileid.u32  }
0x4: {  	s6 =	simm.s32 $0x0;
	s13 =	simm.s32 $0x3380;
	s14 =	simm.s32 $0x3B80  }
0x5: {  	s15 =	simm.s32 $0x4380;
	s16 =	simm.s32 $0x4B80;
	s17 =	simm.s32 $0x5380  }
0x6: {  	s18 =	simm.s32 $0x5B80;
	s19 =	simm.s32 $0x6380;
	s20 =	simm.s32 $0x6B80  }
0x7: {  	s21 =	simm.s32 $0x7380;
	s22 =	simm.s32 $0x7B80;
	s23 =	simm.s32 $0x8380  }
0x8: {  	s28 =	simm.s32 $0xA380;
	s29 =	simm.s32 $0xAB80;
	s30 =	simm.s32 $0x1  }
0x9: {  	s31 =	simm.s32 $0x3;
	s2 =	sand.u32 $0x1, s2;
	s3 =	sshll.u32 s3, $0x1  }
0xa: {  	[smem:$0x7FF] =	sst s6;
	s5 =	sadd.s32 $0xA00, s0;
	s3 =	sor.u32 s2, s3  }
0xb: {  	_ =	strace $0x80000047;
	s2 =	ssub.s32 $0x2, s2;
	s4 =	smul.u32 $0x140, s3  }
0xc: {  	[dreg:$0x4] =	wrdreg s5;
	s3 =	smul.u32 $0x2800, s3;
	s25 =	sshrl.u32 s2, $0x1  }
.Ltmp0:
0xd: {  	s2 =	ssub.s32 s2, s25;
	s25 =	simm.s32 $0x9380;
	(pc) =	sbr.rel .LBB2_1-.Ltmp0, $4  }
0xe: {  	v1 =	vimm.f32 $0.0e+00;
	v5 =	vlaneseq.u32;
	v2 =	vimm.s32 $0x0;
	s24 =	sshrl.u32 s4, $0x3;
	s3 =	sadd.s32 s3, s0;
	s26 =	smax.u32 s2, $0x1  }
0xf: {  	vm0 =	vmmov $0xffff;
	vm1 =	vcmask $0x300;
	v7 =	vimm.s32 $0x500000;
	s0 =	sadd.s32 s24, s0;
	s3 =	sadd.s32 $0x6000, s3;
	[dreg:$0x7] =	wrdreg s26  }
0x10: {  	v3 =	vand.u32 $0x7, v5;
	v4 =	vshrl.u32 v5, $0x3;
	v0 =	vmov s4;
	s4 =	simm.s32 $0x0;
	[dreg:$0x5] =	wrdreg s3;
	s0 =	sadd.s32 $0x5A00, s0  }
0x11: {  	v5 =	vor.u32 $0x8, v5;
	v6 =	vsel vm1, $0x1, v2;
	v4 =	vmul.u32 $0x8, v4;
	s24 =	simm.s32 $0x8B80;
	s26 =	simm.s32 $0x9B80;
	[dreg:$0x6] =	wrdreg s0  }
.LBB2_21:
0x12: {  	s6 =	simm.s32 $0x0  }
0x13: {  	s0 =	rddreg [dreg:$0x5];
	s2 =	simm.s32 $0xB380;
	s10 =	simm.s32 $0x4  }
0x14: {  	[hbm4b:s0+s6] =	stream.linear.scatter [tilespmem:s2], [sflag:$0x4], $0x14000, $0x38;
	[tilespmem:$0x1FD00] =	vst v63  }
0x15: {  	_ =	swait.ge [sflag:s10], $0x14000  }
0x16: {  	[sflag:s10] =	ssyncset.done $0x0  }
0x17: {  	s3 =	simm.s32 $0x1FB80;
	s11 =	rddreg [dreg:$0x6];
	[sflag:s10] =	ssyncadd.s32 $0xFFFEC000  }
0x18: {  	[hbm4b:s11+s6] =	stream.linear.scatter [tilespmem:s3], [sflag:$0x4], $0x140, $0x38;
	[tilespmem:$0x1FD00] =	vst v63  }
0x19: {  	_ =	swait.ge [sflag:s10], $0x140  }
0x1a: {  	s4 =	sadd.s32 $0x1, s4;
	s12 =	rddreg [dreg:$0x7]  }
0x1b: {  	p0 =	sne.s32 s4, s12  }
.Ltmp1:
0x1c: {  	_ = 	snop;
	(pc) =	sbr.rel @!p0 .LBB2_22-.Ltmp1, $3  }
0x1d: {  	_ =	sdelay $0x1  }
0x1e: {  	[sflag:s10] =	ssyncset.done $0x0  }
0x1f: {  	[sflag:s10] =	ssyncadd.s32 $0xFFFFFEC0  }
.LBB2_1:
0x20: {  	s0 =	sand.u32 $0x1F800, s6;
	s2 =	sand.u32 $0x380, s6  }
0x21: {  	s0 =	sor.u32 s2, s0  }
0x22: {  	[tilespmem:s0+$0xB7F0] =	vst v1  }
0x23: {  	[tilespmem:s0+$0xB380] =	vst v1  }
0x24: {  	[tilespmem:s0+$0xB390] =	vst v1  }
0x25: {  	[tilespmem:s0+$0xB3A0] =	vst v1  }
0x26: {  	[tilespmem:s0+$0xB3B0] =	vst v1  }
0x27: {  	[tilespmem:s0+$0xB3C0] =	vst v1  }
0x28: {  	[tilespmem:s0+$0xB3D0] =	vst v1  }
0x29: {  	[tilespmem:s0+$0xB3E0] =	vst v1  }
0x2a: {  	[tilespmem:s0+$0xB3F0] =	vst v1  }
0x2b: {  	[tilespmem:s0+$0xB780] =	vst v1  }
0x2c: {  	[tilespmem:s0+$0xB790] =	vst v1  }
0x2d: {  	[tilespmem:s0+$0xB7A0] =	vst v1  }
0x2e: {  	[tilespmem:s0+$0xB7B0] =	vst v1  }
0x2f: {  	[dreg:$0x8] =	wrdreg s4;
	s3 =	simm.s32 $0x100;
	s2 =	simm.s32 $0x80;
	[tilespmem:s0+$0xB7C0] =	vst v1  }
0x30: {  	s4 =	sand.u32 $0x1F800, s3;
	s3 =	simm.s32 $0x200;
	s5 =	sand.u32 $0x380, s2;
	[tilespmem:s0+$0xB7D0] =	vst v1  }
.LBB2_2:
0x31: {  	p0 =	sne.s32 s3, $0x14000;
	[tilespmem:s0+$0xB7E0] =	vst v1;
	s0 =	sor.u32 s5, s4  }
0x32: {  	[tilespmem:s0+$0xB7F0] =	vst v1  }
0x33: {  	[tilespmem:s0+$0xB380] =	vst v1  }
0x34: {  	[tilespmem:s0+$0xB390] =	vst v1  }
0x35: {  	[tilespmem:s0+$0xB3A0] =	vst v1  }
0x36: {  	[tilespmem:s0+$0xB3B0] =	vst v1  }
0x37: {  	[tilespmem:s0+$0xB3C0] =	vst v1  }
0x38: {  	[tilespmem:s0+$0xB3D0] =	vst v1  }
0x39: {  	[tilespmem:s0+$0xB3E0] =	vst v1  }
0x3a: {  	[tilespmem:s0+$0xB3F0] =	vst v1  }
0x3b: {  	[tilespmem:s0+$0xB780] =	vst v1  }
.Ltmp2:
0x3c: {  	[tilespmem:s0+$0xB790] =	vst v1;
	(pc) =	sbr.rel @p0 .LBB2_2-.Ltmp2, $4  }
0x3d: {  	[tilespmem:s0+$0xB7A0] =	vst v1  }
0x3e: {  	[tilespmem:s0+$0xB7B0] =	vst v1  }
0x3f: {  	s2 =	sadd.s32 $0x80, s2;
	[tilespmem:s0+$0xB7C0] =	vst v1  }
0x40: {  	s4 =	sand.u32 $0x1F800, s3;
	s3 =	sadd.s32 $0x100, s3;
	s5 =	sand.u32 $0x380, s2;
	[tilespmem:s0+$0xB7D0] =	vst v1  }
0x41: {  	s2 =	sor.u32 s5, s4;
	[tilespmem:s0+$0xB7E0] =	vst v1  }
0x42: {  	[tilespmem:s2+$0xB7F0] =	vst v1  }
0x43: {  	[tilespmem:s2+$0xB380] =	vst v1  }
0x44: {  	[tilespmem:s2+$0xB390] =	vst v1  }
0x45: {  	[tilespmem:s2+$0xB3A0] =	vst v1  }
0x46: {  	[tilespmem:s2+$0xB3B0] =	vst v1  }
0x47: {  	[tilespmem:s2+$0xB3C0] =	vst v1  }
0x48: {  	[tilespmem:s2+$0xB3D0] =	vst v1  }
0x49: {  	[tilespmem:s2+$0xB3E0] =	vst v1  }
0x4a: {  	[tilespmem:s2+$0xB3F0] =	vst v1  }
0x4b: {  	[tilespmem:s2+$0xB780] =	vst v1  }
0x4c: {  	[tilespmem:s2+$0xB790] =	vst v1  }
0x4d: {  	[tilespmem:s2+$0xB7A0] =	vst v1  }
0x4e: {  	[tilespmem:s2+$0xB7B0] =	vst v1  }
0x4f: {  	[tilespmem:s2+$0xB7C0] =	vst v1  }
0x50: {  	[tilespmem:s2+$0xB7D0] =	vst v1  }
0x51: {  	[tilespmem:s2+$0xB7E0] =	vst v1  }
0x52: {  	[tilespmem:$0x1FB80] =	vst v2  }
0x53: {  	[tilespmem:$0x1FB90] =	vst v2  }
0x54: {  	[tilespmem:$0x1FBA0] =	vst v2  }
0x55: {  	[tilespmem:$0x1FBB0] =	vst v2  }
0x56: {  	[tilespmem:$0x1FBC0] =	vst v2  }
0x57: {  	[tilespmem:$0x1FBD0] =	vst v2  }
0x58: {  	[tilespmem:$0x1FBE0] =	vst v2  }
0x59: {  	[tilespmem:$0x1FBF0] =	vst v2  }
0x5a: {  	[tilespmem:$0x1FC00] =	vst v2  }
0x5b: {  	[tilespmem:$0x1FC10] =	vst v2  }
0x5c: {  	[tilespmem:$0x1FC20] =	vst v2  }
0x5d: {  	[tilespmem:$0x1FC30] =	vst v2  }
0x5e: {  	[tilespmem:$0x1FC40] =	vst v2  }
0x5f: {  	[tilespmem:$0x1FC50] =	vst v2  }
0x60: {  	[tilespmem:$0x1FC60] =	vst v2  }
0x61: {  	[tilespmem:$0x1FC70] =	vst v2  }
0x62: {  	[tilespmem:$0x1FC80] =	vst v2  }
0x63: {  	[tilespmem:$0x1FC90] =	vst v2  }
0x64: {  	[tilespmem:$0x1FCA0] =	vst v2  }
0x65: {  	[tilespmem:$0x1FCB0] =	vst v2  }
.Ltmp3:
0x66: {  	s10 =	rddreg [dreg:$0x4];
	[tilespmem:$0x1FCC0] =	vst v2;
	(pc) =	sbr.rel .LBB2_4-.Ltmp3, $4  }
0x67: {  	s3 =	simm.s32 $0x0;
	s11 =	rddreg [dreg:$0x2];
	[tilespmem:$0x1FCD0] =	vst v2  }
0x68: {  	[tilespmem:s3], [sflag:$0x2] =	stream.linear.gather [hbm4b:s10+s3], $0xC80, $0x38;
	[tilespmem:$0x1FD00] =	vst v63  }
0x69: {  	s12 =	simm.s32 $0xC80;
	s7 =	simm.s32 $0x0;
	s6 =	simm.s32 $0x0  }
0x6a: {  	[tilespmem:s12], [sflag:$0x2] =	stream.linear.gather [hbm4b:s11+s3], $0xC80, $0x38;
	[tilespmem:$0x1FD00] =	vst v63  }
.LBB2_16:
0x6b: {  	s6 =	sadd.s32 $0x1, s6  }
0x6c: {  	p0 =	sne.s32 s6, $0x19  }
.Ltmp4:
0x6d: {  	_ = 	snop;
	(pc) =	sbr.rel @!p0 .LBB2_17-.Ltmp4, $1  }
0x6e: {  	_ =	sdelay $0x3  }
.LBB2_4:
0x6f: {  	s2 =	simm.s32 $0x2  }
0x70: {  	_ =	swait.ge [sflag:s2], $0xC80  }
0x71: {  	s8 =	smul.u32 $0x1900, s6;
	[sflag:s2] =	ssyncset.done $0x0  }
0x72: {  	[sflag:s2] =	ssyncadd.s32 $0xFFFFF380  }
0x73: {  	s3 =	simm.s32 $0x1900;
	s0 =	sshrl.u32 s8, $0x3;
	_ =	swait.ge [sflag:s2], $0xC80  }
0x74: {  	s0 =	sadd.s32 $0x190, s0;
	[sflag:s2] =	ssyncset.done $0x0;
	s10 =	rddreg [dreg:$0x4]  }
0x75: {  	s4 =	simm.s32 $0x0;
	[sflag:s2] =	ssyncadd.s32 $0xFFFFF380;
	s2 =	sadd.s32 s10, s0  }
0x76: {  	[tilespmem:s3], [sflag:$0x3] =	stream.linear.gather [hbm4b:s2+s4], $0xC80, $0x38;
	[tilespmem:$0x1FD00] =	vst v63  }
.Ltmp5:
0x77: {  	_ = 	snop;
	(pc) =	sbr.rel .LBB2_5-.Ltmp5, $4  }
0x78: {  	s11 =	rddreg [dreg:$0x2]  }
0x79: {  	s12 =	simm.s32 $0x2580;
	s0 =	sadd.s32 s11, s0  }
0x7a: {  	[tilespmem:s12], [sflag:$0x3] =	stream.linear.gather [hbm4b:s0+s4], $0xC80, $0x38;
	[tilespmem:$0x1FD00] =	vst v63  }
0x7b: {  	s4 =	simm.s32 $0x0  }
.LBB2_8:
0x7c: {  	(v2sf) =	vpush v8, $0x0;
	_ =	sdelay $0xb  }
0x7d: {  	s0 =	sadd.s32 $0x80, s0  }
0x7e: {  	s2 =	sand.u32 $0x7800, s2;
	s0 =	sand.u32 $0x380, s0  }
0x7f: {  	s0 =	sor.u32 s0, s2  }
0x80: {  	v8 =	vld [tilespmem:s0+$0x3380];
	s12 =	spop (v2sf)  }
0x81: {  	s2 =	sshra.s32 s12, $0xE  }
0x82: {  	s3 =	sshll.u32 s2, $0x8;
	s5 =	sshll.u32 s2, $0x7  }
0x83: {  	s3 =	sand.u32 $0xFFFFF800, s3;
	s5 =	sand.u32 $0x380, s5  }
0x84: {  	s3 =	sor.u32 s5, s3  }
0x85: {  	[tilespmem:s3+$0xB380] =	vst.add.f32.msk $0xffff, v8  }
0x86: {  	v8 =	vld [tilespmem:s0+$0x3390];
	_ =	sdelay $0x4  }
0x87: {  	[tilespmem:s3+$0xB390] =	vst.add.f32.msk $0xffff, v8  }
0x88: {  	v8 =	vld [tilespmem:s0+$0x33A0];
	_ =	sdelay $0x4  }
0x89: {  	[tilespmem:s3+$0xB3A0] =	vst.add.f32.msk $0xffff, v8  }
0x8a: {  	v8 =	vld [tilespmem:s0+$0x33B0];
	_ =	sdelay $0x4  }
0x8b: {  	[tilespmem:s3+$0xB3B0] =	vst.add.f32.msk $0xffff, v8  }
0x8c: {  	v8 =	vld [tilespmem:s0+$0x33C0];
	_ =	sdelay $0x4  }
0x8d: {  	[tilespmem:s3+$0xB3C0] =	vst.add.f32.msk $0xffff, v8  }
0x8e: {  	v8 =	vld [tilespmem:s0+$0x33D0];
	_ =	sdelay $0x4  }
0x8f: {  	[tilespmem:s3+$0xB3D0] =	vst.add.f32.msk $0xffff, v8  }
0x90: {  	v8 =	vld [tilespmem:s0+$0x33E0];
	_ =	sdelay $0x4  }
0x91: {  	[tilespmem:s3+$0xB3E0] =	vst.add.f32.msk $0xffff, v8  }
0x92: {  	v8 =	vld [tilespmem:s0+$0x33F0];
	_ =	sdelay $0x4  }
0x93: {  	[tilespmem:s3+$0xB3F0] =	vst.add.f32.msk $0xffff, v8  }
0x94: {  	v8 =	vld [tilespmem:s0+$0x3780];
	_ =	sdelay $0x4  }
0x95: {  	[tilespmem:s3+$0xB780] =	vst.add.f32.msk $0xffff, v8  }
0x96: {  	v8 =	vld [tilespmem:s0+$0x3790];
	_ =	sdelay $0x4  }
0x97: {  	[tilespmem:s3+$0xB790] =	vst.add.f32.msk $0xffff, v8  }
0x98: {  	v8 =	vld [tilespmem:s0+$0x37A0];
	_ =	sdelay $0x4  }
0x99: {  	[tilespmem:s3+$0xB7A0] =	vst.add.f32.msk $0xffff, v8  }
0x9a: {  	v8 =	vld [tilespmem:s0+$0x37B0];
	_ =	sdelay $0x4  }
0x9b: {  	[tilespmem:s3+$0xB7B0] =	vst.add.f32.msk $0xffff, v8  }
0x9c: {  	v8 =	vld [tilespmem:s0+$0x37C0];
	_ =	sdelay $0x4  }
0x9d: {  	[tilespmem:s3+$0xB7C0] =	vst.add.f32.msk $0xffff, v8  }
0x9e: {  	v8 =	vld [tilespmem:s0+$0x37D0];
	_ =	sdelay $0x4  }
0x9f: {  	[tilespmem:s3+$0xB7D0] =	vst.add.f32.msk $0xffff, v8  }
0xa0: {  	v8 =	vld [tilespmem:s0+$0x37E0];
	_ =	sdelay $0x4  }
0xa1: {  	[tilespmem:s3+$0xB7E0] =	vst.add.f32.msk $0xffff, v8  }
0xa2: {  	v8 =	vld [tilespmem:s0+$0x37F0];
	_ =	sdelay $0x4  }
0xa3: {  	[tilespmem:s3+$0xB7F0] =	vst.add.f32.msk $0xffff, v8  }
0xa4: {  	[tilespmem:s2+$0x1FB80] =	vst.add.s32.msk $0xffff, v6  }
0xa5: {  	v8 =	vld [tilespmem:$0x3280]  }
0xa6: {  	v9 =	vld [tilespmem:$0x3290]  }
0xa7: {  	v10 =	vld [tilespmem:$0x32A0]  }
0xa8: {  	v11 =	vld [tilespmem:$0x32B0]  }
0xa9: {  	v12 =	vld [tilespmem:$0x32C0]  }
0xaa: {  	v62 =	vld [tilespmem:$0x32E0];
	[tilespmem:$0x3200] =	vst v8  }
0xab: {  	v63 =	vld [tilespmem:$0x32F0];
	[tilespmem:$0x3210] =	vst v9  }
0xac: {  	v8 =	vld [tilespmem:$0x32D0];
	[tilespmem:$0x3220] =	vst v10  }
0xad: {  	[tilespmem:$0x3230] =	vst v11  }
0xae: {  	[tilespmem:$0x3240] =	vst v12  }
0xaf: {  	[tilespmem:$0x3260] =	vst v62  }
0xb0: {  	[tilespmem:$0x3270] =	vst v63  }
0xb1: {  	[tilespmem:$0x3250] =	vst v8  }
.LBB2_9:
0xb2: {  	s4 =	sadd.s32 $0x1, s4  }
0xb3: {  	p1 =	sne.s32 s4, $0x19  }
.Ltmp6:
0xb4: {  	_ = 	snop;
	(pc) =	sbr.rel @!p1 .LBB2_10-.Ltmp6, $3  }
0xb5: {  	_ =	sdelay $0x1  }
0xb6: {  	p0 =	sgt.s32 s7, $0x7F;
	s0 =	sadd.s32 $0xFFFFFF80, s7  }
0xb7: {  	s7 =	smov.u32 @p0 s0  }
.LBB2_5:
0xb8: {  	s0 =	sshll.u32 s4, $0x7  }
0xb9: {  	v8 =	vld [tilespmem:s0+$0xC80]  }
0xba: {  	v9 =	vld [tilespmem:s0+$0xC90]  }
0xbb: {  	v12 =	vld [tilespmem:s0+$0xCA0]  }
0xbc: {  	v13 =	vld [tilespmem:s0+$0xCB0]  }
0xbd: {  	v17 =	vld [tilespmem:s0+$0xCD0]  }
0xbe: {  	v44 =	vld [tilespmem:s0+$0xCF0]  }
0xbf: {  	v10 =	vld [tilespmem:s0+$0x0]  }
0xc0: {  	v8 =	vsub.s32 v8, v0  }
0xc1: {  	v9 =	vsub.s32 v9, v0;
	v39 =	vsub.s32 v12, v0;
	v13 =	vsub.s32 v13, v0  }
0xc2: {  	v11 =	vld [tilespmem:s0+$0x10];
	v43 =	vsub.s32 v17, v0;
	vm1 =	vlt.u32 v8, $0x140;
	v8 =	vmin.u32 v8, $0x140  }
0xc3: {  	v40 =	vld [tilespmem:s0+$0xCC0];
	v51 =	vsub.s32 v44, v0;
	v14 =	vmpcnt.ones.xlane vm1;
	v8 =	vshll.u32 v8, $0xE  }
0xc4: {  	v15 =	vld [tilespmem:s0+$0x20];
	vm1 =	vlt.u32 v9, $0x140;
	v9 =	vmin.u32 v9, $0x140;
	v8 =	vadd.s32 v10, v8  }
0xc5: {  	v42 =	vld [tilespmem:s0+$0xCE0];
	v37 =	vmpcnt.ones.xlane vm1;
	v9 =	vshll.u32 v9, $0xE;
	vm1 =	vlt.u32 v39, $0x140  }
0xc6: {  	v10 =	vmin.u32 v39, $0x140;
	(v2sf) =	vpush v14, $0x0;
	v38 =	vxor.u32 $0x80000000, v8  }
0xc7: {  	v9 =	vadd.s32 v11, v9;
	v18 =	vmpcnt.ones.xlane vm1;
	vm1 =	vlt.u32 v13, $0x140  }
0xc8: {  	v10 =	vshll.u32 v10, $0xE;
	v11 =	vsub.s32 v40, v0;
	(v2sf) =	vpush v37, $0x0  }
0xc9: {  	v41 =	vxor.u32 $0x80000000, v9;
	v19 =	vmpcnt.ones.xlane vm1;
	v10 =	vadd.s32 v15, v10  }
0xca: {  	vm1 =	vlt.u32 v11, $0x140;
	v15 =	vsub.s32 v42, v0;
	(v2sf) =	vpush v18, $0x0  }
0xcb: {  	v16 =	vld [tilespmem:s0+$0x30];
	v45 =	vmpcnt.ones.xlane vm1;
	vm1 =	vlt.u32 v43, $0x140;
	v21 =	vxor.u32 $0x80000000, v10  }
0xcc: {  	(xrf1) =	vsort.ascd.msk.u32 $0xffff, v38, v8;
	(v2sf) =	vpush v19, $0x0;
	v47 =	vmpcnt.ones.xlane vm1;
	vm1 =	vlt.u32 v15, $0x140  }
0xcd: {  	v20 =	vld [tilespmem:s0+$0x40];
	(xrf1) =	vsort.ascd.msk.u32 $0xffff, v41, v9;
	(v2sf) =	vpush v45, $0x0;
	v52 =	vmpcnt.ones.xlane vm1;
	vm1 =	vlt.u32 v51, $0x140  }
0xce: {  	v46 =	vld [tilespmem:s0+$0x50];
	v13 =	vmin.u32 v13, $0x140;
	(xrf1) =	vsort.ascd.msk.u32 $0xffff, v21, v10;
	(v2sf) =	vpush v47, $0x0;
	v55 =	vmpcnt.ones.xlane vm1  }
0xcf: {  	v49 =	vld [tilespmem:s0+$0x60];
	v57 =	vmin.u32 v51, $0x140;
	v13 =	vshll.u32 v13, $0xE;
	(v2sf) =	vpush v52, $0x0  }
0xd0: {  	v50 =	vld [tilespmem:s0+$0x70];
	v11 =	vmin.u32 v11, $0x140;
	v13 =	vadd.s32 v16, v13;
	(v2sf) =	vpush v55, $0x0  }
0xd1: {  	v11 =	vshll.u32 v11, $0xE;
	v16 =	vmin.u32 v43, $0x140;
	v54 =	vmin.u32 v15, $0x140  }
0xd2: {  	v11 =	vadd.s32 v20, v11;
	v22 =	vxor.u32 $0x80000000, v13;
	v8 =	vshll.u32 v16, $0xE  }
0xd3: {  	v56 =	vshll.u32 v54, $0xE;
	v48 =	vxor.u32 $0x80000000, v11;
	v8 =	vadd.s32 v46, v8;
	(xrf1) =	vsort.ascd.msk.u32 $0xffff, v22, v13  }
0xd4: {  	v58 =	vshll.u32 v57, $0xE;
	v9 =	vadd.s32 v49, v56;
	v53 =	vxor.u32 $0x80000000, v8;
	(xrf1) =	vsort.ascd.msk.u32 $0xffff, v48, v11  }
0xd5: {  	v59 =	vadd.s32 v50, v58;
	(xrf1) =	vsort.ascd.msk.u32 $0xffff, v53, v8;
	v8 =	vxor.u32 $0x80000000, v9  }
0xd6: {  	(xrf1) =	vsort.ascd.msk.u32 $0xffff, v8, v9;
	v8 =	vxor.u32 $0x80000000, v59  }
0xd7: {  	(xrf1) =	vsort.ascd.msk.u32 $0xffff, v8, v59  }
0xd8: {  	s10 =	spop (v2sf)  }
0xd9: {  	s2 =	spop (v2sf);
	s0 =	sadd.s32 s7, s10  }
0xda: {  	_, v8, _ =	vpop (xrf1);
	s3 =	spop (v2sf);
	s2 =	sadd.s32 s0, s2  }
0xdb: {  	_, v60, _ =	vpop (xrf1);
	[tilespmem:s7+$0x3200] =	vst v8;
	s5 =	spop (v2sf);
	s3 =	sadd.s32 s2, s3  }
0xdc: {  	_, v8, _ =	vpop (xrf1);
	[tilespmem:s0+$0x3200] =	vst v60;
	s11 =	spop (v2sf);
	s0 =	sadd.s32 s3, s5  }
0xdd: {  	[tilespmem:s2+$0x3200] =	vst v8;
	s12 =	spop (v2sf);
	s2 =	sadd.s32 s0, s11  }
0xde: {  	s9 =	spop (v2sf);
	s10 =	sadd.s32 s2, s12  }
0xdf: {  	s11 =	spop (v2sf);
	s12 =	sadd.s32 s10, s9  }
0xe0: {  	s7 =	sadd.s32 s12, s11  }
0xe1: {  	_, v61, _ =	vpop (xrf1);
	p0 =	slt.s32 s7, $0x80  }
.Ltmp7:
0xe2: {  	_, v8, _ =	vpop (xrf1);
	[tilespmem:s3+$0x3200] =	vst v61;
	(pc) =	sbr.rel @p0 .LBB2_9-.Ltmp7, $4  }
0xe3: {  	_, v62, _ =	vpop (xrf1);
	[tilespmem:s0+$0x3200] =	vst v8  }
0xe4: {  	_, v8, _ =	vpop (xrf1);
	[tilespmem:s2+$0x3200] =	vst v62  }
0xe5: {  	_, v63, _ =	vpop (xrf1);
	[tilespmem:s10+$0x3200] =	vst v8  }
0xe6: {  	[tilespmem:s12+$0x3200] =	vst v63  }
0xe7: {  	v8 =	vld [tilespmem:$0x3200];
	_ =	sdelay $0x1  }
0xe8: {  	v9 =	vld [tilespmem:$0x3210]  }
0xe9: {  	v10 =	vld [tilespmem:$0x3220]  }
0xea: {  	v11 =	vld [tilespmem:$0x3230]  }
0xeb: {  	v12 =	vld [tilespmem:$0x3240];
	v13 =	vshll.u32 v8, $0x1  }
0xec: {  	v15 =	vld [tilespmem:$0x3250];
	v14 =	vand.u32 $0x3FFF, v8;
	v8 =	vand.u32 $0x7, v8;
	v13 =	vand.u32 $0x7FF0, v13  }
0xed: {  	v63 =	vld [tilespmem:$0x3260];
	v9 =	vand.u32 $0x3FFF, v9;
	[tilespmem:$0x3300] =	vst v14;
	v8 =	vor.u32 v8, v13  }
0xee: {  	[tilespmem:$0x3310] =	vst v9;
	v9 =	vand.u32 $0x3FFF, v10;
	v10 =	vld [tilespmem:$0x3270];
	v13 =	vperm.xlane v8, v3  }
0xef: {  	[tilespmem:$0x3320] =	vst v9;
	v9 =	vand.u32 $0x3FFF, v11  }
0xf0: {  	[tilespmem:$0x3330] =	vst v9;
	v9 =	vand.u32 $0x3FFF, v12;
	v8 =	vperm.xlane v8, v5;
	v11 =	vadd.s32 v4, v13  }
0xf1: {  	[tilespmem:$0x3340] =	vst v9;
	v9 =	vand.u32 $0x3FFF, v15  }
0xf2: {  	[tilespmem:$0x3350] =	vst v9;
	v9 =	vand.u32 $0x3FFF, v63;
	v8 =	vadd.s32 v4, v8  }
0xf3: {  	[tilespmem:$0x3360] =	vst v9;
	v9 =	vand.u32 $0x3FFF, v10  }
0xf4: {  	s0 =	simm.s32 $0x0;
	[tilespmem:$0x3370] =	vst v9  }
0xf5: {  	[tilespmem:s13], [sflag:$0x1] =	stream.indirect_vreg.gather [hbm4b:s1+s0], $0x80, v11, vm0, $0xb8;
	[tilespmem:$0x1FD00] =	vst v63  }
0xf6: {  	_ = 	snop  }
0xf7: {  	[tilespmem:s14], [sflag:$0x1] =	stream.indirect_vreg.gather [hbm4b:s1+s0], $0x80, v8, vm0, $0xb8;
	[tilespmem:$0x1FD00] =	vst v63  }
0xf8: {  	v8 =	vld [tilespmem:$0x3310];
	_ =	sdelay $0x4  }
0xf9: {  	v9 =	vshll.u32 v8, $0x1  }
0xfa: {  	v8 =	vand.u32 $0x7, v8;
	v9 =	vand.u32 $0xFFFFFFF0, v9  }
0xfb: {  	v8 =	vor.u32 v8, v9  }
0xfc: {  	v9 =	vperm.xlane v8, v3;
	_ =	sdelay $0x1  }
0xfd: {  	v8 =	vperm.xlane v8, v5;
	v9 =	vadd.s32 v4, v9;
	_ =	sdelay $0x1  }
0xfe: {  	v8 =	vadd.s32 v4, v8;
	_ =	sdelay $0x2  }
0xff: {  	[tilespmem:s15], [sflag:$0x1] =	stream.indirect_vreg.gather [hbm4b:s1+s0], $0x80, v9, vm0, $0xb8;
	[tilespmem:$0x1FD00] =	vst v63  }
0x100: {  	_ = 	snop  }
0x101: {  	[tilespmem:s16], [sflag:$0x1] =	stream.indirect_vreg.gather [hbm4b:s1+s0], $0x80, v8, vm0, $0xb8;
	[tilespmem:$0x1FD00] =	vst v63  }
0x102: {  	v8 =	vld [tilespmem:$0x3320];
	_ =	sdelay $0x4  }
0x103: {  	v9 =	vshll.u32 v8, $0x1  }
0x104: {  	v8 =	vand.u32 $0x7, v8;
	v9 =	vand.u32 $0xFFFFFFF0, v9  }
0x105: {  	v8 =	vor.u32 v8, v9  }
0x106: {  	v9 =	vperm.xlane v8, v3;
	_ =	sdelay $0x1  }
0x107: {  	v8 =	vperm.xlane v8, v5;
	v9 =	vadd.s32 v4, v9;
	_ =	sdelay $0x1  }
0x108: {  	v8 =	vadd.s32 v4, v8;
	_ =	sdelay $0x2  }
0x109: {  	[tilespmem:s17], [sflag:$0x1] =	stream.indirect_vreg.gather [hbm4b:s1+s0], $0x80, v9, vm0, $0xb8;
	[tilespmem:$0x1FD00] =	vst v63  }
0x10a: {  	_ = 	snop  }
0x10b: {  	[tilespmem:s18], [sflag:$0x1] =	stream.indirect_vreg.gather [hbm4b:s1+s0], $0x80, v8, vm0, $0xb8;
	[tilespmem:$0x1FD00] =	vst v63  }
0x10c: {  	v8 =	vld [tilespmem:$0x3330];
	_ =	sdelay $0x4  }
0x10d: {  	v9 =	vshll.u32 v8, $0x1  }
0x10e: {  	v8 =	vand.u32 $0x7, v8;
	v9 =	vand.u32 $0xFFFFFFF0, v9  }
0x10f: {  	v8 =	vor.u32 v8, v9  }
0x110: {  	v9 =	vperm.xlane v8, v3;
	_ =	sdelay $0x1  }
0x111: {  	v8 =	vperm.xlane v8, v5;
	v9 =	vadd.s32 v4, v9;
	_ =	sdelay $0x1  }
0x112: {  	v8 =	vadd.s32 v4, v8;
	_ =	sdelay $0x2  }
0x113: {  	[tilespmem:s19], [sflag:$0x1] =	stream.indirect_vreg.gather [hbm4b:s1+s0], $0x80, v9, vm0, $0xb8;
	[tilespmem:$0x1FD00] =	vst v63  }
0x114: {  	_ = 	snop  }
0x115: {  	[tilespmem:s20], [sflag:$0x1] =	stream.indirect_vreg.gather [hbm4b:s1+s0], $0x80, v8, vm0, $0xb8;
	[tilespmem:$0x1FD00] =	vst v63  }
0x116: {  	v8 =	vld [tilespmem:$0x3340];
	_ =	sdelay $0x4  }
0x117: {  	v9 =	vshll.u32 v8, $0x1  }
0x118: {  	v8 =	vand.u32 $0x7, v8;
	v9 =	vand.u32 $0xFFFFFFF0, v9  }
0x119: {  	v8 =	vor.u32 v8, v9  }
0x11a: {  	v9 =	vperm.xlane v8, v3;
	_ =	sdelay $0x1  }
0x11b: {  	v8 =	vperm.xlane v8, v5;
	v9 =	vadd.s32 v4, v9;
	_ =	sdelay $0x1  }
0x11c: {  	v8 =	vadd.s32 v4, v8;
	_ =	sdelay $0x2  }
0x11d: {  	[tilespmem:s21], [sflag:$0x1] =	stream.indirect_vreg.gather [hbm4b:s1+s0], $0x80, v9, vm0, $0xb8;
	[tilespmem:$0x1FD00] =	vst v63  }
0x11e: {  	_ = 	snop  }
0x11f: {  	[tilespmem:s22], [sflag:$0x1] =	stream.indirect_vreg.gather [hbm4b:s1+s0], $0x80, v8, vm0, $0xb8;
	[tilespmem:$0x1FD00] =	vst v63  }
0x120: {  	v8 =	vld [tilespmem:$0x3350];
	_ =	sdelay $0x4  }
0x121: {  	v9 =	vshll.u32 v8, $0x1  }
0x122: {  	v8 =	vand.u32 $0x7, v8;
	v9 =	vand.u32 $0xFFFFFFF0, v9  }
0x123: {  	v8 =	vor.u32 v8, v9  }
0x124: {  	v9 =	vperm.xlane v8, v3;
	_ =	sdelay $0x1  }
0x125: {  	v8 =	vperm.xlane v8, v5;
	v9 =	vadd.s32 v4, v9;
	_ =	sdelay $0x1  }
0x126: {  	v8 =	vadd.s32 v4, v8;
	_ =	sdelay $0x2  }
0x127: {  	[tilespmem:s23], [sflag:$0x1] =	stream.indirect_vreg.gather [hbm4b:s1+s0], $0x80, v9, vm0, $0xb8;
	[tilespmem:$0x1FD00] =	vst v63  }
0x128: {  	_ = 	snop  }
0x129: {  	[tilespmem:s24], [sflag:$0x1] =	stream.indirect_vreg.gather [hbm4b:s1+s0], $0x80, v8, vm0, $0xb8;
	[tilespmem:$0x1FD00] =	vst v63  }
0x12a: {  	v8 =	vld [tilespmem:$0x3360];
	_ =	sdelay $0x4  }
0x12b: {  	v9 =	vshll.u32 v8, $0x1  }
0x12c: {  	v8 =	vand.u32 $0x7, v8;
	v9 =	vand.u32 $0xFFFFFFF0, v9  }
0x12d: {  	v8 =	vor.u32 v8, v9  }
0x12e: {  	v9 =	vperm.xlane v8, v3;
	_ =	sdelay $0x1  }
0x12f: {  	v8 =	vperm.xlane v8, v5;
	v9 =	vadd.s32 v4, v9;
	_ =	sdelay $0x1  }
0x130: {  	v8 =	vadd.s32 v4, v8;
	_ =	sdelay $0x2  }
0x131: {  	[tilespmem:s25], [sflag:$0x1] =	stream.indirect_vreg.gather [hbm4b:s1+s0], $0x80, v9, vm0, $0xb8;
	[tilespmem:$0x1FD00] =	vst v63  }
0x132: {  	_ = 	snop  }
0x133: {  	[tilespmem:s26], [sflag:$0x1] =	stream.indirect_vreg.gather [hbm4b:s1+s0], $0x80, v8, vm0, $0xb8;
	[tilespmem:$0x1FD00] =	vst v63  }
0x134: {  	v8 =	vld [tilespmem:$0x3370];
	_ =	sdelay $0x4  }
0x135: {  	v9 =	vshll.u32 v8, $0x1  }
0x136: {  	v8 =	vand.u32 $0x7, v8;
	v9 =	vand.u32 $0xFFFFFFF0, v9  }
0x137: {  	v8 =	vor.u32 v8, v9  }
0x138: {  	v9 =	vperm.xlane v8, v3;
	_ =	sdelay $0x1  }
0x139: {  	v8 =	vperm.xlane v8, v5;
	v9 =	vadd.s32 v4, v9;
	_ =	sdelay $0x1  }
0x13a: {  	v8 =	vadd.s32 v4, v8;
	_ =	sdelay $0x2  }
0x13b: {  	[tilespmem:s28], [sflag:$0x1] =	stream.indirect_vreg.gather [hbm4b:s1+s0], $0x80, v9, vm0, $0xb8;
	[tilespmem:$0x1FD00] =	vst v63  }
0x13c: {  	_ = 	snop  }
0x13d: {  	[tilespmem:s29], [sflag:$0x1] =	stream.indirect_vreg.gather [hbm4b:s1+s0], $0x80, v8, vm0, $0xb8;
	[tilespmem:$0x1FD00] =	vst v63  }
0x13e: {  	_ =	swait.ge [sflag:s30], $0x8000  }
0x13f: {  	[sflag:s30] =	ssyncset.done $0x0  }
0x140: {  	s2 =	simm.s32 $0x3200;
	[sflag:s30] =	ssyncadd.s32 $0xFFFF8000  }
0x141: {  	v8 =	vld [tilespmem:s2+$0x0];
	_ =	sdelay $0x4  }
0x142: {  	(v2sf) =	vpush v8, $0x0;
	_ =	sdelay $0xc  }
0x143: {  	s11 =	sand.u32 $0x7800, s0;
	s3 =	sand.u32 $0x380, s0  }
0x144: {  	s2 =	sor.u32 s3, s11  }
0x145: {  	v8 =	vld [tilespmem:s2+$0x3380];
	s12 =	spop (v2sf)  }
0x146: {  	s3 =	sshra.s32 s12, $0xE  }
0x147: {  	s5 =	sshll.u32 s3, $0x8;
	s9 =	sshll.u32 s3, $0x7  }
0x148: {  	s5 =	sand.u32 $0xFFFFF800, s5;
	s9 =	sand.u32 $0x380, s9  }
0x149: {  	s5 =	sor.u32 s9, s5  }
0x14a: {  	[tilespmem:s5+$0xB380] =	vst.add.f32.msk $0xffff, v8  }
0x14b: {  	v8 =	vld [tilespmem:s2+$0x3390];
	_ =	sdelay $0x4  }
0x14c: {  	[tilespmem:s5+$0xB390] =	vst.add.f32.msk $0xffff, v8  }
0x14d: {  	v8 =	vld [tilespmem:s2+$0x33A0];
	_ =	sdelay $0x4  }
0x14e: {  	[tilespmem:s5+$0xB3A0] =	vst.add.f32.msk $0xffff, v8  }
0x14f: {  	v8 =	vld [tilespmem:s2+$0x33B0];
	_ =	sdelay $0x4  }
0x150: {  	[tilespmem:s5+$0xB3B0] =	vst.add.f32.msk $0xffff, v8  }
0x151: {  	v8 =	vld [tilespmem:s2+$0x33C0];
	_ =	sdelay $0x4  }
0x152: {  	[tilespmem:s5+$0xB3C0] =	vst.add.f32.msk $0xffff, v8  }
0x153: {  	v8 =	vld [tilespmem:s2+$0x33D0];
	_ =	sdelay $0x4  }
0x154: {  	[tilespmem:s5+$0xB3D0] =	vst.add.f32.msk $0xffff, v8  }
0x155: {  	v8 =	vld [tilespmem:s2+$0x33E0];
	_ =	sdelay $0x4  }
0x156: {  	[tilespmem:s5+$0xB3E0] =	vst.add.f32.msk $0xffff, v8  }
0x157: {  	v8 =	vld [tilespmem:s2+$0x33F0];
	_ =	sdelay $0x4  }
0x158: {  	[tilespmem:s5+$0xB3F0] =	vst.add.f32.msk $0xffff, v8  }
0x159: {  	v8 =	vld [tilespmem:s2+$0x3780];
	_ =	sdelay $0x4  }
0x15a: {  	[tilespmem:s5+$0xB780] =	vst.add.f32.msk $0xffff, v8  }
0x15b: {  	v8 =	vld [tilespmem:s2+$0x3790];
	_ =	sdelay $0x4  }
0x15c: {  	[tilespmem:s5+$0xB790] =	vst.add.f32.msk $0xffff, v8  }
0x15d: {  	v8 =	vld [tilespmem:s2+$0x37A0];
	_ =	sdelay $0x4  }
0x15e: {  	[tilespmem:s5+$0xB7A0] =	vst.add.f32.msk $0xffff, v8  }
0x15f: {  	v8 =	vld [tilespmem:s2+$0x37B0];
	_ =	sdelay $0x4  }
0x160: {  	[tilespmem:s5+$0xB7B0] =	vst.add.f32.msk $0xffff, v8  }
0x161: {  	v8 =	vld [tilespmem:s2+$0x37C0];
	_ =	sdelay $0x4  }
0x162: {  	[tilespmem:s5+$0xB7C0] =	vst.add.f32.msk $0xffff, v8  }
0x163: {  	v8 =	vld [tilespmem:s2+$0x37D0];
	_ =	sdelay $0x4  }
0x164: {  	[tilespmem:s5+$0xB7D0] =	vst.add.f32.msk $0xffff, v8  }
0x165: {  	v8 =	vld [tilespmem:s2+$0x37E0];
	_ =	sdelay $0x4  }
0x166: {  	[tilespmem:s5+$0xB7E0] =	vst.add.f32.msk $0xffff, v8  }
0x167: {  	v8 =	vld [tilespmem:s2+$0x37F0];
	_ =	sdelay $0x4  }
0x168: {  	[tilespmem:s5+$0xB7F0] =	vst.add.f32.msk $0xffff, v8  }
0x169: {  	s11 =	simm.s32 $0x3201;
	[tilespmem:s3+$0x1FB80] =	vst.add.s32.msk $0xffff, v6  }
0x16a: {  	v8 =	vld [tilespmem:s11+$0x0]  }
0x16b: {  	s12 =	simm.s32 $0x200;
	s2 =	simm.s32 $0x100  }
.LBB2_7:
0x16c: {  	p0 =	sne.s32 s12, $0x7F00;
	_ =	sdelay $0x2  }
0x16d: {  	(v2sf) =	vpush v8, $0x0;
	_ =	sdelay $0xb  }
0x16e: {  	s0 =	sadd.s32 $0x80, s0  }
0x16f: {  	s3 =	sand.u32 $0x7800, s2;
	s2 =	smov.u32 s12;
	s5 =	sand.u32 $0x380, s0  }
0x170: {  	s9 =	sor.u32 s5, s3  }
0x171: {  	v8 =	vld [tilespmem:s9+$0x3380];
	s3 =	spop (v2sf)  }
0x172: {  	s3 =	sshra.s32 s3, $0xE  }
0x173: {  	s5 =	sshll.u32 s3, $0x8;
	s10 =	sshll.u32 s3, $0x7  }
0x174: {  	s5 =	sand.u32 $0xFFFFF800, s5;
	s10 =	sand.u32 $0x380, s10  }
0x175: {  	s5 =	sor.u32 s10, s5  }
0x176: {  	[tilespmem:s5+$0xB380] =	vst.add.f32.msk $0xffff, v8  }
0x177: {  	v8 =	vld [tilespmem:s9+$0x3390];
	_ =	sdelay $0x4  }
0x178: {  	[tilespmem:s5+$0xB390] =	vst.add.f32.msk $0xffff, v8  }
0x179: {  	v8 =	vld [tilespmem:s9+$0x33A0];
	_ =	sdelay $0x4  }
0x17a: {  	[tilespmem:s5+$0xB3A0] =	vst.add.f32.msk $0xffff, v8  }
0x17b: {  	v8 =	vld [tilespmem:s9+$0x33B0];
	_ =	sdelay $0x4  }
0x17c: {  	[tilespmem:s5+$0xB3B0] =	vst.add.f32.msk $0xffff, v8  }
0x17d: {  	v8 =	vld [tilespmem:s9+$0x33C0];
	_ =	sdelay $0x4  }
0x17e: {  	[tilespmem:s5+$0xB3C0] =	vst.add.f32.msk $0xffff, v8  }
0x17f: {  	v8 =	vld [tilespmem:s9+$0x33D0];
	_ =	sdelay $0x4  }
0x180: {  	[tilespmem:s5+$0xB3D0] =	vst.add.f32.msk $0xffff, v8  }
0x181: {  	v8 =	vld [tilespmem:s9+$0x33E0];
	_ =	sdelay $0x4  }
0x182: {  	[tilespmem:s5+$0xB3E0] =	vst.add.f32.msk $0xffff, v8  }
0x183: {  	v8 =	vld [tilespmem:s9+$0x33F0];
	_ =	sdelay $0x4  }
0x184: {  	[tilespmem:s5+$0xB3F0] =	vst.add.f32.msk $0xffff, v8  }
0x185: {  	v8 =	vld [tilespmem:s9+$0x3780];
	_ =	sdelay $0x4  }
0x186: {  	[tilespmem:s5+$0xB780] =	vst.add.f32.msk $0xffff, v8  }
0x187: {  	v8 =	vld [tilespmem:s9+$0x3790];
	_ =	sdelay $0x4  }
0x188: {  	[tilespmem:s5+$0xB790] =	vst.add.f32.msk $0xffff, v8  }
0x189: {  	v8 =	vld [tilespmem:s9+$0x37A0];
	_ =	sdelay $0x4  }
0x18a: {  	[tilespmem:s5+$0xB7A0] =	vst.add.f32.msk $0xffff, v8  }
0x18b: {  	v8 =	vld [tilespmem:s9+$0x37B0];
	_ =	sdelay $0x4  }
0x18c: {  	[tilespmem:s5+$0xB7B0] =	vst.add.f32.msk $0xffff, v8  }
0x18d: {  	v8 =	vld [tilespmem:s9+$0x37C0];
	_ =	sdelay $0x4  }
0x18e: {  	[tilespmem:s5+$0xB7C0] =	vst.add.f32.msk $0xffff, v8  }
0x18f: {  	v8 =	vld [tilespmem:s9+$0x37D0];
	_ =	sdelay $0x4  }
0x190: {  	[tilespmem:s5+$0xB7D0] =	vst.add.f32.msk $0xffff, v8  }
0x191: {  	v8 =	vld [tilespmem:s9+$0x37E0];
	_ =	sdelay $0x4  }
0x192: {  	[tilespmem:s5+$0xB7E0] =	vst.add.f32.msk $0xffff, v8  }
0x193: {  	v8 =	vld [tilespmem:s9+$0x37F0];
	_ =	sdelay $0x3  }
.Ltmp8:
0x194: {  	(pc) =	sbr.rel @p0 .LBB2_7-.Ltmp8, $4  }
0x195: {  	[tilespmem:s5+$0xB7F0] =	vst.add.f32.msk $0xffff, v8  }
0x196: {  	s11 =	sadd.s32 $0x1, s11;
	[tilespmem:s3+$0x1FB80] =	vst.add.s32.msk $0xffff, v6  }
0x197: {  	v8 =	vld [tilespmem:s11+$0x0]  }
0x198: {  	s12 =	sadd.s32 $0x100, s12  }
.Ltmp9:
0x199: {  	_ = 	snop;
	(pc) =	sbr.rel .LBB2_8-.Ltmp9, $1  }
0x19a: {  	_ =	sdelay $0x3  }
.LBB2_10:
0x19b: {  	_ =	swait.ge [sflag:s31], $0xC80  }
0x19c: {  	[sflag:s31] =	ssyncset.done $0x0  }
0x19d: {  	p0 =	seq.s32 s6, $0x18;
	[sflag:s31] =	ssyncadd.s32 $0xFFFFF380  }
0x19e: {  	s0 =	sshrl.u32 @!p0 s8, $0x3;
	s3 =	simm.s32 @!p0 $0x0;
	_ =	swait.ge [sflag:s31], $0xC80  }
0x19f: {  	s0 =	sadd.s32 @!p0 $0x320, s0;
	[sflag:s31] =	ssyncset.done $0x0;
	s2 =	rddreg [dreg:$0x4]  }
.Ltmp10:
0x1a0: {  	[sflag:s31] =	ssyncadd.s32 $0xFFFFF380;
	s2 =	sadd.s32 @!p0 s2, s0;
	(pc) =	sbr.rel .LBB2_11-.Ltmp10, $4  }
0x1a1: {  	[tilespmem:s3], [sflag:$0x2] =	stream.linear.gather @!p0 [hbm4b:s2+s3], $0xC80, $0x38;
	[tilespmem:$0x1FD00] =	vst v63  }
0x1a2: {  	s2 =	rddreg [dreg:$0x2]  }
0x1a3: {  	s4 =	simm.s32 $0x0;
	s0 =	sadd.s32 @!p0 s2, s0;
	s2 =	simm.s32 @!p0 $0xC80  }
0x1a4: {  	[tilespmem:s2], [sflag:$0x2] =	stream.linear.gather @!p0 [hbm4b:s0+s3], $0xC80, $0x38;
	[tilespmem:$0x1FD00] =	vst v63  }
.LBB2_14:
0x1a5: {  	(v2sf) =	vpush v8, $0x0;
	_ =	sdelay $0xb  }
0x1a6: {  	s0 =	sadd.s32 $0x80, s0  }
0x1a7: {  	s2 =	sand.u32 $0x7800, s2;
	s0 =	sand.u32 $0x380, s0  }
0x1a8: {  	s0 =	sor.u32 s0, s2  }
0x1a9: {  	v8 =	vld [tilespmem:s0+$0x3380];
	s12 =	spop (v2sf)  }
0x1aa: {  	s2 =	sshra.s32 s12, $0xE  }
0x1ab: {  	s3 =	sshll.u32 s2, $0x8;
	s5 =	sshll.u32 s2, $0x7  }
0x1ac: {  	s3 =	sand.u32 $0xFFFFF800, s3;
	s5 =	sand.u32 $0x380, s5  }
0x1ad: {  	s3 =	sor.u32 s5, s3  }
0x1ae: {  	[tilespmem:s3+$0xB380] =	vst.add.f32.msk $0xffff, v8  }
0x1af: {  	v8 =	vld [tilespmem:s0+$0x3390];
	_ =	sdelay $0x4  }
0x1b0: {  	[tilespmem:s3+$0xB390] =	vst.add.f32.msk $0xffff, v8  }
0x1b1: {  	v8 =	vld [tilespmem:s0+$0x33A0];
	_ =	sdelay $0x4  }
0x1b2: {  	[tilespmem:s3+$0xB3A0] =	vst.add.f32.msk $0xffff, v8  }
0x1b3: {  	v8 =	vld [tilespmem:s0+$0x33B0];
	_ =	sdelay $0x4  }
0x1b4: {  	[tilespmem:s3+$0xB3B0] =	vst.add.f32.msk $0xffff, v8  }
0x1b5: {  	v8 =	vld [tilespmem:s0+$0x33C0];
	_ =	sdelay $0x4  }
0x1b6: {  	[tilespmem:s3+$0xB3C0] =	vst.add.f32.msk $0xffff, v8  }
0x1b7: {  	v8 =	vld [tilespmem:s0+$0x33D0];
	_ =	sdelay $0x4  }
0x1b8: {  	[tilespmem:s3+$0xB3D0] =	vst.add.f32.msk $0xffff, v8  }
0x1b9: {  	v8 =	vld [tilespmem:s0+$0x33E0];
	_ =	sdelay $0x4  }
0x1ba: {  	[tilespmem:s3+$0xB3E0] =	vst.add.f32.msk $0xffff, v8  }
0x1bb: {  	v8 =	vld [tilespmem:s0+$0x33F0];
	_ =	sdelay $0x4  }
0x1bc: {  	[tilespmem:s3+$0xB3F0] =	vst.add.f32.msk $0xffff, v8  }
0x1bd: {  	v8 =	vld [tilespmem:s0+$0x3780];
	_ =	sdelay $0x4  }
0x1be: {  	[tilespmem:s3+$0xB780] =	vst.add.f32.msk $0xffff, v8  }
0x1bf: {  	v8 =	vld [tilespmem:s0+$0x3790];
	_ =	sdelay $0x4  }
0x1c0: {  	[tilespmem:s3+$0xB790] =	vst.add.f32.msk $0xffff, v8  }
0x1c1: {  	v8 =	vld [tilespmem:s0+$0x37A0];
	_ =	sdelay $0x4  }
0x1c2: {  	[tilespmem:s3+$0xB7A0] =	vst.add.f32.msk $0xffff, v8  }
0x1c3: {  	v8 =	vld [tilespmem:s0+$0x37B0];
	_ =	sdelay $0x4  }
0x1c4: {  	[tilespmem:s3+$0xB7B0] =	vst.add.f32.msk $0xffff, v8  }
0x1c5: {  	v8 =	vld [tilespmem:s0+$0x37C0];
	_ =	sdelay $0x4  }
0x1c6: {  	[tilespmem:s3+$0xB7C0] =	vst.add.f32.msk $0xffff, v8  }
0x1c7: {  	v8 =	vld [tilespmem:s0+$0x37D0];
	_ =	sdelay $0x4  }
0x1c8: {  	[tilespmem:s3+$0xB7D0] =	vst.add.f32.msk $0xffff, v8  }
0x1c9: {  	v8 =	vld [tilespmem:s0+$0x37E0];
	_ =	sdelay $0x4  }
0x1ca: {  	[tilespmem:s3+$0xB7E0] =	vst.add.f32.msk $0xffff, v8  }
0x1cb: {  	v8 =	vld [tilespmem:s0+$0x37F0];
	_ =	sdelay $0x4  }
0x1cc: {  	[tilespmem:s3+$0xB7F0] =	vst.add.f32.msk $0xffff, v8  }
0x1cd: {  	[tilespmem:s2+$0x1FB80] =	vst.add.s32.msk $0xffff, v6  }
0x1ce: {  	v8 =	vld [tilespmem:$0x3280]  }
0x1cf: {  	v9 =	vld [tilespmem:$0x3290]  }
0x1d0: {  	v10 =	vld [tilespmem:$0x32A0]  }
0x1d1: {  	v11 =	vld [tilespmem:$0x32B0]  }
0x1d2: {  	v12 =	vld [tilespmem:$0x32C0]  }
0x1d3: {  	v62 =	vld [tilespmem:$0x32E0];
	[tilespmem:$0x3200] =	vst v8  }
0x1d4: {  	v63 =	vld [tilespmem:$0x32F0];
	[tilespmem:$0x3210] =	vst v9  }
0x1d5: {  	v8 =	vld [tilespmem:$0x32D0];
	[tilespmem:$0x3220] =	vst v10  }
0x1d6: {  	[tilespmem:$0x3230] =	vst v11  }
0x1d7: {  	[tilespmem:$0x3240] =	vst v12  }
0x1d8: {  	[tilespmem:$0x3260] =	vst v62  }
0x1d9: {  	[tilespmem:$0x3270] =	vst v63  }
0x1da: {  	[tilespmem:$0x3250] =	vst v8  }
.LBB2_15:
0x1db: {  	s4 =	sadd.s32 $0x1, s4  }
0x1dc: {  	p1 =	sne.s32 s4, $0x19  }
.Ltmp11:
0x1dd: {  	_ = 	snop;
	(pc) =	sbr.rel @!p1 .LBB2_16-.Ltmp11, $3  }
0x1de: {  	_ =	sdelay $0x1  }
0x1df: {  	p0 =	sgt.s32 s7, $0x7F;
	s0 =	sadd.s32 $0xFFFFFF80, s7  }
0x1e0: {  	s7 =	smov.u32 @p0 s0  }
.LBB2_11:
0x1e1: {  	s0 =	sshll.u32 s4, $0x7  }
0x1e2: {  	v8 =	vld [tilespmem:s0+$0x2580]  }
0x1e3: {  	v9 =	vld [tilespmem:s0+$0x2590]  }
0x1e4: {  	v12 =	vld [tilespmem:s0+$0x25A0]  }
0x1e5: {  	v13 =	vld [tilespmem:s0+$0x25B0]  }
0x1e6: {  	v17 =	vld [tilespmem:s0+$0x25D0]  }
0x1e7: {  	v44 =	vld [tilespmem:s0+$0x25F0];
	_ =	sdelay $0x2  }
0x1e8: {  	v10 =	vld [tilespmem:s0+$0x1900];
	v8 =	vsub.s32 v8, v0  }
0x1e9: {  	v9 =	vsub.s32 v9, v0;
	v39 =	vsub.s32 v12, v0;
	v13 =	vsub.s32 v13, v0  }
0x1ea: {  	v11 =	vld [tilespmem:s0+$0x1910];
	v43 =	vsub.s32 v17, v0;
	v51 =	vsub.s32 v44, v0;
	vm1 =	vlt.u32 v8, $0x140  }
0x1eb: {  	v40 =	vld [tilespmem:s0+$0x25C0];
	v8 =	vmin.u32 v8, $0x140;
	v57 =	vmin.u32 v51, $0x140;
	v14 =	vmpcnt.ones.xlane vm1  }
0x1ec: {  	v15 =	vld [tilespmem:s0+$0x1920];
	v8 =	vshll.u32 v8, $0xE;
	vm1 =	vlt.u32 v9, $0x140;
	v9 =	vmin.u32 v9, $0x140  }
0x1ed: {  	v42 =	vld [tilespmem:s0+$0x25E0];
	v8 =	vadd.s32 v10, v8;
	v37 =	vmpcnt.ones.xlane vm1;
	v9 =	vshll.u32 v9, $0xE  }
0x1ee: {  	vm1 =	vlt.u32 v39, $0x140;
	v10 =	vmin.u32 v39, $0x140;
	(v2sf) =	vpush v14, $0x0  }
0x1ef: {  	v38 =	vxor.u32 $0x80000000, v8;
	v9 =	vadd.s32 v11, v9;
	v18 =	vmpcnt.ones.xlane vm1  }
0x1f0: {  	vm1 =	vlt.u32 v13, $0x140;
	v10 =	vshll.u32 v10, $0xE;
	v11 =	vsub.s32 v40, v0  }
0x1f1: {  	(v2sf) =	vpush v37, $0x0;
	v41 =	vxor.u32 $0x80000000, v9;
	v19 =	vmpcnt.ones.xlane vm1  }
0x1f2: {  	v10 =	vadd.s32 v15, v10;
	vm1 =	vlt.u32 v11, $0x140;
	v15 =	vsub.s32 v42, v0  }
0x1f3: {  	v16 =	vld [tilespmem:s0+$0x1930];
	(v2sf) =	vpush v18, $0x0;
	v45 =	vmpcnt.ones.xlane vm1;
	vm1 =	vlt.u32 v43, $0x140  }
0x1f4: {  	(xrf1) =	vsort.ascd.msk.u32 $0xffff, v38, v8;
	(v2sf) =	vpush v19, $0x0;
	v47 =	vmpcnt.ones.xlane vm1;
	vm1 =	vlt.u32 v15, $0x140  }
0x1f5: {  	v20 =	vld [tilespmem:s0+$0x1940];
	(xrf1) =	vsort.ascd.msk.u32 $0xffff, v41, v9;
	(v2sf) =	vpush v45, $0x0;
	v52 =	vmpcnt.ones.xlane vm1;
	vm1 =	vlt.u32 v51, $0x140  }
0x1f6: {  	v46 =	vld [tilespmem:s0+$0x1950];
	v13 =	vmin.u32 v13, $0x140;
	(v2sf) =	vpush v47, $0x0;
	v55 =	vmpcnt.ones.xlane vm1  }
0x1f7: {  	v49 =	vld [tilespmem:s0+$0x1960];
	v13 =	vshll.u32 v13, $0xE;
	v11 =	vmin.u32 v11, $0x140;
	(v2sf) =	vpush v52, $0x0  }
0x1f8: {  	v50 =	vld [tilespmem:s0+$0x1970];
	v13 =	vadd.s32 v16, v13;
	v11 =	vshll.u32 v11, $0xE;
	(v2sf) =	vpush v55, $0x0  }
0x1f9: {  	v21 =	vxor.u32 $0x80000000, v10;
	v16 =	vmin.u32 v43, $0x140;
	v54 =	vmin.u32 v15, $0x140  }
0x1fa: {  	v11 =	vadd.s32 v20, v11;
	v22 =	vxor.u32 $0x80000000, v13;
	v8 =	vshll.u32 v16, $0xE;
	(xrf1) =	vsort.ascd.msk.u32 $0xffff, v21, v10  }
0x1fb: {  	v56 =	vshll.u32 v54, $0xE;
	v48 =	vxor.u32 $0x80000000, v11;
	v8 =	vadd.s32 v46, v8;
	(xrf1) =	vsort.ascd.msk.u32 $0xffff, v22, v13  }
0x1fc: {  	v58 =	vshll.u32 v57, $0xE;
	v9 =	vadd.s32 v49, v56;
	v53 =	vxor.u32 $0x80000000, v8;
	(xrf1) =	vsort.ascd.msk.u32 $0xffff, v48, v11  }
0x1fd: {  	v59 =	vadd.s32 v50, v58;
	(xrf1) =	vsort.ascd.msk.u32 $0xffff, v53, v8;
	v8 =	vxor.u32 $0x80000000, v9  }
0x1fe: {  	(xrf1) =	vsort.ascd.msk.u32 $0xffff, v8, v9;
	v8 =	vxor.u32 $0x80000000, v59  }
0x1ff: {  	(xrf1) =	vsort.ascd.msk.u32 $0xffff, v8, v59  }
0x200: {  	s10 =	spop (v2sf)  }
0x201: {  	s2 =	spop (v2sf);
	s0 =	sadd.s32 s7, s10  }
0x202: {  	_, v8, _ =	vpop (xrf1);
	s3 =	spop (v2sf);
	s2 =	sadd.s32 s0, s2  }
0x203: {  	_, v60, _ =	vpop (xrf1);
	[tilespmem:s7+$0x3200] =	vst v8;
	s5 =	spop (v2sf);
	s3 =	sadd.s32 s2, s3  }
0x204: {  	[tilespmem:s0+$0x3200] =	vst v60;
	s11 =	spop (v2sf);
	s0 =	sadd.s32 s3, s5  }
0x205: {  	s12 =	spop (v2sf);
	s8 =	sadd.s32 s0, s11  }
0x206: {  	s9 =	spop (v2sf);
	s10 =	sadd.s32 s8, s12  }
0x207: {  	s11 =	spop (v2sf);
	s12 =	sadd.s32 s10, s9  }
0x208: {  	_, v8, _ =	vpop (xrf1);
	s7 =	sadd.s32 s12, s11  }
0x209: {  	_, v61, _ =	vpop (xrf1);
	[tilespmem:s2+$0x3200] =	vst v8;
	p0 =	slt.s32 s7, $0x80  }
.Ltmp12:
0x20a: {  	_, v8, _ =	vpop (xrf1);
	[tilespmem:s3+$0x3200] =	vst v61;
	(pc) =	sbr.rel @p0 .LBB2_15-.Ltmp12, $4  }
0x20b: {  	_, v62, _ =	vpop (xrf1);
	[tilespmem:s0+$0x3200] =	vst v8  }
0x20c: {  	_, v8, _ =	vpop (xrf1);
	[tilespmem:s8+$0x3200] =	vst v62  }
0x20d: {  	_, v63, _ =	vpop (xrf1);
	[tilespmem:s10+$0x3200] =	vst v8  }
0x20e: {  	[tilespmem:s12+$0x3200] =	vst v63  }
0x20f: {  	v8 =	vld [tilespmem:$0x3200];
	_ =	sdelay $0x1  }
0x210: {  	v9 =	vld [tilespmem:$0x3210]  }
0x211: {  	v10 =	vld [tilespmem:$0x3220]  }
0x212: {  	v11 =	vld [tilespmem:$0x3230]  }
0x213: {  	v12 =	vld [tilespmem:$0x3240];
	v13 =	vshll.u32 v8, $0x1  }
0x214: {  	v15 =	vld [tilespmem:$0x3250];
	v14 =	vand.u32 $0x3FFF, v8;
	v8 =	vand.u32 $0x7, v8;
	v13 =	vand.u32 $0x7FF0, v13  }
0x215: {  	v63 =	vld [tilespmem:$0x3260];
	v9 =	vand.u32 $0x3FFF, v9;
	[tilespmem:$0x3300] =	vst v14;
	v8 =	vor.u32 v8, v13  }
0x216: {  	[tilespmem:$0x3310] =	vst v9;
	v9 =	vand.u32 $0x3FFF, v10;
	v10 =	vld [tilespmem:$0x3270];
	v13 =	vperm.xlane v8, v3  }
0x217: {  	[tilespmem:$0x3320] =	vst v9;
	v9 =	vand.u32 $0x3FFF, v11  }
0x218: {  	[tilespmem:$0x3330] =	vst v9;
	v9 =	vand.u32 $0x3FFF, v12;
	v8 =	vperm.xlane v8, v5;
	v11 =	vadd.s32 v4, v13  }
0x219: {  	[tilespmem:$0x3340] =	vst v9;
	v9 =	vand.u32 $0x3FFF, v15  }
0x21a: {  	[tilespmem:$0x3350] =	vst v9;
	v9 =	vand.u32 $0x3FFF, v63;
	v8 =	vadd.s32 v4, v8  }
0x21b: {  	[tilespmem:$0x3360] =	vst v9;
	v9 =	vand.u32 $0x3FFF, v10  }
0x21c: {  	s0 =	simm.s32 $0x0;
	[tilespmem:$0x3370] =	vst v9  }
0x21d: {  	[tilespmem:s13], [sflag:$0x1] =	stream.indirect_vreg.gather [hbm4b:s1+s0], $0x80, v11, vm0, $0xb8;
	[tilespmem:$0x1FD00] =	vst v63  }
0x21e: {  	_ = 	snop  }
0x21f: {  	[tilespmem:s14], [sflag:$0x1] =	stream.indirect_vreg.gather [hbm4b:s1+s0], $0x80, v8, vm0, $0xb8;
	[tilespmem:$0x1FD00] =	vst v63  }
0x220: {  	v8 =	vld [tilespmem:$0x3310];
	_ =	sdelay $0x4  }
0x221: {  	v9 =	vshll.u32 v8, $0x1  }
0x222: {  	v8 =	vand.u32 $0x7, v8;
	v9 =	vand.u32 $0xFFFFFFF0, v9  }
0x223: {  	v8 =	vor.u32 v8, v9  }
0x224: {  	v9 =	vperm.xlane v8, v3;
	_ =	sdelay $0x1  }
0x225: {  	v8 =	vperm.xlane v8, v5;
	v9 =	vadd.s32 v4, v9;
	_ =	sdelay $0x1  }
0x226: {  	v8 =	vadd.s32 v4, v8;
	_ =	sdelay $0x2  }
0x227: {  	[tilespmem:s15], [sflag:$0x1] =	stream.indirect_vreg.gather [hbm4b:s1+s0], $0x80, v9, vm0, $0xb8;
	[tilespmem:$0x1FD00] =	vst v63  }
0x228: {  	_ = 	snop  }
0x229: {  	[tilespmem:s16], [sflag:$0x1] =	stream.indirect_vreg.gather [hbm4b:s1+s0], $0x80, v8, vm0, $0xb8;
	[tilespmem:$0x1FD00] =	vst v63  }
0x22a: {  	v8 =	vld [tilespmem:$0x3320];
	_ =	sdelay $0x4  }
0x22b: {  	v9 =	vshll.u32 v8, $0x1  }
0x22c: {  	v8 =	vand.u32 $0x7, v8;
	v9 =	vand.u32 $0xFFFFFFF0, v9  }
0x22d: {  	v8 =	vor.u32 v8, v9  }
0x22e: {  	v9 =	vperm.xlane v8, v3;
	_ =	sdelay $0x1  }
0x22f: {  	v8 =	vperm.xlane v8, v5;
	v9 =	vadd.s32 v4, v9;
	_ =	sdelay $0x1  }
0x230: {  	v8 =	vadd.s32 v4, v8;
	_ =	sdelay $0x2  }
0x231: {  	[tilespmem:s17], [sflag:$0x1] =	stream.indirect_vreg.gather [hbm4b:s1+s0], $0x80, v9, vm0, $0xb8;
	[tilespmem:$0x1FD00] =	vst v63  }
0x232: {  	_ = 	snop  }
0x233: {  	[tilespmem:s18], [sflag:$0x1] =	stream.indirect_vreg.gather [hbm4b:s1+s0], $0x80, v8, vm0, $0xb8;
	[tilespmem:$0x1FD00] =	vst v63  }
0x234: {  	v8 =	vld [tilespmem:$0x3330];
	_ =	sdelay $0x4  }
0x235: {  	v9 =	vshll.u32 v8, $0x1  }
0x236: {  	v8 =	vand.u32 $0x7, v8;
	v9 =	vand.u32 $0xFFFFFFF0, v9  }
0x237: {  	v8 =	vor.u32 v8, v9  }
0x238: {  	v9 =	vperm.xlane v8, v3;
	_ =	sdelay $0x1  }
0x239: {  	v8 =	vperm.xlane v8, v5;
	v9 =	vadd.s32 v4, v9;
	_ =	sdelay $0x1  }
0x23a: {  	v8 =	vadd.s32 v4, v8;
	_ =	sdelay $0x2  }
0x23b: {  	[tilespmem:s19], [sflag:$0x1] =	stream.indirect_vreg.gather [hbm4b:s1+s0], $0x80, v9, vm0, $0xb8;
	[tilespmem:$0x1FD00] =	vst v63  }
0x23c: {  	_ = 	snop  }
0x23d: {  	[tilespmem:s20], [sflag:$0x1] =	stream.indirect_vreg.gather [hbm4b:s1+s0], $0x80, v8, vm0, $0xb8;
	[tilespmem:$0x1FD00] =	vst v63  }
0x23e: {  	v8 =	vld [tilespmem:$0x3340];
	_ =	sdelay $0x4  }
0x23f: {  	v9 =	vshll.u32 v8, $0x1  }
0x240: {  	v8 =	vand.u32 $0x7, v8;
	v9 =	vand.u32 $0xFFFFFFF0, v9  }
0x241: {  	v8 =	vor.u32 v8, v9  }
0x242: {  	v9 =	vperm.xlane v8, v3;
	_ =	sdelay $0x1  }
0x243: {  	v8 =	vperm.xlane v8, v5;
	v9 =	vadd.s32 v4, v9;
	_ =	sdelay $0x1  }
0x244: {  	v8 =	vadd.s32 v4, v8;
	_ =	sdelay $0x2  }
0x245: {  	[tilespmem:s21], [sflag:$0x1] =	stream.indirect_vreg.gather [hbm4b:s1+s0], $0x80, v9, vm0, $0xb8;
	[tilespmem:$0x1FD00] =	vst v63  }
0x246: {  	_ = 	snop  }
0x247: {  	[tilespmem:s22], [sflag:$0x1] =	stream.indirect_vreg.gather [hbm4b:s1+s0], $0x80, v8, vm0, $0xb8;
	[tilespmem:$0x1FD00] =	vst v63  }
0x248: {  	v8 =	vld [tilespmem:$0x3350];
	_ =	sdelay $0x4  }
0x249: {  	v9 =	vshll.u32 v8, $0x1  }
0x24a: {  	v8 =	vand.u32 $0x7, v8;
	v9 =	vand.u32 $0xFFFFFFF0, v9  }
0x24b: {  	v8 =	vor.u32 v8, v9  }
0x24c: {  	v9 =	vperm.xlane v8, v3;
	_ =	sdelay $0x1  }
0x24d: {  	v8 =	vperm.xlane v8, v5;
	v9 =	vadd.s32 v4, v9;
	_ =	sdelay $0x1  }
0x24e: {  	v8 =	vadd.s32 v4, v8;
	_ =	sdelay $0x2  }
0x24f: {  	[tilespmem:s23], [sflag:$0x1] =	stream.indirect_vreg.gather [hbm4b:s1+s0], $0x80, v9, vm0, $0xb8;
	[tilespmem:$0x1FD00] =	vst v63  }
0x250: {  	_ = 	snop  }
0x251: {  	[tilespmem:s24], [sflag:$0x1] =	stream.indirect_vreg.gather [hbm4b:s1+s0], $0x80, v8, vm0, $0xb8;
	[tilespmem:$0x1FD00] =	vst v63  }
0x252: {  	v8 =	vld [tilespmem:$0x3360];
	_ =	sdelay $0x4  }
0x253: {  	v9 =	vshll.u32 v8, $0x1  }
0x254: {  	v8 =	vand.u32 $0x7, v8;
	v9 =	vand.u32 $0xFFFFFFF0, v9  }
0x255: {  	v8 =	vor.u32 v8, v9  }
0x256: {  	v9 =	vperm.xlane v8, v3;
	_ =	sdelay $0x1  }
0x257: {  	v8 =	vperm.xlane v8, v5;
	v9 =	vadd.s32 v4, v9;
	_ =	sdelay $0x1  }
0x258: {  	v8 =	vadd.s32 v4, v8;
	_ =	sdelay $0x2  }
0x259: {  	[tilespmem:s25], [sflag:$0x1] =	stream.indirect_vreg.gather [hbm4b:s1+s0], $0x80, v9, vm0, $0xb8;
	[tilespmem:$0x1FD00] =	vst v63  }
0x25a: {  	_ = 	snop  }
0x25b: {  	[tilespmem:s26], [sflag:$0x1] =	stream.indirect_vreg.gather [hbm4b:s1+s0], $0x80, v8, vm0, $0xb8;
	[tilespmem:$0x1FD00] =	vst v63  }
0x25c: {  	v8 =	vld [tilespmem:$0x3370];
	_ =	sdelay $0x4  }
0x25d: {  	v9 =	vshll.u32 v8, $0x1  }
0x25e: {  	v8 =	vand.u32 $0x7, v8;
	v9 =	vand.u32 $0xFFFFFFF0, v9  }
0x25f: {  	v8 =	vor.u32 v8, v9  }
0x260: {  	v9 =	vperm.xlane v8, v3;
	_ =	sdelay $0x1  }
0x261: {  	v8 =	vperm.xlane v8, v5;
	v9 =	vadd.s32 v4, v9;
	_ =	sdelay $0x1  }
0x262: {  	v8 =	vadd.s32 v4, v8;
	_ =	sdelay $0x2  }
0x263: {  	[tilespmem:s28], [sflag:$0x1] =	stream.indirect_vreg.gather [hbm4b:s1+s0], $0x80, v9, vm0, $0xb8;
	[tilespmem:$0x1FD00] =	vst v63  }
0x264: {  	_ = 	snop  }
0x265: {  	[tilespmem:s29], [sflag:$0x1] =	stream.indirect_vreg.gather [hbm4b:s1+s0], $0x80, v8, vm0, $0xb8;
	[tilespmem:$0x1FD00] =	vst v63  }
0x266: {  	_ =	swait.ge [sflag:s30], $0x8000  }
0x267: {  	[sflag:s30] =	ssyncset.done $0x0  }
0x268: {  	s2 =	simm.s32 $0x3200;
	[sflag:s30] =	ssyncadd.s32 $0xFFFF8000  }
0x269: {  	v8 =	vld [tilespmem:s2+$0x0];
	_ =	sdelay $0x4  }
0x26a: {  	(v2sf) =	vpush v8, $0x0;
	_ =	sdelay $0xc  }
0x26b: {  	s11 =	sand.u32 $0x7800, s0;
	s3 =	sand.u32 $0x380, s0  }
0x26c: {  	s2 =	sor.u32 s3, s11  }
0x26d: {  	v8 =	vld [tilespmem:s2+$0x3380];
	s12 =	spop (v2sf)  }
0x26e: {  	s3 =	sshra.s32 s12, $0xE  }
0x26f: {  	s5 =	sshll.u32 s3, $0x8;
	s8 =	sshll.u32 s3, $0x7  }
0x270: {  	s5 =	sand.u32 $0xFFFFF800, s5;
	s8 =	sand.u32 $0x380, s8  }
0x271: {  	s5 =	sor.u32 s8, s5  }
0x272: {  	[tilespmem:s5+$0xB380] =	vst.add.f32.msk $0xffff, v8  }
0x273: {  	v8 =	vld [tilespmem:s2+$0x3390];
	_ =	sdelay $0x4  }
0x274: {  	[tilespmem:s5+$0xB390] =	vst.add.f32.msk $0xffff, v8  }
0x275: {  	v8 =	vld [tilespmem:s2+$0x33A0];
	_ =	sdelay $0x4  }
0x276: {  	[tilespmem:s5+$0xB3A0] =	vst.add.f32.msk $0xffff, v8  }
0x277: {  	v8 =	vld [tilespmem:s2+$0x33B0];
	_ =	sdelay $0x4  }
0x278: {  	[tilespmem:s5+$0xB3B0] =	vst.add.f32.msk $0xffff, v8  }
0x279: {  	v8 =	vld [tilespmem:s2+$0x33C0];
	_ =	sdelay $0x4  }
0x27a: {  	[tilespmem:s5+$0xB3C0] =	vst.add.f32.msk $0xffff, v8  }
0x27b: {  	v8 =	vld [tilespmem:s2+$0x33D0];
	_ =	sdelay $0x4  }
0x27c: {  	[tilespmem:s5+$0xB3D0] =	vst.add.f32.msk $0xffff, v8  }
0x27d: {  	v8 =	vld [tilespmem:s2+$0x33E0];
	_ =	sdelay $0x4  }
0x27e: {  	[tilespmem:s5+$0xB3E0] =	vst.add.f32.msk $0xffff, v8  }
0x27f: {  	v8 =	vld [tilespmem:s2+$0x33F0];
	_ =	sdelay $0x4  }
0x280: {  	[tilespmem:s5+$0xB3F0] =	vst.add.f32.msk $0xffff, v8  }
0x281: {  	v8 =	vld [tilespmem:s2+$0x3780];
	_ =	sdelay $0x4  }
0x282: {  	[tilespmem:s5+$0xB780] =	vst.add.f32.msk $0xffff, v8  }
0x283: {  	v8 =	vld [tilespmem:s2+$0x3790];
	_ =	sdelay $0x4  }
0x284: {  	[tilespmem:s5+$0xB790] =	vst.add.f32.msk $0xffff, v8  }
0x285: {  	v8 =	vld [tilespmem:s2+$0x37A0];
	_ =	sdelay $0x4  }
0x286: {  	[tilespmem:s5+$0xB7A0] =	vst.add.f32.msk $0xffff, v8  }
0x287: {  	v8 =	vld [tilespmem:s2+$0x37B0];
	_ =	sdelay $0x4  }
0x288: {  	[tilespmem:s5+$0xB7B0] =	vst.add.f32.msk $0xffff, v8  }
0x289: {  	v8 =	vld [tilespmem:s2+$0x37C0];
	_ =	sdelay $0x4  }
0x28a: {  	[tilespmem:s5+$0xB7C0] =	vst.add.f32.msk $0xffff, v8  }
0x28b: {  	v8 =	vld [tilespmem:s2+$0x37D0];
	_ =	sdelay $0x4  }
0x28c: {  	[tilespmem:s5+$0xB7D0] =	vst.add.f32.msk $0xffff, v8  }
0x28d: {  	v8 =	vld [tilespmem:s2+$0x37E0];
	_ =	sdelay $0x4  }
0x28e: {  	[tilespmem:s5+$0xB7E0] =	vst.add.f32.msk $0xffff, v8  }
0x28f: {  	v8 =	vld [tilespmem:s2+$0x37F0];
	_ =	sdelay $0x4  }
0x290: {  	[tilespmem:s5+$0xB7F0] =	vst.add.f32.msk $0xffff, v8  }
0x291: {  	s8 =	simm.s32 $0x3201;
	[tilespmem:s3+$0x1FB80] =	vst.add.s32.msk $0xffff, v6  }
0x292: {  	v8 =	vld [tilespmem:s8+$0x0]  }
0x293: {  	s11 =	simm.s32 $0x200;
	s2 =	simm.s32 $0x100  }
.LBB2_13:
0x294: {  	p0 =	sne.s32 s11, $0x7F00;
	_ =	sdelay $0x2  }
0x295: {  	(v2sf) =	vpush v8, $0x0;
	_ =	sdelay $0xb  }
0x296: {  	s0 =	sadd.s32 $0x80, s0  }
0x297: {  	s3 =	sand.u32 $0x7800, s2;
	s2 =	smov.u32 s11;
	s5 =	sand.u32 $0x380, s0  }
0x298: {  	s9 =	sor.u32 s5, s3  }
0x299: {  	v8 =	vld [tilespmem:s9+$0x3380];
	s3 =	spop (v2sf)  }
0x29a: {  	s3 =	sshra.s32 s3, $0xE  }
0x29b: {  	s5 =	sshll.u32 s3, $0x8;
	s10 =	sshll.u32 s3, $0x7  }
0x29c: {  	s5 =	sand.u32 $0xFFFFF800, s5;
	s10 =	sand.u32 $0x380, s10  }
0x29d: {  	s5 =	sor.u32 s10, s5  }
0x29e: {  	[tilespmem:s5+$0xB380] =	vst.add.f32.msk $0xffff, v8  }
0x29f: {  	v8 =	vld [tilespmem:s9+$0x3390];
	_ =	sdelay $0x4  }
0x2a0: {  	[tilespmem:s5+$0xB390] =	vst.add.f32.msk $0xffff, v8  }
0x2a1: {  	v8 =	vld [tilespmem:s9+$0x33A0];
	_ =	sdelay $0x4  }
0x2a2: {  	[tilespmem:s5+$0xB3A0] =	vst.add.f32.msk $0xffff, v8  }
0x2a3: {  	v8 =	vld [tilespmem:s9+$0x33B0];
	_ =	sdelay $0x4  }
0x2a4: {  	[tilespmem:s5+$0xB3B0] =	vst.add.f32.msk $0xffff, v8  }
0x2a5: {  	v8 =	vld [tilespmem:s9+$0x33C0];
	_ =	sdelay $0x4  }
0x2a6: {  	[tilespmem:s5+$0xB3C0] =	vst.add.f32.msk $0xffff, v8  }
0x2a7: {  	v8 =	vld [tilespmem:s9+$0x33D0];
	_ =	sdelay $0x4  }
0x2a8: {  	[tilespmem:s5+$0xB3D0] =	vst.add.f32.msk $0xffff, v8  }
0x2a9: {  	v8 =	vld [tilespmem:s9+$0x33E0];
	_ =	sdelay $0x4  }
0x2aa: {  	[tilespmem:s5+$0xB3E0] =	vst.add.f32.msk $0xffff, v8  }
0x2ab: {  	v8 =	vld [tilespmem:s9+$0x33F0];
	_ =	sdelay $0x4  }
0x2ac: {  	[tilespmem:s5+$0xB3F0] =	vst.add.f32.msk $0xffff, v8  }
0x2ad: {  	v8 =	vld [tilespmem:s9+$0x3780];
	_ =	sdelay $0x4  }
0x2ae: {  	[tilespmem:s5+$0xB780] =	vst.add.f32.msk $0xffff, v8  }
0x2af: {  	v8 =	vld [tilespmem:s9+$0x3790];
	_ =	sdelay $0x4  }
0x2b0: {  	[tilespmem:s5+$0xB790] =	vst.add.f32.msk $0xffff, v8  }
0x2b1: {  	v8 =	vld [tilespmem:s9+$0x37A0];
	_ =	sdelay $0x4  }
0x2b2: {  	[tilespmem:s5+$0xB7A0] =	vst.add.f32.msk $0xffff, v8  }
0x2b3: {  	v8 =	vld [tilespmem:s9+$0x37B0];
	_ =	sdelay $0x4  }
0x2b4: {  	[tilespmem:s5+$0xB7B0] =	vst.add.f32.msk $0xffff, v8  }
0x2b5: {  	v8 =	vld [tilespmem:s9+$0x37C0];
	_ =	sdelay $0x4  }
0x2b6: {  	[tilespmem:s5+$0xB7C0] =	vst.add.f32.msk $0xffff, v8  }
0x2b7: {  	v8 =	vld [tilespmem:s9+$0x37D0];
	_ =	sdelay $0x4  }
0x2b8: {  	[tilespmem:s5+$0xB7D0] =	vst.add.f32.msk $0xffff, v8  }
0x2b9: {  	v8 =	vld [tilespmem:s9+$0x37E0];
	_ =	sdelay $0x4  }
0x2ba: {  	[tilespmem:s5+$0xB7E0] =	vst.add.f32.msk $0xffff, v8  }
0x2bb: {  	v8 =	vld [tilespmem:s9+$0x37F0];
	_ =	sdelay $0x3  }
.Ltmp13:
0x2bc: {  	(pc) =	sbr.rel @p0 .LBB2_13-.Ltmp13, $4  }
0x2bd: {  	[tilespmem:s5+$0xB7F0] =	vst.add.f32.msk $0xffff, v8  }
0x2be: {  	s8 =	sadd.s32 $0x1, s8;
	[tilespmem:s3+$0x1FB80] =	vst.add.s32.msk $0xffff, v6  }
0x2bf: {  	v8 =	vld [tilespmem:s8+$0x0]  }
0x2c0: {  	s11 =	sadd.s32 $0x100, s11  }
.Ltmp14:
0x2c1: {  	_ = 	snop;
	(pc) =	sbr.rel .LBB2_14-.Ltmp14, $1  }
0x2c2: {  	_ =	sdelay $0x3  }
.LBB2_17:
0x2c3: {  	[tilespmem:s7+$0x3200] =	vst v7  }
0x2c4: {  	[tilespmem:s7+$0x3210] =	vst v7  }
0x2c5: {  	[tilespmem:s7+$0x3220] =	vst v7;
	p0 =	slt.s32 s7, $0x1  }
.Ltmp15:
0x2c6: {  	[tilespmem:s7+$0x3230] =	vst v7;
	(pc) =	sbr.rel @p0 .LBB2_21-.Ltmp15, $4  }
0x2c7: {  	[tilespmem:s7+$0x3240] =	vst v7  }
0x2c8: {  	[tilespmem:s7+$0x3250] =	vst v7  }
0x2c9: {  	[tilespmem:s7+$0x3260] =	vst v7  }
0x2ca: {  	[tilespmem:s7+$0x3270] =	vst v7;
	s4 =	rddreg [dreg:$0x8]  }
0x2cb: {  	v8 =	vld [tilespmem:$0x3200];
	_ =	sdelay $0x1  }
0x2cc: {  	v9 =	vld [tilespmem:$0x3210]  }
0x2cd: {  	v10 =	vld [tilespmem:$0x3220]  }
0x2ce: {  	v11 =	vld [tilespmem:$0x3230]  }
0x2cf: {  	v12 =	vld [tilespmem:$0x3240];
	v13 =	vshll.u32 v8, $0x1  }
0x2d0: {  	v15 =	vld [tilespmem:$0x3250];
	v14 =	vand.u32 $0x3FFF, v8;
	v8 =	vand.u32 $0x7, v8;
	v13 =	vand.u32 $0x7FF0, v13  }
0x2d1: {  	v63 =	vld [tilespmem:$0x3260];
	v9 =	vand.u32 $0x3FFF, v9;
	[tilespmem:$0x3300] =	vst v14;
	v8 =	vor.u32 v8, v13  }
0x2d2: {  	[tilespmem:$0x3310] =	vst v9;
	v9 =	vand.u32 $0x3FFF, v10;
	v10 =	vld [tilespmem:$0x3270];
	v13 =	vperm.xlane v8, v3  }
0x2d3: {  	[tilespmem:$0x3320] =	vst v9;
	v9 =	vand.u32 $0x3FFF, v11  }
0x2d4: {  	[tilespmem:$0x3330] =	vst v9;
	v9 =	vand.u32 $0x3FFF, v12;
	v8 =	vperm.xlane v8, v5;
	v11 =	vadd.s32 v4, v13  }
0x2d5: {  	[tilespmem:$0x3340] =	vst v9;
	v9 =	vand.u32 $0x3FFF, v15  }
0x2d6: {  	[tilespmem:$0x3350] =	vst v9;
	v9 =	vand.u32 $0x3FFF, v63;
	v8 =	vadd.s32 v4, v8  }
0x2d7: {  	[tilespmem:$0x3360] =	vst v9;
	v9 =	vand.u32 $0x3FFF, v10  }
0x2d8: {  	s0 =	simm.s32 $0x0;
	[tilespmem:$0x3370] =	vst v9  }
0x2d9: {  	[tilespmem:s13], [sflag:$0x1] =	stream.indirect_vreg.gather [hbm4b:s1+s0], $0x80, v11, vm0, $0xb8;
	[tilespmem:$0x1FD00] =	vst v63  }
0x2da: {  	_ = 	snop  }
0x2db: {  	[tilespmem:s14], [sflag:$0x1] =	stream.indirect_vreg.gather [hbm4b:s1+s0], $0x80, v8, vm0, $0xb8;
	[tilespmem:$0x1FD00] =	vst v63  }
0x2dc: {  	v8 =	vld [tilespmem:$0x3310];
	_ =	sdelay $0x4  }
0x2dd: {  	v9 =	vshll.u32 v8, $0x1  }
0x2de: {  	v8 =	vand.u32 $0x7, v8;
	v9 =	vand.u32 $0xFFFFFFF0, v9  }
0x2df: {  	v8 =	vor.u32 v8, v9  }
0x2e0: {  	v9 =	vperm.xlane v8, v3;
	_ =	sdelay $0x1  }
0x2e1: {  	v8 =	vperm.xlane v8, v5;
	v9 =	vadd.s32 v4, v9;
	_ =	sdelay $0x1  }
0x2e2: {  	v8 =	vadd.s32 v4, v8;
	_ =	sdelay $0x2  }
0x2e3: {  	[tilespmem:s15], [sflag:$0x1] =	stream.indirect_vreg.gather [hbm4b:s1+s0], $0x80, v9, vm0, $0xb8;
	[tilespmem:$0x1FD00] =	vst v63  }
0x2e4: {  	_ = 	snop  }
0x2e5: {  	[tilespmem:s16], [sflag:$0x1] =	stream.indirect_vreg.gather [hbm4b:s1+s0], $0x80, v8, vm0, $0xb8;
	[tilespmem:$0x1FD00] =	vst v63  }
0x2e6: {  	v8 =	vld [tilespmem:$0x3320];
	_ =	sdelay $0x4  }
0x2e7: {  	v9 =	vshll.u32 v8, $0x1  }
0x2e8: {  	v8 =	vand.u32 $0x7, v8;
	v9 =	vand.u32 $0xFFFFFFF0, v9  }
0x2e9: {  	v8 =	vor.u32 v8, v9  }
0x2ea: {  	v9 =	vperm.xlane v8, v3;
	_ =	sdelay $0x1  }
0x2eb: {  	v8 =	vperm.xlane v8, v5;
	v9 =	vadd.s32 v4, v9;
	_ =	sdelay $0x1  }
0x2ec: {  	v8 =	vadd.s32 v4, v8;
	_ =	sdelay $0x2  }
0x2ed: {  	[tilespmem:s17], [sflag:$0x1] =	stream.indirect_vreg.gather [hbm4b:s1+s0], $0x80, v9, vm0, $0xb8;
	[tilespmem:$0x1FD00] =	vst v63  }
0x2ee: {  	_ = 	snop  }
0x2ef: {  	[tilespmem:s18], [sflag:$0x1] =	stream.indirect_vreg.gather [hbm4b:s1+s0], $0x80, v8, vm0, $0xb8;
	[tilespmem:$0x1FD00] =	vst v63  }
0x2f0: {  	v8 =	vld [tilespmem:$0x3330];
	_ =	sdelay $0x4  }
0x2f1: {  	v9 =	vshll.u32 v8, $0x1  }
0x2f2: {  	v8 =	vand.u32 $0x7, v8;
	v9 =	vand.u32 $0xFFFFFFF0, v9  }
0x2f3: {  	v8 =	vor.u32 v8, v9  }
0x2f4: {  	v9 =	vperm.xlane v8, v3;
	_ =	sdelay $0x1  }
0x2f5: {  	v8 =	vperm.xlane v8, v5;
	v9 =	vadd.s32 v4, v9;
	_ =	sdelay $0x1  }
0x2f6: {  	v8 =	vadd.s32 v4, v8;
	_ =	sdelay $0x2  }
0x2f7: {  	[tilespmem:s19], [sflag:$0x1] =	stream.indirect_vreg.gather [hbm4b:s1+s0], $0x80, v9, vm0, $0xb8;
	[tilespmem:$0x1FD00] =	vst v63  }
0x2f8: {  	_ = 	snop  }
0x2f9: {  	[tilespmem:s20], [sflag:$0x1] =	stream.indirect_vreg.gather [hbm4b:s1+s0], $0x80, v8, vm0, $0xb8;
	[tilespmem:$0x1FD00] =	vst v63  }
0x2fa: {  	v8 =	vld [tilespmem:$0x3340];
	_ =	sdelay $0x4  }
0x2fb: {  	v9 =	vshll.u32 v8, $0x1  }
0x2fc: {  	v8 =	vand.u32 $0x7, v8;
	v9 =	vand.u32 $0xFFFFFFF0, v9  }
0x2fd: {  	v8 =	vor.u32 v8, v9  }
0x2fe: {  	v9 =	vperm.xlane v8, v3;
	_ =	sdelay $0x1  }
0x2ff: {  	v8 =	vperm.xlane v8, v5;
	v9 =	vadd.s32 v4, v9;
	_ =	sdelay $0x1  }
0x300: {  	v8 =	vadd.s32 v4, v8;
	_ =	sdelay $0x2  }
0x301: {  	[tilespmem:s21], [sflag:$0x1] =	stream.indirect_vreg.gather [hbm4b:s1+s0], $0x80, v9, vm0, $0xb8;
	[tilespmem:$0x1FD00] =	vst v63  }
0x302: {  	_ = 	snop  }
0x303: {  	[tilespmem:s22], [sflag:$0x1] =	stream.indirect_vreg.gather [hbm4b:s1+s0], $0x80, v8, vm0, $0xb8;
	[tilespmem:$0x1FD00] =	vst v63  }
0x304: {  	v8 =	vld [tilespmem:$0x3350];
	_ =	sdelay $0x4  }
0x305: {  	v9 =	vshll.u32 v8, $0x1  }
0x306: {  	v8 =	vand.u32 $0x7, v8;
	v9 =	vand.u32 $0xFFFFFFF0, v9  }
0x307: {  	v8 =	vor.u32 v8, v9  }
0x308: {  	v9 =	vperm.xlane v8, v3;
	_ =	sdelay $0x1  }
0x309: {  	v8 =	vperm.xlane v8, v5;
	v9 =	vadd.s32 v4, v9;
	_ =	sdelay $0x1  }
0x30a: {  	v8 =	vadd.s32 v4, v8;
	_ =	sdelay $0x2  }
0x30b: {  	[tilespmem:s23], [sflag:$0x1] =	stream.indirect_vreg.gather [hbm4b:s1+s0], $0x80, v9, vm0, $0xb8;
	[tilespmem:$0x1FD00] =	vst v63  }
0x30c: {  	_ = 	snop  }
0x30d: {  	[tilespmem:s24], [sflag:$0x1] =	stream.indirect_vreg.gather [hbm4b:s1+s0], $0x80, v8, vm0, $0xb8;
	[tilespmem:$0x1FD00] =	vst v63  }
0x30e: {  	v8 =	vld [tilespmem:$0x3360];
	_ =	sdelay $0x4  }
0x30f: {  	v9 =	vshll.u32 v8, $0x1  }
0x310: {  	v8 =	vand.u32 $0x7, v8;
	v9 =	vand.u32 $0xFFFFFFF0, v9  }
0x311: {  	v8 =	vor.u32 v8, v9  }
0x312: {  	v9 =	vperm.xlane v8, v3;
	_ =	sdelay $0x1  }
0x313: {  	v8 =	vperm.xlane v8, v5;
	v9 =	vadd.s32 v4, v9;
	_ =	sdelay $0x1  }
0x314: {  	v8 =	vadd.s32 v4, v8;
	_ =	sdelay $0x2  }
0x315: {  	[tilespmem:s25], [sflag:$0x1] =	stream.indirect_vreg.gather [hbm4b:s1+s0], $0x80, v9, vm0, $0xb8;
	[tilespmem:$0x1FD00] =	vst v63  }
0x316: {  	_ = 	snop  }
0x317: {  	[tilespmem:s26], [sflag:$0x1] =	stream.indirect_vreg.gather [hbm4b:s1+s0], $0x80, v8, vm0, $0xb8;
	[tilespmem:$0x1FD00] =	vst v63  }
0x318: {  	v8 =	vld [tilespmem:$0x3370];
	_ =	sdelay $0x4  }
0x319: {  	v9 =	vshll.u32 v8, $0x1  }
0x31a: {  	v8 =	vand.u32 $0x7, v8;
	v9 =	vand.u32 $0xFFFFFFF0, v9  }
0x31b: {  	v8 =	vor.u32 v8, v9  }
0x31c: {  	v9 =	vperm.xlane v8, v3;
	_ =	sdelay $0x1  }
0x31d: {  	v8 =	vperm.xlane v8, v5;
	v9 =	vadd.s32 v4, v9;
	_ =	sdelay $0x1  }
0x31e: {  	v8 =	vadd.s32 v4, v8;
	_ =	sdelay $0x2  }
0x31f: {  	[tilespmem:s28], [sflag:$0x1] =	stream.indirect_vreg.gather [hbm4b:s1+s0], $0x80, v9, vm0, $0xb8;
	[tilespmem:$0x1FD00] =	vst v63  }
0x320: {  	_ = 	snop  }
0x321: {  	[tilespmem:s29], [sflag:$0x1] =	stream.indirect_vreg.gather [hbm4b:s1+s0], $0x80, v8, vm0, $0xb8;
	[tilespmem:$0x1FD00] =	vst v63  }
0x322: {  	_ =	swait.ge [sflag:s30], $0x8000  }
0x323: {  	[sflag:s30] =	ssyncset.done $0x0  }
0x324: {  	s2 =	simm.s32 $0x3200;
	[sflag:s30] =	ssyncadd.s32 $0xFFFF8000  }
0x325: {  	v8 =	vld [tilespmem:s2+$0x0];
	_ =	sdelay $0x4  }
0x326: {  	(v2sf) =	vpush v8, $0x0;
	_ =	sdelay $0xc  }
0x327: {  	s11 =	sand.u32 $0x7800, s0;
	s3 =	sand.u32 $0x380, s0  }
0x328: {  	s2 =	sor.u32 s3, s11  }
0x329: {  	v8 =	vld [tilespmem:s2+$0x3380];
	s12 =	spop (v2sf)  }
0x32a: {  	s3 =	sshra.s32 s12, $0xE  }
0x32b: {  	s4 =	sshll.u32 s3, $0x8;
	s5 =	sshll.u32 s3, $0x7  }
0x32c: {  	s4 =	sand.u32 $0xFFFFF800, s4;
	s5 =	sand.u32 $0x380, s5  }
0x32d: {  	s4 =	sor.u32 s5, s4  }
0x32e: {  	[tilespmem:s4+$0xB380] =	vst.add.f32.msk $0xffff, v8  }
0x32f: {  	v8 =	vld [tilespmem:s2+$0x3390];
	_ =	sdelay $0x4  }
0x330: {  	[tilespmem:s4+$0xB390] =	vst.add.f32.msk $0xffff, v8  }
0x331: {  	v8 =	vld [tilespmem:s2+$0x33A0];
	_ =	sdelay $0x4  }
0x332: {  	[tilespmem:s4+$0xB3A0] =	vst.add.f32.msk $0xffff, v8  }
0x333: {  	v8 =	vld [tilespmem:s2+$0x33B0];
	_ =	sdelay $0x4  }
0x334: {  	[tilespmem:s4+$0xB3B0] =	vst.add.f32.msk $0xffff, v8  }
0x335: {  	v8 =	vld [tilespmem:s2+$0x33C0];
	_ =	sdelay $0x4  }
0x336: {  	[tilespmem:s4+$0xB3C0] =	vst.add.f32.msk $0xffff, v8  }
0x337: {  	v8 =	vld [tilespmem:s2+$0x33D0];
	_ =	sdelay $0x4  }
0x338: {  	[tilespmem:s4+$0xB3D0] =	vst.add.f32.msk $0xffff, v8  }
0x339: {  	v8 =	vld [tilespmem:s2+$0x33E0];
	_ =	sdelay $0x4  }
0x33a: {  	[tilespmem:s4+$0xB3E0] =	vst.add.f32.msk $0xffff, v8  }
0x33b: {  	v8 =	vld [tilespmem:s2+$0x33F0];
	_ =	sdelay $0x4  }
0x33c: {  	[tilespmem:s4+$0xB3F0] =	vst.add.f32.msk $0xffff, v8  }
0x33d: {  	v8 =	vld [tilespmem:s2+$0x3780];
	_ =	sdelay $0x4  }
0x33e: {  	[tilespmem:s4+$0xB780] =	vst.add.f32.msk $0xffff, v8  }
0x33f: {  	v8 =	vld [tilespmem:s2+$0x3790];
	_ =	sdelay $0x4  }
0x340: {  	[tilespmem:s4+$0xB790] =	vst.add.f32.msk $0xffff, v8  }
0x341: {  	v8 =	vld [tilespmem:s2+$0x37A0];
	_ =	sdelay $0x4  }
0x342: {  	[tilespmem:s4+$0xB7A0] =	vst.add.f32.msk $0xffff, v8  }
0x343: {  	v8 =	vld [tilespmem:s2+$0x37B0];
	_ =	sdelay $0x4  }
0x344: {  	[tilespmem:s4+$0xB7B0] =	vst.add.f32.msk $0xffff, v8  }
0x345: {  	v8 =	vld [tilespmem:s2+$0x37C0];
	_ =	sdelay $0x4  }
0x346: {  	[tilespmem:s4+$0xB7C0] =	vst.add.f32.msk $0xffff, v8  }
0x347: {  	v8 =	vld [tilespmem:s2+$0x37D0];
	_ =	sdelay $0x4  }
0x348: {  	[tilespmem:s4+$0xB7D0] =	vst.add.f32.msk $0xffff, v8  }
0x349: {  	v8 =	vld [tilespmem:s2+$0x37E0];
	_ =	sdelay $0x4  }
0x34a: {  	[tilespmem:s4+$0xB7E0] =	vst.add.f32.msk $0xffff, v8  }
0x34b: {  	v8 =	vld [tilespmem:s2+$0x37F0];
	_ =	sdelay $0x4  }
0x34c: {  	[tilespmem:s4+$0xB7F0] =	vst.add.f32.msk $0xffff, v8  }
0x34d: {  	s4 =	simm.s32 $0x3201;
	[tilespmem:s3+$0x1FB80] =	vst.add.s32.msk $0xffff, v6  }
0x34e: {  	v8 =	vld [tilespmem:s4+$0x0]  }
0x34f: {  	s6 =	simm.s32 $0x200;
	s2 =	simm.s32 $0x100  }
.LBB2_19:
0x350: {  	p0 =	sne.s32 s6, $0x7F00;
	_ =	sdelay $0x2  }
0x351: {  	(v2sf) =	vpush v8, $0x0;
	_ =	sdelay $0xb  }
0x352: {  	s0 =	sadd.s32 $0x80, s0  }
0x353: {  	s3 =	sand.u32 $0x7800, s2;
	s2 =	smov.u32 s6;
	s5 =	sand.u32 $0x380, s0  }
0x354: {  	s7 =	sor.u32 s5, s3  }
0x355: {  	v8 =	vld [tilespmem:s7+$0x3380];
	s3 =	spop (v2sf)  }
0x356: {  	s3 =	sshra.s32 s3, $0xE  }
0x357: {  	s5 =	sshll.u32 s3, $0x8;
	s8 =	sshll.u32 s3, $0x7  }
0x358: {  	s5 =	sand.u32 $0xFFFFF800, s5;
	s8 =	sand.u32 $0x380, s8  }
0x359: {  	s5 =	sor.u32 s8, s5  }
0x35a: {  	[tilespmem:s5+$0xB380] =	vst.add.f32.msk $0xffff, v8  }
0x35b: {  	v8 =	vld [tilespmem:s7+$0x3390];
	_ =	sdelay $0x4  }
0x35c: {  	[tilespmem:s5+$0xB390] =	vst.add.f32.msk $0xffff, v8  }
0x35d: {  	v8 =	vld [tilespmem:s7+$0x33A0];
	_ =	sdelay $0x4  }
0x35e: {  	[tilespmem:s5+$0xB3A0] =	vst.add.f32.msk $0xffff, v8  }
0x35f: {  	v8 =	vld [tilespmem:s7+$0x33B0];
	_ =	sdelay $0x4  }
0x360: {  	[tilespmem:s5+$0xB3B0] =	vst.add.f32.msk $0xffff, v8  }
0x361: {  	v8 =	vld [tilespmem:s7+$0x33C0];
	_ =	sdelay $0x4  }
0x362: {  	[tilespmem:s5+$0xB3C0] =	vst.add.f32.msk $0xffff, v8  }
0x363: {  	v8 =	vld [tilespmem:s7+$0x33D0];
	_ =	sdelay $0x4  }
0x364: {  	[tilespmem:s5+$0xB3D0] =	vst.add.f32.msk $0xffff, v8  }
0x365: {  	v8 =	vld [tilespmem:s7+$0x33E0];
	_ =	sdelay $0x4  }
0x366: {  	[tilespmem:s5+$0xB3E0] =	vst.add.f32.msk $0xffff, v8  }
0x367: {  	v8 =	vld [tilespmem:s7+$0x33F0];
	_ =	sdelay $0x4  }
0x368: {  	[tilespmem:s5+$0xB3F0] =	vst.add.f32.msk $0xffff, v8  }
0x369: {  	v8 =	vld [tilespmem:s7+$0x3780];
	_ =	sdelay $0x4  }
0x36a: {  	[tilespmem:s5+$0xB780] =	vst.add.f32.msk $0xffff, v8  }
0x36b: {  	v8 =	vld [tilespmem:s7+$0x3790];
	_ =	sdelay $0x4  }
0x36c: {  	[tilespmem:s5+$0xB790] =	vst.add.f32.msk $0xffff, v8  }
0x36d: {  	v8 =	vld [tilespmem:s7+$0x37A0];
	_ =	sdelay $0x4  }
0x36e: {  	[tilespmem:s5+$0xB7A0] =	vst.add.f32.msk $0xffff, v8  }
0x36f: {  	v8 =	vld [tilespmem:s7+$0x37B0];
	_ =	sdelay $0x4  }
0x370: {  	[tilespmem:s5+$0xB7B0] =	vst.add.f32.msk $0xffff, v8  }
0x371: {  	v8 =	vld [tilespmem:s7+$0x37C0];
	_ =	sdelay $0x4  }
0x372: {  	[tilespmem:s5+$0xB7C0] =	vst.add.f32.msk $0xffff, v8  }
0x373: {  	v8 =	vld [tilespmem:s7+$0x37D0];
	_ =	sdelay $0x4  }
0x374: {  	[tilespmem:s5+$0xB7D0] =	vst.add.f32.msk $0xffff, v8  }
0x375: {  	v8 =	vld [tilespmem:s7+$0x37E0];
	_ =	sdelay $0x4  }
0x376: {  	[tilespmem:s5+$0xB7E0] =	vst.add.f32.msk $0xffff, v8  }
0x377: {  	v8 =	vld [tilespmem:s7+$0x37F0];
	_ =	sdelay $0x3  }
.Ltmp16:
0x378: {  	(pc) =	sbr.rel @p0 .LBB2_19-.Ltmp16, $4  }
0x379: {  	[tilespmem:s5+$0xB7F0] =	vst.add.f32.msk $0xffff, v8  }
0x37a: {  	s4 =	sadd.s32 $0x1, s4;
	[tilespmem:s3+$0x1FB80] =	vst.add.s32.msk $0xffff, v6  }
0x37b: {  	v8 =	vld [tilespmem:s4+$0x0]  }
0x37c: {  	s6 =	sadd.s32 $0x100, s6  }
0x37d: {  	_ =	sdelay $0x2  }
0x37e: {  	(v2sf) =	vpush v8, $0x0;
	_ =	sdelay $0xb  }
0x37f: {  	s0 =	sadd.s32 $0x80, s0  }
0x380: {  	s2 =	sand.u32 $0x7800, s2;
	s0 =	sand.u32 $0x380, s0  }
0x381: {  	s0 =	sor.u32 s0, s2  }
0x382: {  	v8 =	vld [tilespmem:s0+$0x3380];
	s12 =	spop (v2sf)  }
0x383: {  	s2 =	sshra.s32 s12, $0xE  }
0x384: {  	s3 =	sshll.u32 s2, $0x8;
	s4 =	sshll.u32 s2, $0x7  }
0x385: {  	s3 =	sand.u32 $0xFFFFF800, s3;
	s4 =	sand.u32 $0x380, s4  }
0x386: {  	s3 =	sor.u32 s4, s3  }
0x387: {  	[tilespmem:s3+$0xB380] =	vst.add.f32.msk $0xffff, v8  }
0x388: {  	v8 =	vld [tilespmem:s0+$0x3390];
	_ =	sdelay $0x4  }
0x389: {  	[tilespmem:s3+$0xB390] =	vst.add.f32.msk $0xffff, v8  }
0x38a: {  	v8 =	vld [tilespmem:s0+$0x33A0];
	_ =	sdelay $0x4  }
0x38b: {  	[tilespmem:s3+$0xB3A0] =	vst.add.f32.msk $0xffff, v8  }
0x38c: {  	v8 =	vld [tilespmem:s0+$0x33B0];
	_ =	sdelay $0x4  }
0x38d: {  	[tilespmem:s3+$0xB3B0] =	vst.add.f32.msk $0xffff, v8  }
0x38e: {  	v8 =	vld [tilespmem:s0+$0x33C0];
	_ =	sdelay $0x4  }
0x38f: {  	[tilespmem:s3+$0xB3C0] =	vst.add.f32.msk $0xffff, v8  }
0x390: {  	v8 =	vld [tilespmem:s0+$0x33D0];
	_ =	sdelay $0x4  }
0x391: {  	[tilespmem:s3+$0xB3D0] =	vst.add.f32.msk $0xffff, v8  }
0x392: {  	v8 =	vld [tilespmem:s0+$0x33E0];
	_ =	sdelay $0x4  }
0x393: {  	[tilespmem:s3+$0xB3E0] =	vst.add.f32.msk $0xffff, v8  }
0x394: {  	v8 =	vld [tilespmem:s0+$0x33F0];
	_ =	sdelay $0x4  }
0x395: {  	[tilespmem:s3+$0xB3F0] =	vst.add.f32.msk $0xffff, v8  }
0x396: {  	v8 =	vld [tilespmem:s0+$0x3780];
	_ =	sdelay $0x4  }
0x397: {  	[tilespmem:s3+$0xB780] =	vst.add.f32.msk $0xffff, v8  }
0x398: {  	v8 =	vld [tilespmem:s0+$0x3790];
	_ =	sdelay $0x4  }
0x399: {  	[tilespmem:s3+$0xB790] =	vst.add.f32.msk $0xffff, v8  }
0x39a: {  	v8 =	vld [tilespmem:s0+$0x37A0];
	_ =	sdelay $0x4  }
0x39b: {  	[tilespmem:s3+$0xB7A0] =	vst.add.f32.msk $0xffff, v8  }
0x39c: {  	v8 =	vld [tilespmem:s0+$0x37B0];
	_ =	sdelay $0x4  }
0x39d: {  	[tilespmem:s3+$0xB7B0] =	vst.add.f32.msk $0xffff, v8  }
0x39e: {  	v8 =	vld [tilespmem:s0+$0x37C0];
	_ =	sdelay $0x4  }
0x39f: {  	[tilespmem:s3+$0xB7C0] =	vst.add.f32.msk $0xffff, v8  }
0x3a0: {  	v8 =	vld [tilespmem:s0+$0x37D0];
	_ =	sdelay $0x4  }
0x3a1: {  	[tilespmem:s3+$0xB7D0] =	vst.add.f32.msk $0xffff, v8  }
0x3a2: {  	v8 =	vld [tilespmem:s0+$0x37E0];
	_ =	sdelay $0x4  }
0x3a3: {  	[tilespmem:s3+$0xB7E0] =	vst.add.f32.msk $0xffff, v8  }
0x3a4: {  	v8 =	vld [tilespmem:s0+$0x37F0];
	_ =	sdelay $0x1  }
.Ltmp17:
0x3a5: {  	_ = 	snop;
	(pc) =	sbr.rel .LBB2_21-.Ltmp17, $3  }
0x3a6: {  	_ =	sdelay $0x1  }
0x3a7: {  	[tilespmem:s3+$0xB7F0] =	vst.add.f32.msk $0xffff, v8  }
0x3a8: {  	s4 =	rddreg [dreg:$0x8];
	[tilespmem:s2+$0x1FB80] =	vst.add.s32.msk $0xffff, v6  }
.LBB2_22:
0x3a9: {  	_ =	sfence.sel $0x180000  }
0x3aa: {  	[bflag:$0x0] =	sbarrier.arrive $0xFFFF  }
0x3ab: {  	_ =	strace $0x90000047  }
0x3ac: {  	s0 =	stileid.u32;
	[bflag:$0x2] =	sbarrier.arrive $0xFFFF  }
0x3ad: {  	p0 =	sne.s32 s0, $0x0;
	s0 =	rddreg [dreg:$0x3]  }
0x3ae: {  	s0 =	sadd.s32 @!p0 $0x100000, s0  }
0x3af: {  	[sflag:s0] =	ssyncadd.tile.s32 @!p0 $0x1;
	_ =	shalt  }
.Lfunc_end2:
_tile_overlayer_lowered:
.L_overlay_start_2:
0x3b0: {  	(tag) =	ssettag $0x2  }
0x3b1: {  	s0 =	rddreg [dreg:$0x0];
	s2 =	stileid.u32  }
0x3b2: {  	s1 =	rddreg [dreg:$0x1];
	p0 =	sne.s32 s2, $0x0  }
0x3b3: {  	s3 =	rddreg [dreg:$0x2];
	[bflag:$0x3] =	sbarrier.arrive $0xFFFF;
	s2 =	simm.s32 @!p0 $0x1C04  }
0x3b4: {  	[timem:s3], [sflag:s2] =	dma.local @!p0 [hbm:s0], s1  }
0x3b5: {  	s0 =	simm.s32 @!p0 $0x4  }
0x3b6: {  	_ =	swait.ge @!p0 [sflag:s0], s1  }
0x3b7: {  	s1 =	ssub.s32 @!p0 $0x0, s1;
	[sflag:s0] =	ssyncset.done @!p0 $0x0  }
0x3b8: {  	[sflag:s0] =	ssyncadd.s32 @!p0 s1  }
0x3b9: {  	[bflag:$0x3] =	sbarrier.arrive $0xFFFF  }
0x3ba: {  	_ =	shalt  }

</sc_bundles>
